<compile_context>
chip_gen: v7x
topology: tpu7x:2x2x1
jax: 0.10.2.dev20260603
libtpu: 0.0.44.dev20260713+nightly
codegen_flags: <defaults>
</compile_context>

<pallas_src>
import jax
import jax.numpy as jnp
from jax import lax
from jax.experimental import pallas as pl
from jax.experimental.pallas import tpu as pltpu
from jax.experimental.pallas import tpu_sc as plsc

N = 10000
D = 128
R = 4
CHUNK = 64
NCHUNK = D // CHUNK
NC, NS = 2, 16
BI = 128
KB = 3
EB = KB * BI
BN_EPS = 1e-5
RN = R * N
RD = 320
NRD = -(-RN // RD)
XS = N // NS


def _sc_body(x_all, idx_all, zeros, out, acc, x_s, iA, iB, rowsA, rowsB,
             semgA, semgB, semsA, semsB):
    core = lax.axis_index("c")
    sub = lax.axis_index("s")
    n_rows = idx_all.shape[0] // NS
    rbase = sub * n_rows

    chunk = core
    pltpu.sync_copy(x_all.at[pl.ds(chunk * N + sub * XS, XS)],
                    x_s.at[pl.ds(sub * XS, XS)])
    pltpu.sync_copy(zeros, rowsA.at[pl.ds(0, RD)])
    for k in range(-(-NRD // NS)):
        cid = sub + NS * k

        @pl.when(cid < NRD)
        def _():
            pltpu.sync_copy(rowsA.at[pl.ds(0, RD)], acc.at[pl.ds(cid * RD, RD)])

    plsc.subcore_barrier()

    gA = [pltpu.make_async_copy(
        x_s.at[iA.at[j, 0]], rowsA.at[pl.ds(j * BI, BI)], semgA)
        for j in range(KB)]
    gB = [pltpu.make_async_copy(
        x_s.at[iB.at[j, 0]], rowsB.at[pl.ds(j * BI, BI)], semgB)
        for j in range(KB)]
    H = n_rows // (2 * KB)

    pltpu.sync_copy(idx_all.at[pl.ds(rbase, KB)], iA)
    for cp in gA:
        cp.start()

    def body(h, carry):
        pltpu.sync_copy(idx_all.at[pl.ds(rbase + (2 * h + 1) * KB, KB)], iB)
        for cp in gB:
            cp.start()
        sA = []
        for j in range(KB):
            gA[j].wait()
            sA.append(pltpu.async_copy(
                rowsA.at[pl.ds(j * BI, BI)], acc.at[iA.at[j, 1]], semsA,
                add=True))
        for cp in sA:
            cp.wait()

        @pl.when(h < H - 1)
        def _():
            pltpu.sync_copy(
                idx_all.at[pl.ds(rbase + (2 * h + 2) * KB, KB)], iA)
            for cp in gA:
                cp.start()

        sB = []
        for j in range(KB):
            gB[j].wait()
            sB.append(pltpu.async_copy(
                rowsB.at[pl.ds(j * BI, BI)], acc.at[iB.at[j, 1]], semsB,
                add=True))
        for cp in sB:
            cp.wait()
        return carry

    lax.fori_loop(0, H, body, 0)
    plsc.subcore_barrier()
    for k in range(-(-NRD // NS)):
        cid = sub + NS * k

        @pl.when(cid < NRD)
        def _():
            r0 = cid * RD
            pltpu.sync_copy(acc.at[pl.ds(r0, RD)], rowsA.at[pl.ds(0, RD)])
            pltpu.sync_copy(rowsA.at[pl.ds(0, RD)], out.at[chunk, pl.ds(r0, RD)])


def _sc_aggregate(x_all, idx_all, zeros):
    mesh = plsc.VectorSubcoreMesh(
        core_axis_name="c", subcore_axis_name="s", num_cores=NC,
        num_subcores=NS)
    f = pl.kernel(
        _sc_body,
        out_type=jax.ShapeDtypeStruct((NCHUNK, RN, CHUNK), jnp.bfloat16),
        mesh=mesh,
        scratch_types=[
            pltpu.VMEM_SHARED((RN + 8, CHUNK), jnp.bfloat16),
            pltpu.VMEM_SHARED((N, CHUNK), jnp.bfloat16),
            pltpu.VMEM((KB, 2, BI), jnp.int32),
            pltpu.VMEM((KB, 2, BI), jnp.int32),
            pltpu.VMEM((EB, CHUNK), jnp.bfloat16),
            pltpu.VMEM((EB, CHUNK), jnp.bfloat16),
            pltpu.SemaphoreType.DMA,
            pltpu.SemaphoreType.DMA,
            pltpu.SemaphoreType.DMA,
            pltpu.SemaphoreType.DMA,
        ],
        compiler_params=pltpu.CompilerParams(use_tc_tiling_on_sc=False),
    )
    return f(x_all, idx_all, zeros)


def _mlp1_body(x_ref, agg_ref, w_ref, b_ref, h1_ref, s1_ref, s2_ref):
    nb = pl.program_id(1)
    h = x_ref[...] + jnp.concatenate(
        [agg_ref[c, 0] for c in range(NCHUNK)], axis=1).astype(jnp.float32)
    h1 = jnp.dot(h, w_ref[0], precision=lax.Precision.DEFAULT) + b_ref[0, 0]
    h1_ref[0] = h1.astype(jnp.bfloat16)

    @pl.when(nb == 0)
    def _():
        s1_ref[...] = jnp.zeros_like(s1_ref)
        s2_ref[...] = jnp.zeros_like(s2_ref)

    s1_ref[0] += jnp.sum(h1, axis=0, keepdims=True)
    s2_ref[0] += jnp.sum(h1 * h1, axis=0, keepdims=True)


def _mlp2_body(x_ref, h1_ref, wst_ref, w2t_ref, s1_ref, s2_ref, g_ref,
               be_ref, bias_ref, o_ref):
    acc = jnp.dot(x_ref[...], wst_ref[...],
                  precision=lax.Precision.DEFAULT) + bias_ref[...]
    for r in range(R):
        mean = s1_ref[r, 0] / N
        var = s2_ref[r, 0] / N - mean * mean
        a = g_ref[r] * lax.rsqrt(var + BN_EPS)
        c = be_ref[r] - mean * a
        g = jnp.maximum(h1_ref[r].astype(jnp.float32) * a + c, 0.0)
        acc += jnp.dot(g, w2t_ref[r], precision=lax.Precision.DEFAULT)
    o_ref[...] = acc


def kernel(x, edge_index, edge_type, W_self, b_self, W1, b1, gamma, beta,
           W2, b2):
    E = edge_index.shape[1]
    row = edge_index[0].astype(jnp.int32)
    col = edge_index[1].astype(jnp.int32)
    et = edge_type.astype(jnp.int32)

    block = NS * 2 * EB
    e_pad = ((E + block - 1) // block) * block
    pad = e_pad - E
    col_p = jnp.concatenate([col, jnp.zeros((pad,), jnp.int32)])
    d_p = jnp.concatenate([et * N + row, jnp.full((pad,), RN, jnp.int32)])
    idx_all = jnp.concatenate([col_p.reshape(e_pad // BI, 1, BI),
                               d_p.reshape(e_pad // BI, 1, BI)], axis=1)
    x_all = x.astype(jnp.bfloat16).reshape(N, NCHUNK, CHUNK).transpose(
        1, 0, 2).reshape(NCHUNK * N, CHUNK)
    zeros = jnp.zeros((RD, CHUNK), jnp.bfloat16)

    aggc = _sc_aggregate(x_all, idx_all, zeros)
    agg = aggc.reshape(NCHUNK, R, N, CHUNK)

    BN = 2000
    nb_grid = N // BN
    W1T = W1.transpose(0, 2, 1)
    h1, s1, s2 = pl.pallas_call(
        _mlp1_body,
        grid=(R, nb_grid),
        in_specs=[
            pl.BlockSpec((BN, D), lambda r, nb: (nb, 0)),
            pl.BlockSpec((NCHUNK, 1, BN, CHUNK), lambda r, nb: (0, r, nb, 0)),
            pl.BlockSpec((1, D, D), lambda r, nb: (r, 0, 0)),
            pl.BlockSpec((1, 1, D), lambda r, nb: (r, 0, 0)),
        ],
        out_specs=[
            pl.BlockSpec((1, BN, D), lambda r, nb: (r, nb, 0)),
            pl.BlockSpec((1, 1, D), lambda r, nb: (r, 0, 0)),
            pl.BlockSpec((1, 1, D), lambda r, nb: (r, 0, 0)),
        ],
        out_shape=[
            jax.ShapeDtypeStruct((R, N, D), jnp.bfloat16),
            jax.ShapeDtypeStruct((R, 1, D), jnp.float32),
            jax.ShapeDtypeStruct((R, 1, D), jnp.float32),
        ],
    )(x, agg, W1T, b1.reshape(R, 1, D))

    bias_total = (b_self + jnp.sum(b2, axis=0))[None, :]

    out = pl.pallas_call(
        _mlp2_body,
        grid=(nb_grid,),
        in_specs=[
            pl.BlockSpec((BN, D), lambda nb: (nb, 0)),
            pl.BlockSpec((R, BN, D), lambda nb: (0, nb, 0)),
            pl.BlockSpec((D, D), lambda nb: (0, 0)),
            pl.BlockSpec((R, D, D), lambda nb: (0, 0, 0)),
            pl.BlockSpec((R, 1, D), lambda nb: (0, 0, 0)),
            pl.BlockSpec((R, 1, D), lambda nb: (0, 0, 0)),
            pl.BlockSpec((R, D), lambda nb: (0, 0)),
            pl.BlockSpec((R, D), lambda nb: (0, 0)),
            pl.BlockSpec((1, D), lambda nb: (0, 0)),
        ],
        out_specs=pl.BlockSpec((BN, D), lambda nb: (nb, 0)),
        out_shape=jax.ShapeDtypeStruct((N, D), jnp.float32),
    )(x, h1, W_self.T, W2.transpose(0, 2, 1), s1, s2, gamma, beta, bias_total)
    return out

# --- scband reference (transcript-rebuilt; emitter-appended) ---
"""Pipeline reference for scband-rginconv-51762945852038 (READ-ONLY COPY).

The authoritative reference and input builder live on the scoring server;
editing this copy changes nothing except your own understanding.
"""

import jax, jax.numpy as jnp
import numpy as np

N = 10000
E = 320000
D_IN = 128
D_OUT = 128
R = 4
BN_EPS = 1e-5


def setup_inputs(seed: int = 0) -> dict:
    key = jax.random.key(seed)
    ks = jax.random.split(key, 12)
    x = jax.random.normal(ks[0], (N, D_IN), dtype=jnp.float32)
    edge_index = jax.random.randint(ks[1], (2, E), 0, N, dtype=jnp.int64)
    edge_type = jax.random.randint(ks[2], (E,), 0, R, dtype=jnp.int64)
    # self-loop linear
    W_self = jax.random.normal(ks[3], (D_OUT, D_IN), dtype=jnp.float32) * (1.0 / np.sqrt(D_IN))
    b_self = jnp.zeros((D_OUT,), dtype=jnp.float32)
    # per-relation GIN MLP params (stacked over relations)
    W1 = jax.random.normal(ks[4], (R, D_OUT, D_IN), dtype=jnp.float32) * (1.0 / np.sqrt(D_IN))
    b1 = jnp.zeros((R, D_OUT), dtype=jnp.float32)
    gamma = jnp.ones((R, D_OUT), dtype=jnp.float32)
    beta = jnp.zeros((R, D_OUT), dtype=jnp.float32)
    W2 = jax.random.normal(ks[5], (R, D_OUT, D_OUT), dtype=jnp.float32) * (1.0 / np.sqrt(D_OUT))
    b2 = jnp.zeros((R, D_OUT), dtype=jnp.float32)
    return {"x": x, "edge_index": edge_index, "edge_type": edge_type,
            "W_self": W_self, "b_self": b_self, "W1": W1, "b1": b1,
            "gamma": gamma, "beta": beta, "W2": W2, "b2": b2}


def reference(x, edge_index, edge_type, W_self, b_self, W1, b1, gamma, beta, W2, b2):
    row = edge_index[0]
    col = edge_index[1]
    # self-loop linear
    x_new = x @ W_self.T + b_self
    for i in range(R):
        # restrict to edges of relation i via 0/1 edge weights (equivalent to masking)
        w = (edge_type == i).astype(x.dtype)
        gathered = w[:, None] * jnp.take(x, col, axis=0)
        agg = jnp.zeros_like(x).at[row].add(gathered)
        # GIN update, eps = 0.0
        h = (1.0 + 0.0) * x + agg
        # MLP: Linear -> BatchNorm1d (training-mode batch stats) -> ReLU -> Linear
        h = h @ W1[i].T + b1[i]
        mean = jnp.mean(h, axis=0)
        var = jnp.var(h, axis=0)
        h = (h - mean) / jnp.sqrt(var + BN_EPS) * gamma[i] + beta[i]
        h = jax.nn.relu(h)
        h = h @ W2[i].T + b2[i]
        x_new = x_new + h
    return x_new

if __name__ == "__main__":
    import jax
    _d = setup_inputs()
    print(jax.jit(kernel)(*tuple(_d.values())))

</pallas_src>

<mosaic_0001>
#map = affine_map<(d0, d1) -> (0, 0)>
#map1 = affine_map<(d0, d1) -> (0, 0, 0)>
module attributes {stable_mosaic.version = 14 : i64} {
  func.func @_sc_body(%arg0: i32, %arg1: i32, %arg2: memref<20000x64xbf16, #tpu.memory_space<hbm>>, %arg3: memref<2592x2x128xi32, #tpu.memory_space<hbm>>, %arg4: memref<320x64xbf16, #tpu.memory_space<hbm>>, %arg5: memref<2x40000x64xbf16, #tpu.memory_space<hbm>>, %arg6: memref<40008x64xbf16, #tpu.memory_space<vmem_shared>>, %arg7: memref<10000x64xbf16, #tpu.memory_space<vmem_shared>>, %arg8: memref<3x2x128xi32, #tpu.memory_space<vmem>>, %arg9: memref<3x2x128xi32, #tpu.memory_space<vmem>>, %arg10: memref<384x64xbf16, #tpu.memory_space<vmem>>, %arg11: memref<384x64xbf16, #tpu.memory_space<vmem>>, %arg12: memref<!tpu.dma_semaphore, #tpu.memory_space<semaphore_mem>>, %arg13: memref<!tpu.dma_semaphore, #tpu.memory_space<semaphore_mem>>, %arg14: memref<!tpu.dma_semaphore, #tpu.memory_space<semaphore_mem>>, %arg15: memref<!tpu.dma_semaphore, #tpu.memory_space<semaphore_mem>>) attributes {dimension_semantics = [#tpu.dimension_semantics<core_parallel>, #tpu.dimension_semantics<subcore_parallel>], iteration_bounds = array<i64: 2, 16>, scalar_prefetch = 0 : i64, scratch_operands = 10 : i64, tpu.core_type = #tpu.core_type<sc_vector_subcore>, window_params = [{transform_indices = #map}, {transform_indices = #map1}, {transform_indices = #map}, {transform_indices = #map1}]} {
    %mul3A = arith.constant 162 : i32
    %mul3A_0 = arith.muli %arg1, %mul3A : i32
    %mul3A_1 = arith.constant 10000 : i32
    %mul3A_2 = arith.muli %arg0, %mul3A_1 : i32
    %mul3A_3 = arith.constant 625 : i32
    %mul3A_4 = arith.muli %arg1, %mul3A_3 : i32
    %add3A = arith.addi %mul3A_2, %mul3A_4 : i32
    %mul3A_5 = arith.constant 625 : i32
    %mul3A_6 = arith.muli %arg1, %mul3A_5 : i32
    "tpu.region"() ({
      %run_scoped3A = tpu.sem_alloc : memref<!tpu.dma_semaphore, #tpu.memory_space<semaphore_mem>>
      %dma_start3A_166 = arith.constant 0 : i32
      %dma_start3A_167 = tpu.memref_slice %arg7[%mul3A_6, %dma_start3A_166] : memref<10000x64xbf16, #tpu.memory_space<vmem_shared>> -> memref<625x64xbf16, #tpu.memory_space<vmem_shared>>
      %dma_start3A_168 = arith.constant 0 : i32
      %dma_start3A_169 = tpu.memref_slice %arg2[%add3A, %dma_start3A_168] : memref<20000x64xbf16, #tpu.memory_space<hbm>> -> memref<625x64xbf16, #tpu.memory_space<hbm>>
      tpu.enqueue_dma source(%dma_start3A_169 : memref<625x64xbf16, #tpu.memory_space<hbm>>) target(%dma_start3A_167 : memref<625x64xbf16, #tpu.memory_space<vmem_shared>>) target_semaphore(%run_scoped3A : memref<!tpu.dma_semaphore, #tpu.memory_space<semaphore_mem>>)
      %dma_wait3A = arith.constant 0 : i32
      %dma_wait3A_170 = tpu.memref_slice %arg7[%mul3A_6, %dma_wait3A] : memref<10000x64xbf16, #tpu.memory_space<vmem_shared>> -> memref<625x64xbf16, #tpu.memory_space<vmem_shared>>
      %dma_wait3A_171 = arith.constant 0 : i32
      %dma_wait3A_172 = tpu.memref_slice %arg2[%add3A, %dma_wait3A_171] : memref<20000x64xbf16, #tpu.memory_space<hbm>> -> memref<625x64xbf16, #tpu.memory_space<hbm>>
      tpu.wait_dma2 semaphore(%run_scoped3A : memref<!tpu.dma_semaphore, #tpu.memory_space<semaphore_mem>>) src(%dma_wait3A_172 : memref<625x64xbf16, #tpu.memory_space<hbm>>) dst(%dma_wait3A_170 : memref<625x64xbf16, #tpu.memory_space<vmem_shared>>)
      tpu.yield
    }) : () -> ()
    "tpu.region"() ({
      %run_scoped3A = tpu.sem_alloc : memref<!tpu.dma_semaphore, #tpu.memory_space<semaphore_mem>>
      %dma_start3A_166 = arith.constant 0 : i32
      %dma_start3A_167 = arith.constant 0 : i32
      %dma_start3A_168 = tpu.memref_slice %arg10[%dma_start3A_166, %dma_start3A_167] : memref<384x64xbf16, #tpu.memory_space<vmem>> -> memref<320x64xbf16, #tpu.memory_space<vmem>>
      %dma_start3A_169 = arith.constant 0 : i32
      %dma_start3A_170 = arith.constant 0 : i32
      %dma_start3A_171 = tpu.memref_slice %arg10[%dma_start3A_169, %dma_start3A_170] : memref<384x64xbf16, #tpu.memory_space<vmem>> -> memref<320x64xbf16, #tpu.memory_space<vmem>>
      tpu.enqueue_dma source(%arg4 : memref<320x64xbf16, #tpu.memory_space<hbm>>) target(%dma_start3A_171 : memref<320x64xbf16, #tpu.memory_space<vmem>>) target_semaphore(%run_scoped3A : memref<!tpu.dma_semaphore, #tpu.memory_space<semaphore_mem>>)
      %dma_wait3A = arith.constant 0 : i32
      %dma_wait3A_172 = arith.constant 0 : i32
      %dma_wait3A_173 = tpu.memref_slice %arg10[%dma_wait3A, %dma_wait3A_172] : memref<384x64xbf16, #tpu.memory_space<vmem>> -> memref<320x64xbf16, #tpu.memory_space<vmem>>
      %dma_wait3A_174 = arith.constant 0 : i32
      %dma_wait3A_175 = arith.constant 0 : i32
      %dma_wait3A_176 = tpu.memref_slice %arg10[%dma_wait3A_174, %dma_wait3A_175] : memref<384x64xbf16, #tpu.memory_space<vmem>> -> memref<320x64xbf16, #tpu.memory_space<vmem>>
      tpu.wait_dma2 semaphore(%run_scoped3A : memref<!tpu.dma_semaphore, #tpu.memory_space<semaphore_mem>>) src(%arg4 : memref<320x64xbf16, #tpu.memory_space<hbm>>) dst(%dma_wait3A_176 : memref<320x64xbf16, #tpu.memory_space<vmem>>)
      tpu.yield
    }) : () -> ()
    %add3A_7 = arith.constant 0 : i32
    %add3A_8 = arith.addi %arg1, %add3A_7 : i32
    %lt3A = arith.constant 125 : i32
    %lt3A_9 = arith.cmpi slt, %add3A_8, %lt3A : i32
    %convert_element_type3A = arith.extui %lt3A_9 : i1 to i32
    %cond3A = arith.constant 0 : i32
    %cond3A_10 = arith.cmpi ne, %convert_element_type3A, %cond3A : i32
    scf.if %cond3A_10 {
      %mul3A_166 = arith.constant 320 : i32
      %mul3A_167 = arith.muli %add3A_8, %mul3A_166 : i32
      "tpu.region"() ({
        %run_scoped3A = tpu.sem_alloc : memref<!tpu.dma_semaphore, #tpu.memory_space<semaphore_mem>>
        %dma_start3A_168 = arith.constant 0 : i32
        %dma_start3A_169 = arith.constant 0 : i32
        %dma_start3A_170 = tpu.memref_slice %arg10[%dma_start3A_168, %dma_start3A_169] : memref<384x64xbf16, #tpu.memory_space<vmem>> -> memref<320x64xbf16, #tpu.memory_space<vmem>>
        %dma_start3A_171 = arith.constant 0 : i32
        %dma_start3A_172 = tpu.memref_slice %arg6[%mul3A_167, %dma_start3A_171] : memref<40008x64xbf16, #tpu.memory_space<vmem_shared>> -> memref<320x64xbf16, #tpu.memory_space<vmem_shared>>
        %dma_start3A_173 = arith.constant 0 : i32
        %dma_start3A_174 = tpu.memref_slice %arg6[%mul3A_167, %dma_start3A_173] : memref<40008x64xbf16, #tpu.memory_space<vmem_shared>> -> memref<320x64xbf16, #tpu.memory_space<vmem_shared>>
        %dma_start3A_175 = arith.constant 0 : i32
        %dma_start3A_176 = arith.constant 0 : i32
        %dma_start3A_177 = tpu.memref_slice %arg10[%dma_start3A_175, %dma_start3A_176] : memref<384x64xbf16, #tpu.memory_space<vmem>> -> memref<320x64xbf16, #tpu.memory_space<vmem>>
        tpu.enqueue_dma source(%dma_start3A_177 : memref<320x64xbf16, #tpu.memory_space<vmem>>) target(%dma_start3A_174 : memref<320x64xbf16, #tpu.memory_space<vmem_shared>>) target_semaphore(%run_scoped3A : memref<!tpu.dma_semaphore, #tpu.memory_space<semaphore_mem>>)
        %dma_wait3A = arith.constant 0 : i32
        %dma_wait3A_178 = arith.constant 0 : i32
        %dma_wait3A_179 = tpu.memref_slice %arg10[%dma_wait3A, %dma_wait3A_178] : memref<384x64xbf16, #tpu.memory_space<vmem>> -> memref<320x64xbf16, #tpu.memory_space<vmem>>
        %dma_wait3A_180 = arith.constant 0 : i32
        %dma_wait3A_181 = tpu.memref_slice %arg6[%mul3A_167, %dma_wait3A_180] : memref<40008x64xbf16, #tpu.memory_space<vmem_shared>> -> memref<320x64xbf16, #tpu.memory_space<vmem_shared>>
        %dma_wait3A_182 = arith.constant 0 : i32
        %dma_wait3A_183 = tpu.memref_slice %arg6[%mul3A_167, %dma_wait3A_182] : memref<40008x64xbf16, #tpu.memory_space<vmem_shared>> -> memref<320x64xbf16, #tpu.memory_space<vmem_shared>>
        %dma_wait3A_184 = arith.constant 0 : i32
        %dma_wait3A_185 = arith.constant 0 : i32
        %dma_wait3A_186 = tpu.memref_slice %arg10[%dma_wait3A_184, %dma_wait3A_185] : memref<384x64xbf16, #tpu.memory_space<vmem>> -> memref<320x64xbf16, #tpu.memory_space<vmem>>
        tpu.wait_dma2 semaphore(%run_scoped3A : memref<!tpu.dma_semaphore, #tpu.memory_space<semaphore_mem>>) src(%dma_wait3A_186 : memref<320x64xbf16, #tpu.memory_space<vmem>>) dst(%dma_wait3A_183 : memref<320x64xbf16, #tpu.memory_space<vmem_shared>>)
        tpu.yield
      }) : () -> ()
    } else {
    }
    %add3A_11 = arith.constant 16 : i32
    %add3A_12 = arith.addi %arg1, %add3A_11 : i32
    %lt3A_13 = arith.constant 125 : i32
    %lt3A_14 = arith.cmpi slt, %add3A_12, %lt3A_13 : i32
    %convert_element_type3A_15 = arith.extui %lt3A_14 : i1 to i32
    %cond3A_16 = arith.constant 0 : i32
    %cond3A_17 = arith.cmpi ne, %convert_element_type3A_15, %cond3A_16 : i32
    scf.if %cond3A_17 {
      %mul3A_166 = arith.constant 320 : i32
      %mul3A_167 = arith.muli %add3A_12, %mul3A_166 : i32
      "tpu.region"() ({
        %run_scoped3A = tpu.sem_alloc : memref<!tpu.dma_semaphore, #tpu.memory_space<semaphore_mem>>
        %dma_start3A_168 = arith.constant 0 : i32
        %dma_start3A_169 = arith.constant 0 : i32
        %dma_start3A_170 = tpu.memref_slice %arg10[%dma_start3A_168, %dma_start3A_169] : memref<384x64xbf16, #tpu.memory_space<vmem>> -> memref<320x64xbf16, #tpu.memory_space<vmem>>
        %dma_start3A_171 = arith.constant 0 : i32
        %dma_start3A_172 = tpu.memref_slice %arg6[%mul3A_167, %dma_start3A_171] : memref<40008x64xbf16, #tpu.memory_space<vmem_shared>> -> memref<320x64xbf16, #tpu.memory_space<vmem_shared>>
        %dma_start3A_173 = arith.constant 0 : i32
        %dma_start3A_174 = tpu.memref_slice %arg6[%mul3A_167, %dma_start3A_173] : memref<40008x64xbf16, #tpu.memory_space<vmem_shared>> -> memref<320x64xbf16, #tpu.memory_space<vmem_shared>>
        %dma_start3A_175 = arith.constant 0 : i32
        %dma_start3A_176 = arith.constant 0 : i32
        %dma_start3A_177 = tpu.memref_slice %arg10[%dma_start3A_175, %dma_start3A_176] : memref<384x64xbf16, #tpu.memory_space<vmem>> -> memref<320x64xbf16, #tpu.memory_space<vmem>>
        tpu.enqueue_dma source(%dma_start3A_177 : memref<320x64xbf16, #tpu.memory_space<vmem>>) target(%dma_start3A_174 : memref<320x64xbf16, #tpu.memory_space<vmem_shared>>) target_semaphore(%run_scoped3A : memref<!tpu.dma_semaphore, #tpu.memory_space<semaphore_mem>>)
        %dma_wait3A = arith.constant 0 : i32
        %dma_wait3A_178 = arith.constant 0 : i32
        %dma_wait3A_179 = tpu.memref_slice %arg10[%dma_wait3A, %dma_wait3A_178] : memref<384x64xbf16, #tpu.memory_space<vmem>> -> memref<320x64xbf16, #tpu.memory_space<vmem>>
        %dma_wait3A_180 = arith.constant 0 : i32
        %dma_wait3A_181 = tpu.memref_slice %arg6[%mul3A_167, %dma_wait3A_180] : memref<40008x64xbf16, #tpu.memory_space<vmem_shared>> -> memref<320x64xbf16, #tpu.memory_space<vmem_shared>>
        %dma_wait3A_182 = arith.constant 0 : i32
        %dma_wait3A_183 = tpu.memref_slice %arg6[%mul3A_167, %dma_wait3A_182] : memref<40008x64xbf16, #tpu.memory_space<vmem_shared>> -> memref<320x64xbf16, #tpu.memory_space<vmem_shared>>
        %dma_wait3A_184 = arith.constant 0 : i32
        %dma_wait3A_185 = arith.constant 0 : i32
        %dma_wait3A_186 = tpu.memref_slice %arg10[%dma_wait3A_184, %dma_wait3A_185] : memref<384x64xbf16, #tpu.memory_space<vmem>> -> memref<320x64xbf16, #tpu.memory_space<vmem>>
        tpu.wait_dma2 semaphore(%run_scoped3A : memref<!tpu.dma_semaphore, #tpu.memory_space<semaphore_mem>>) src(%dma_wait3A_186 : memref<320x64xbf16, #tpu.memory_space<vmem>>) dst(%dma_wait3A_183 : memref<320x64xbf16, #tpu.memory_space<vmem_shared>>)
        tpu.yield
      }) : () -> ()
    } else {
    }
    %add3A_18 = arith.constant 32 : i32
    %add3A_19 = arith.addi %arg1, %add3A_18 : i32
    %lt3A_20 = arith.constant 125 : i32
    %lt3A_21 = arith.cmpi slt, %add3A_19, %lt3A_20 : i32
    %convert_element_type3A_22 = arith.extui %lt3A_21 : i1 to i32
    %cond3A_23 = arith.constant 0 : i32
    %cond3A_24 = arith.cmpi ne, %convert_element_type3A_22, %cond3A_23 : i32
    scf.if %cond3A_24 {
      %mul3A_166 = arith.constant 320 : i32
      %mul3A_167 = arith.muli %add3A_19, %mul3A_166 : i32
      "tpu.region"() ({
        %run_scoped3A = tpu.sem_alloc : memref<!tpu.dma_semaphore, #tpu.memory_space<semaphore_mem>>
        %dma_start3A_168 = arith.constant 0 : i32
        %dma_start3A_169 = arith.constant 0 : i32
        %dma_start3A_170 = tpu.memref_slice %arg10[%dma_start3A_168, %dma_start3A_169] : memref<384x64xbf16, #tpu.memory_space<vmem>> -> memref<320x64xbf16, #tpu.memory_space<vmem>>
        %dma_start3A_171 = arith.constant 0 : i32
        %dma_start3A_172 = tpu.memref_slice %arg6[%mul3A_167, %dma_start3A_171] : memref<40008x64xbf16, #tpu.memory_space<vmem_shared>> -> memref<320x64xbf16, #tpu.memory_space<vmem_shared>>
        %dma_start3A_173 = arith.constant 0 : i32
        %dma_start3A_174 = tpu.memref_slice %arg6[%mul3A_167, %dma_start3A_173] : memref<40008x64xbf16, #tpu.memory_space<vmem_shared>> -> memref<320x64xbf16, #tpu.memory_space<vmem_shared>>
        %dma_start3A_175 = arith.constant 0 : i32
        %dma_start3A_176 = arith.constant 0 : i32
        %dma_start3A_177 = tpu.memref_slice %arg10[%dma_start3A_175, %dma_start3A_176] : memref<384x64xbf16, #tpu.memory_space<vmem>> -> memref<320x64xbf16, #tpu.memory_space<vmem>>
        tpu.enqueue_dma source(%dma_start3A_177 : memref<320x64xbf16, #tpu.memory_space<vmem>>) target(%dma_start3A_174 : memref<320x64xbf16, #tpu.memory_space<vmem_shared>>) target_semaphore(%run_scoped3A : memref<!tpu.dma_semaphore, #tpu.memory_space<semaphore_mem>>)
        %dma_wait3A = arith.constant 0 : i32
        %dma_wait3A_178 = arith.constant 0 : i32
        %dma_wait3A_179 = tpu.memref_slice %arg10[%dma_wait3A, %dma_wait3A_178] : memref<384x64xbf16, #tpu.memory_space<vmem>> -> memref<320x64xbf16, #tpu.memory_space<vmem>>
        %dma_wait3A_180 = arith.constant 0 : i32
        %dma_wait3A_181 = tpu.memref_slice %arg6[%mul3A_167, %dma_wait3A_180] : memref<40008x64xbf16, #tpu.memory_space<vmem_shared>> -> memref<320x64xbf16, #tpu.memory_space<vmem_shared>>
        %dma_wait3A_182 = arith.constant 0 : i32
        %dma_wait3A_183 = tpu.memref_slice %arg6[%mul3A_167, %dma_wait3A_182] : memref<40008x64xbf16, #tpu.memory_space<vmem_shared>> -> memref<320x64xbf16, #tpu.memory_space<vmem_shared>>
        %dma_wait3A_184 = arith.constant 0 : i32
        %dma_wait3A_185 = arith.constant 0 : i32
        %dma_wait3A_186 = tpu.memref_slice %arg10[%dma_wait3A_184, %dma_wait3A_185] : memref<384x64xbf16, #tpu.memory_space<vmem>> -> memref<320x64xbf16, #tpu.memory_space<vmem>>
        tpu.wait_dma2 semaphore(%run_scoped3A : memref<!tpu.dma_semaphore, #tpu.memory_space<semaphore_mem>>) src(%dma_wait3A_186 : memref<320x64xbf16, #tpu.memory_space<vmem>>) dst(%dma_wait3A_183 : memref<320x64xbf16, #tpu.memory_space<vmem_shared>>)
        tpu.yield
      }) : () -> ()
    } else {
    }
    %add3A_25 = arith.constant 48 : i32
    %add3A_26 = arith.addi %arg1, %add3A_25 : i32
    %lt3A_27 = arith.constant 125 : i32
    %lt3A_28 = arith.cmpi slt, %add3A_26, %lt3A_27 : i32
    %convert_element_type3A_29 = arith.extui %lt3A_28 : i1 to i32
    %cond3A_30 = arith.constant 0 : i32
    %cond3A_31 = arith.cmpi ne, %convert_element_type3A_29, %cond3A_30 : i32
    scf.if %cond3A_31 {
      %mul3A_166 = arith.constant 320 : i32
      %mul3A_167 = arith.muli %add3A_26, %mul3A_166 : i32
      "tpu.region"() ({
        %run_scoped3A = tpu.sem_alloc : memref<!tpu.dma_semaphore, #tpu.memory_space<semaphore_mem>>
        %dma_start3A_168 = arith.constant 0 : i32
        %dma_start3A_169 = arith.constant 0 : i32
        %dma_start3A_170 = tpu.memref_slice %arg10[%dma_start3A_168, %dma_start3A_169] : memref<384x64xbf16, #tpu.memory_space<vmem>> -> memref<320x64xbf16, #tpu.memory_space<vmem>>
        %dma_start3A_171 = arith.constant 0 : i32
        %dma_start3A_172 = tpu.memref_slice %arg6[%mul3A_167, %dma_start3A_171] : memref<40008x64xbf16, #tpu.memory_space<vmem_shared>> -> memref<320x64xbf16, #tpu.memory_space<vmem_shared>>
        %dma_start3A_173 = arith.constant 0 : i32
        %dma_start3A_174 = tpu.memref_slice %arg6[%mul3A_167, %dma_start3A_173] : memref<40008x64xbf16, #tpu.memory_space<vmem_shared>> -> memref<320x64xbf16, #tpu.memory_space<vmem_shared>>
        %dma_start3A_175 = arith.constant 0 : i32
        %dma_start3A_176 = arith.constant 0 : i32
        %dma_start3A_177 = tpu.memref_slice %arg10[%dma_start3A_175, %dma_start3A_176] : memref<384x64xbf16, #tpu.memory_space<vmem>> -> memref<320x64xbf16, #tpu.memory_space<vmem>>
        tpu.enqueue_dma source(%dma_start3A_177 : memref<320x64xbf16, #tpu.memory_space<vmem>>) target(%dma_start3A_174 : memref<320x64xbf16, #tpu.memory_space<vmem_shared>>) target_semaphore(%run_scoped3A : memref<!tpu.dma_semaphore, #tpu.memory_space<semaphore_mem>>)
        %dma_wait3A = arith.constant 0 : i32
        %dma_wait3A_178 = arith.constant 0 : i32
        %dma_wait3A_179 = tpu.memref_slice %arg10[%dma_wait3A, %dma_wait3A_178] : memref<384x64xbf16, #tpu.memory_space<vmem>> -> memref<320x64xbf16, #tpu.memory_space<vmem>>
        %dma_wait3A_180 = arith.constant 0 : i32
        %dma_wait3A_181 = tpu.memref_slice %arg6[%mul3A_167, %dma_wait3A_180] : memref<40008x64xbf16, #tpu.memory_space<vmem_shared>> -> memref<320x64xbf16, #tpu.memory_space<vmem_shared>>
        %dma_wait3A_182 = arith.constant 0 : i32
        %dma_wait3A_183 = tpu.memref_slice %arg6[%mul3A_167, %dma_wait3A_182] : memref<40008x64xbf16, #tpu.memory_space<vmem_shared>> -> memref<320x64xbf16, #tpu.memory_space<vmem_shared>>
        %dma_wait3A_184 = arith.constant 0 : i32
        %dma_wait3A_185 = arith.constant 0 : i32
        %dma_wait3A_186 = tpu.memref_slice %arg10[%dma_wait3A_184, %dma_wait3A_185] : memref<384x64xbf16, #tpu.memory_space<vmem>> -> memref<320x64xbf16, #tpu.memory_space<vmem>>
        tpu.wait_dma2 semaphore(%run_scoped3A : memref<!tpu.dma_semaphore, #tpu.memory_space<semaphore_mem>>) src(%dma_wait3A_186 : memref<320x64xbf16, #tpu.memory_space<vmem>>) dst(%dma_wait3A_183 : memref<320x64xbf16, #tpu.memory_space<vmem_shared>>)
        tpu.yield
      }) : () -> ()
    } else {
    }
    %add3A_32 = arith.constant 64 : i32
    %add3A_33 = arith.addi %arg1, %add3A_32 : i32
    %lt3A_34 = arith.constant 125 : i32
    %lt3A_35 = arith.cmpi slt, %add3A_33, %lt3A_34 : i32
    %convert_element_type3A_36 = arith.extui %lt3A_35 : i1 to i32
    %cond3A_37 = arith.constant 0 : i32
    %cond3A_38 = arith.cmpi ne, %convert_element_type3A_36, %cond3A_37 : i32
    scf.if %cond3A_38 {
      %mul3A_166 = arith.constant 320 : i32
      %mul3A_167 = arith.muli %add3A_33, %mul3A_166 : i32
      "tpu.region"() ({
        %run_scoped3A = tpu.sem_alloc : memref<!tpu.dma_semaphore, #tpu.memory_space<semaphore_mem>>
        %dma_start3A_168 = arith.constant 0 : i32
        %dma_start3A_169 = arith.constant 0 : i32
        %dma_start3A_170 = tpu.memref_slice %arg10[%dma_start3A_168, %dma_start3A_169] : memref<384x64xbf16, #tpu.memory_space<vmem>> -> memref<320x64xbf16, #tpu.memory_space<vmem>>
        %dma_start3A_171 = arith.constant 0 : i32
        %dma_start3A_172 = tpu.memref_slice %arg6[%mul3A_167, %dma_start3A_171] : memref<40008x64xbf16, #tpu.memory_space<vmem_shared>> -> memref<320x64xbf16, #tpu.memory_space<vmem_shared>>
        %dma_start3A_173 = arith.constant 0 : i32
        %dma_start3A_174 = tpu.memref_slice %arg6[%mul3A_167, %dma_start3A_173] : memref<40008x64xbf16, #tpu.memory_space<vmem_shared>> -> memref<320x64xbf16, #tpu.memory_space<vmem_shared>>
        %dma_start3A_175 = arith.constant 0 : i32
        %dma_start3A_176 = arith.constant 0 : i32
        %dma_start3A_177 = tpu.memref_slice %arg10[%dma_start3A_175, %dma_start3A_176] : memref<384x64xbf16, #tpu.memory_space<vmem>> -> memref<320x64xbf16, #tpu.memory_space<vmem>>
        tpu.enqueue_dma source(%dma_start3A_177 : memref<320x64xbf16, #tpu.memory_space<vmem>>) target(%dma_start3A_174 : memref<320x64xbf16, #tpu.memory_space<vmem_shared>>) target_semaphore(%run_scoped3A : memref<!tpu.dma_semaphore, #tpu.memory_space<semaphore_mem>>)
        %dma_wait3A = arith.constant 0 : i32
        %dma_wait3A_178 = arith.constant 0 : i32
        %dma_wait3A_179 = tpu.memref_slice %arg10[%dma_wait3A, %dma_wait3A_178] : memref<384x64xbf16, #tpu.memory_space<vmem>> -> memref<320x64xbf16, #tpu.memory_space<vmem>>
        %dma_wait3A_180 = arith.constant 0 : i32
        %dma_wait3A_181 = tpu.memref_slice %arg6[%mul3A_167, %dma_wait3A_180] : memref<40008x64xbf16, #tpu.memory_space<vmem_shared>> -> memref<320x64xbf16, #tpu.memory_space<vmem_shared>>
        %dma_wait3A_182 = arith.constant 0 : i32
        %dma_wait3A_183 = tpu.memref_slice %arg6[%mul3A_167, %dma_wait3A_182] : memref<40008x64xbf16, #tpu.memory_space<vmem_shared>> -> memref<320x64xbf16, #tpu.memory_space<vmem_shared>>
        %dma_wait3A_184 = arith.constant 0 : i32
        %dma_wait3A_185 = arith.constant 0 : i32
        %dma_wait3A_186 = tpu.memref_slice %arg10[%dma_wait3A_184, %dma_wait3A_185] : memref<384x64xbf16, #tpu.memory_space<vmem>> -> memref<320x64xbf16, #tpu.memory_space<vmem>>
        tpu.wait_dma2 semaphore(%run_scoped3A : memref<!tpu.dma_semaphore, #tpu.memory_space<semaphore_mem>>) src(%dma_wait3A_186 : memref<320x64xbf16, #tpu.memory_space<vmem>>) dst(%dma_wait3A_183 : memref<320x64xbf16, #tpu.memory_space<vmem_shared>>)
        tpu.yield
      }) : () -> ()
    } else {
    }
    %add3A_39 = arith.constant 80 : i32
    %add3A_40 = arith.addi %arg1, %add3A_39 : i32
    %lt3A_41 = arith.constant 125 : i32
    %lt3A_42 = arith.cmpi slt, %add3A_40, %lt3A_41 : i32
    %convert_element_type3A_43 = arith.extui %lt3A_42 : i1 to i32
    %cond3A_44 = arith.constant 0 : i32
    %cond3A_45 = arith.cmpi ne, %convert_element_type3A_43, %cond3A_44 : i32
    scf.if %cond3A_45 {
      %mul3A_166 = arith.constant 320 : i32
      %mul3A_167 = arith.muli %add3A_40, %mul3A_166 : i32
      "tpu.region"() ({
        %run_scoped3A = tpu.sem_alloc : memref<!tpu.dma_semaphore, #tpu.memory_space<semaphore_mem>>
        %dma_start3A_168 = arith.constant 0 : i32
        %dma_start3A_169 = arith.constant 0 : i32
        %dma_start3A_170 = tpu.memref_slice %arg10[%dma_start3A_168, %dma_start3A_169] : memref<384x64xbf16, #tpu.memory_space<vmem>> -> memref<320x64xbf16, #tpu.memory_space<vmem>>
        %dma_start3A_171 = arith.constant 0 : i32
        %dma_start3A_172 = tpu.memref_slice %arg6[%mul3A_167, %dma_start3A_171] : memref<40008x64xbf16, #tpu.memory_space<vmem_shared>> -> memref<320x64xbf16, #tpu.memory_space<vmem_shared>>
        %dma_start3A_173 = arith.constant 0 : i32
        %dma_start3A_174 = tpu.memref_slice %arg6[%mul3A_167, %dma_start3A_173] : memref<40008x64xbf16, #tpu.memory_space<vmem_shared>> -> memref<320x64xbf16, #tpu.memory_space<vmem_shared>>
        %dma_start3A_175 = arith.constant 0 : i32
        %dma_start3A_176 = arith.constant 0 : i32
        %dma_start3A_177 = tpu.memref_slice %arg10[%dma_start3A_175, %dma_start3A_176] : memref<384x64xbf16, #tpu.memory_space<vmem>> -> memref<320x64xbf16, #tpu.memory_space<vmem>>
        tpu.enqueue_dma source(%dma_start3A_177 : memref<320x64xbf16, #tpu.memory_space<vmem>>) target(%dma_start3A_174 : memref<320x64xbf16, #tpu.memory_space<vmem_shared>>) target_semaphore(%run_scoped3A : memref<!tpu.dma_semaphore, #tpu.memory_space<semaphore_mem>>)
        %dma_wait3A = arith.constant 0 : i32
        %dma_wait3A_178 = arith.constant 0 : i32
        %dma_wait3A_179 = tpu.memref_slice %arg10[%dma_wait3A, %dma_wait3A_178] : memref<384x64xbf16, #tpu.memory_space<vmem>> -> memref<320x64xbf16, #tpu.memory_space<vmem>>
        %dma_wait3A_180 = arith.constant 0 : i32
        %dma_wait3A_181 = tpu.memref_slice %arg6[%mul3A_167, %dma_wait3A_180] : memref<40008x64xbf16, #tpu.memory_space<vmem_shared>> -> memref<320x64xbf16, #tpu.memory_space<vmem_shared>>
        %dma_wait3A_182 = arith.constant 0 : i32
        %dma_wait3A_183 = tpu.memref_slice %arg6[%mul3A_167, %dma_wait3A_182] : memref<40008x64xbf16, #tpu.memory_space<vmem_shared>> -> memref<320x64xbf16, #tpu.memory_space<vmem_shared>>
        %dma_wait3A_184 = arith.constant 0 : i32
        %dma_wait3A_185 = arith.constant 0 : i32
        %dma_wait3A_186 = tpu.memref_slice %arg10[%dma_wait3A_184, %dma_wait3A_185] : memref<384x64xbf16, #tpu.memory_space<vmem>> -> memref<320x64xbf16, #tpu.memory_space<vmem>>
        tpu.wait_dma2 semaphore(%run_scoped3A : memref<!tpu.dma_semaphore, #tpu.memory_space<semaphore_mem>>) src(%dma_wait3A_186 : memref<320x64xbf16, #tpu.memory_space<vmem>>) dst(%dma_wait3A_183 : memref<320x64xbf16, #tpu.memory_space<vmem_shared>>)
        tpu.yield
      }) : () -> ()
    } else {
    }
    %add3A_46 = arith.constant 96 : i32
    %add3A_47 = arith.addi %arg1, %add3A_46 : i32
    %lt3A_48 = arith.constant 125 : i32
    %lt3A_49 = arith.cmpi slt, %add3A_47, %lt3A_48 : i32
    %convert_element_type3A_50 = arith.extui %lt3A_49 : i1 to i32
    %cond3A_51 = arith.constant 0 : i32
    %cond3A_52 = arith.cmpi ne, %convert_element_type3A_50, %cond3A_51 : i32
    scf.if %cond3A_52 {
      %mul3A_166 = arith.constant 320 : i32
      %mul3A_167 = arith.muli %add3A_47, %mul3A_166 : i32
      "tpu.region"() ({
        %run_scoped3A = tpu.sem_alloc : memref<!tpu.dma_semaphore, #tpu.memory_space<semaphore_mem>>
        %dma_start3A_168 = arith.constant 0 : i32
        %dma_start3A_169 = arith.constant 0 : i32
        %dma_start3A_170 = tpu.memref_slice %arg10[%dma_start3A_168, %dma_start3A_169] : memref<384x64xbf16, #tpu.memory_space<vmem>> -> memref<320x64xbf16, #tpu.memory_space<vmem>>
        %dma_start3A_171 = arith.constant 0 : i32
        %dma_start3A_172 = tpu.memref_slice %arg6[%mul3A_167, %dma_start3A_171] : memref<40008x64xbf16, #tpu.memory_space<vmem_shared>> -> memref<320x64xbf16, #tpu.memory_space<vmem_shared>>
        %dma_start3A_173 = arith.constant 0 : i32
        %dma_start3A_174 = tpu.memref_slice %arg6[%mul3A_167, %dma_start3A_173] : memref<40008x64xbf16, #tpu.memory_space<vmem_shared>> -> memref<320x64xbf16, #tpu.memory_space<vmem_shared>>
        %dma_start3A_175 = arith.constant 0 : i32
        %dma_start3A_176 = arith.constant 0 : i32
        %dma_start3A_177 = tpu.memref_slice %arg10[%dma_start3A_175, %dma_start3A_176] : memref<384x64xbf16, #tpu.memory_space<vmem>> -> memref<320x64xbf16, #tpu.memory_space<vmem>>
        tpu.enqueue_dma source(%dma_start3A_177 : memref<320x64xbf16, #tpu.memory_space<vmem>>) target(%dma_start3A_174 : memref<320x64xbf16, #tpu.memory_space<vmem_shared>>) target_semaphore(%run_scoped3A : memref<!tpu.dma_semaphore, #tpu.memory_space<semaphore_mem>>)
        %dma_wait3A = arith.constant 0 : i32
        %dma_wait3A_178 = arith.constant 0 : i32
        %dma_wait3A_179 = tpu.memref_slice %arg10[%dma_wait3A, %dma_wait3A_178] : memref<384x64xbf16, #tpu.memory_space<vmem>> -> memref<320x64xbf16, #tpu.memory_space<vmem>>
        %dma_wait3A_180 = arith.constant 0 : i32
        %dma_wait3A_181 = tpu.memref_slice %arg6[%mul3A_167, %dma_wait3A_180] : memref<40008x64xbf16, #tpu.memory_space<vmem_shared>> -> memref<320x64xbf16, #tpu.memory_space<vmem_shared>>
        %dma_wait3A_182 = arith.constant 0 : i32
        %dma_wait3A_183 = tpu.memref_slice %arg6[%mul3A_167, %dma_wait3A_182] : memref<40008x64xbf16, #tpu.memory_space<vmem_shared>> -> memref<320x64xbf16, #tpu.memory_space<vmem_shared>>
        %dma_wait3A_184 = arith.constant 0 : i32
        %dma_wait3A_185 = arith.constant 0 : i32
        %dma_wait3A_186 = tpu.memref_slice %arg10[%dma_wait3A_184, %dma_wait3A_185] : memref<384x64xbf16, #tpu.memory_space<vmem>> -> memref<320x64xbf16, #tpu.memory_space<vmem>>
        tpu.wait_dma2 semaphore(%run_scoped3A : memref<!tpu.dma_semaphore, #tpu.memory_space<semaphore_mem>>) src(%dma_wait3A_186 : memref<320x64xbf16, #tpu.memory_space<vmem>>) dst(%dma_wait3A_183 : memref<320x64xbf16, #tpu.memory_space<vmem_shared>>)
        tpu.yield
      }) : () -> ()
    } else {
    }
    %add3A_53 = arith.constant 112 : i32
    %add3A_54 = arith.addi %arg1, %add3A_53 : i32
    %lt3A_55 = arith.constant 125 : i32
    %lt3A_56 = arith.cmpi slt, %add3A_54, %lt3A_55 : i32
    %convert_element_type3A_57 = arith.extui %lt3A_56 : i1 to i32
    %cond3A_58 = arith.constant 0 : i32
    %cond3A_59 = arith.cmpi ne, %convert_element_type3A_57, %cond3A_58 : i32
    scf.if %cond3A_59 {
      %mul3A_166 = arith.constant 320 : i32
      %mul3A_167 = arith.muli %add3A_54, %mul3A_166 : i32
      "tpu.region"() ({
        %run_scoped3A = tpu.sem_alloc : memref<!tpu.dma_semaphore, #tpu.memory_space<semaphore_mem>>
        %dma_start3A_168 = arith.constant 0 : i32
        %dma_start3A_169 = arith.constant 0 : i32
        %dma_start3A_170 = tpu.memref_slice %arg10[%dma_start3A_168, %dma_start3A_169] : memref<384x64xbf16, #tpu.memory_space<vmem>> -> memref<320x64xbf16, #tpu.memory_space<vmem>>
        %dma_start3A_171 = arith.constant 0 : i32
        %dma_start3A_172 = tpu.memref_slice %arg6[%mul3A_167, %dma_start3A_171] : memref<40008x64xbf16, #tpu.memory_space<vmem_shared>> -> memref<320x64xbf16, #tpu.memory_space<vmem_shared>>
        %dma_start3A_173 = arith.constant 0 : i32
        %dma_start3A_174 = tpu.memref_slice %arg6[%mul3A_167, %dma_start3A_173] : memref<40008x64xbf16, #tpu.memory_space<vmem_shared>> -> memref<320x64xbf16, #tpu.memory_space<vmem_shared>>
        %dma_start3A_175 = arith.constant 0 : i32
        %dma_start3A_176 = arith.constant 0 : i32
        %dma_start3A_177 = tpu.memref_slice %arg10[%dma_start3A_175, %dma_start3A_176] : memref<384x64xbf16, #tpu.memory_space<vmem>> -> memref<320x64xbf16, #tpu.memory_space<vmem>>
        tpu.enqueue_dma source(%dma_start3A_177 : memref<320x64xbf16, #tpu.memory_space<vmem>>) target(%dma_start3A_174 : memref<320x64xbf16, #tpu.memory_space<vmem_shared>>) target_semaphore(%run_scoped3A : memref<!tpu.dma_semaphore, #tpu.memory_space<semaphore_mem>>)
        %dma_wait3A = arith.constant 0 : i32
        %dma_wait3A_178 = arith.constant 0 : i32
        %dma_wait3A_179 = tpu.memref_slice %arg10[%dma_wait3A, %dma_wait3A_178] : memref<384x64xbf16, #tpu.memory_space<vmem>> -> memref<320x64xbf16, #tpu.memory_space<vmem>>
        %dma_wait3A_180 = arith.constant 0 : i32
        %dma_wait3A_181 = tpu.memref_slice %arg6[%mul3A_167, %dma_wait3A_180] : memref<40008x64xbf16, #tpu.memory_space<vmem_shared>> -> memref<320x64xbf16, #tpu.memory_space<vmem_shared>>
        %dma_wait3A_182 = arith.constant 0 : i32
        %dma_wait3A_183 = tpu.memref_slice %arg6[%mul3A_167, %dma_wait3A_182] : memref<40008x64xbf16, #tpu.memory_space<vmem_shared>> -> memref<320x64xbf16, #tpu.memory_space<vmem_shared>>
        %dma_wait3A_184 = arith.constant 0 : i32
        %dma_wait3A_185 = arith.constant 0 : i32
        %dma_wait3A_186 = tpu.memref_slice %arg10[%dma_wait3A_184, %dma_wait3A_185] : memref<384x64xbf16, #tpu.memory_space<vmem>> -> memref<320x64xbf16, #tpu.memory_space<vmem>>
        tpu.wait_dma2 semaphore(%run_scoped3A : memref<!tpu.dma_semaphore, #tpu.memory_space<semaphore_mem>>) src(%dma_wait3A_186 : memref<320x64xbf16, #tpu.memory_space<vmem>>) dst(%dma_wait3A_183 : memref<320x64xbf16, #tpu.memory_space<vmem_shared>>)
        tpu.yield
      }) : () -> ()
    } else {
    }
    %barrier3A = arith.constant 0 : index
    tpu.barrier barrier_id(%barrier3A)
    "tpu.region"() ({
      %run_scoped3A = tpu.sem_alloc : memref<!tpu.dma_semaphore, #tpu.memory_space<semaphore_mem>>
      %dma_start3A_166 = arith.constant 0 : i32
      %dma_start3A_167 = arith.constant 0 : i32
      %dma_start3A_168 = tpu.memref_slice %arg3[%mul3A_0, %dma_start3A_166, %dma_start3A_167] : memref<2592x2x128xi32, #tpu.memory_space<hbm>> -> memref<3x2x128xi32, #tpu.memory_space<hbm>>
      %dma_start3A_169 = arith.constant 0 : i32
      %dma_start3A_170 = arith.constant 0 : i32
      %dma_start3A_171 = tpu.memref_slice %arg3[%mul3A_0, %dma_start3A_169, %dma_start3A_170] : memref<2592x2x128xi32, #tpu.memory_space<hbm>> -> memref<3x2x128xi32, #tpu.memory_space<hbm>>
      tpu.enqueue_dma source(%dma_start3A_171 : memref<3x2x128xi32, #tpu.memory_space<hbm>>) target(%arg8 : memref<3x2x128xi32, #tpu.memory_space<vmem>>) target_semaphore(%run_scoped3A : memref<!tpu.dma_semaphore, #tpu.memory_space<semaphore_mem>>)
      %dma_wait3A = arith.constant 0 : i32
      %dma_wait3A_172 = arith.constant 0 : i32
      %dma_wait3A_173 = tpu.memref_slice %arg3[%mul3A_0, %dma_wait3A, %dma_wait3A_172] : memref<2592x2x128xi32, #tpu.memory_space<hbm>> -> memref<3x2x128xi32, #tpu.memory_space<hbm>>
      %dma_wait3A_174 = arith.constant 0 : i32
      %dma_wait3A_175 = arith.constant 0 : i32
      %dma_wait3A_176 = tpu.memref_slice %arg3[%mul3A_0, %dma_wait3A_174, %dma_wait3A_175] : memref<2592x2x128xi32, #tpu.memory_space<hbm>> -> memref<3x2x128xi32, #tpu.memory_space<hbm>>
      tpu.wait_dma2 semaphore(%run_scoped3A : memref<!tpu.dma_semaphore, #tpu.memory_space<semaphore_mem>>) src(%dma_wait3A_176 : memref<3x2x128xi32, #tpu.memory_space<hbm>>) dst(%arg8 : memref<3x2x128xi32, #tpu.memory_space<vmem>>)
      tpu.yield
    }) : () -> ()
    %dma_start3A = arith.constant 0 : i32
    %dma_start3A_60 = arith.constant 0 : i32
    %dma_start3A_61 = arith.constant 0 : i32
    %dma_start3A_62 = arith.constant 0 : i32
    %dma_start3A_63 = tpu.memref_slice %arg10[%dma_start3A_61, %dma_start3A_62] : memref<384x64xbf16, #tpu.memory_space<vmem>> -> memref<128x64xbf16, #tpu.memory_space<vmem>>
    %dma_start3A_64 = arith.constant 0 : i32
    %dma_start3A_65 = tpu.memref_slice %arg8[%dma_start3A, %dma_start3A_60, %dma_start3A_64] : memref<3x2x128xi32, #tpu.memory_space<vmem>> -> memref<1x1x128xi32, #tpu.memory_space<vmem>>
    %dma_start3A_66 = tpu.memref_squeeze %dma_start3A_65 : memref<1x1x128xi32, #tpu.memory_space<vmem>> -> memref<128xi32, #tpu.memory_space<vmem>>
    %dma_start3A_67 = arith.constant 0 : i32
    %dma_start3A_68 = arith.constant 0 : i32
    %dma_start3A_69 = tpu.memref_slice %arg7[%dma_start3A_67, %dma_start3A_68] : memref<10000x64xbf16, #tpu.memory_space<vmem_shared>> -> memref<10000x64xbf16, #tpu.memory_space<vmem_shared>>
    tpu.enqueue_indirect_dma source(%dma_start3A_69 : memref<10000x64xbf16, #tpu.memory_space<vmem_shared>>) target(%dma_start3A_63 : memref<128x64xbf16, #tpu.memory_space<vmem>>) offsets(%dma_start3A_66 : memref<128xi32, #tpu.memory_space<vmem>>) semaphore(%arg12 : memref<!tpu.dma_semaphore, #tpu.memory_space<semaphore_mem>>)
    %dma_start3A_70 = arith.constant 1 : i32
    %dma_start3A_71 = arith.constant 0 : i32
    %dma_start3A_72 = arith.constant 128 : i32
    %dma_start3A_73 = arith.constant 0 : i32
    %dma_start3A_74 = tpu.memref_slice %arg10[%dma_start3A_72, %dma_start3A_73] : memref<384x64xbf16, #tpu.memory_space<vmem>> -> memref<128x64xbf16, #tpu.memory_space<vmem>>
    %dma_start3A_75 = arith.constant 0 : i32
    %dma_start3A_76 = tpu.memref_slice %arg8[%dma_start3A_70, %dma_start3A_71, %dma_start3A_75] : memref<3x2x128xi32, #tpu.memory_space<vmem>> -> memref<1x1x128xi32, #tpu.memory_space<vmem>>
    %dma_start3A_77 = tpu.memref_squeeze %dma_start3A_76 : memref<1x1x128xi32, #tpu.memory_space<vmem>> -> memref<128xi32, #tpu.memory_space<vmem>>
    %dma_start3A_78 = arith.constant 0 : i32
    %dma_start3A_79 = arith.constant 0 : i32
    %dma_start3A_80 = tpu.memref_slice %arg7[%dma_start3A_78, %dma_start3A_79] : memref<10000x64xbf16, #tpu.memory_space<vmem_shared>> -> memref<10000x64xbf16, #tpu.memory_space<vmem_shared>>
    tpu.enqueue_indirect_dma source(%dma_start3A_80 : memref<10000x64xbf16, #tpu.memory_space<vmem_shared>>) target(%dma_start3A_74 : memref<128x64xbf16, #tpu.memory_space<vmem>>) offsets(%dma_start3A_77 : memref<128xi32, #tpu.memory_space<vmem>>) semaphore(%arg12 : memref<!tpu.dma_semaphore, #tpu.memory_space<semaphore_mem>>)
    %dma_start3A_81 = arith.constant 2 : i32
    %dma_start3A_82 = arith.constant 0 : i32
    %dma_start3A_83 = arith.constant 256 : i32
    %dma_start3A_84 = arith.constant 0 : i32
    %dma_start3A_85 = tpu.memref_slice %arg10[%dma_start3A_83, %dma_start3A_84] : memref<384x64xbf16, #tpu.memory_space<vmem>> -> memref<128x64xbf16, #tpu.memory_space<vmem>>
    %dma_start3A_86 = arith.constant 0 : i32
    %dma_start3A_87 = tpu.memref_slice %arg8[%dma_start3A_81, %dma_start3A_82, %dma_start3A_86] : memref<3x2x128xi32, #tpu.memory_space<vmem>> -> memref<1x1x128xi32, #tpu.memory_space<vmem>>
    %dma_start3A_88 = tpu.memref_squeeze %dma_start3A_87 : memref<1x1x128xi32, #tpu.memory_space<vmem>> -> memref<128xi32, #tpu.memory_space<vmem>>
    %dma_start3A_89 = arith.constant 0 : i32
    %dma_start3A_90 = arith.constant 0 : i32
    %dma_start3A_91 = tpu.memref_slice %arg7[%dma_start3A_89, %dma_start3A_90] : memref<10000x64xbf16, #tpu.memory_space<vmem_shared>> -> memref<10000x64xbf16, #tpu.memory_space<vmem_shared>>
    tpu.enqueue_indirect_dma source(%dma_start3A_91 : memref<10000x64xbf16, #tpu.memory_space<vmem_shared>>) target(%dma_start3A_85 : memref<128x64xbf16, #tpu.memory_space<vmem>>) offsets(%dma_start3A_88 : memref<128xi32, #tpu.memory_space<vmem>>) semaphore(%arg12 : memref<!tpu.dma_semaphore, #tpu.memory_space<semaphore_mem>>)
    %scan3A = arith.constant 0 : i32
    %scan3A_92 = arith.constant 0 : i32
    %scan3A_93 = arith.constant 0 : i32
    %scan3A_94 = arith.constant 1 : i32
    %scan3A_95 = arith.constant 0 : i32
    %scan3A_96 = arith.constant 2 : i32
    %scan3A_97 = arith.constant 0 : i32
    %scan3A_98 = arith.constant 0 : i32
    %scan3A_99 = arith.constant 0 : i32
    %scan3A_100 = arith.constant 1 : i32
    %scan3A_101 = arith.constant 0 : i32
    %scan3A_102 = arith.constant 2 : i32
    %scan3A_103 = arith.constant 0 : i32
    %scan3A_104 = arith.constant 0 : i32
    %scan3A_105 = arith.constant 27 : i32
    %scan3A_106 = arith.addi %scan3A_104, %scan3A_105 : i32
    %scan3A_107 = arith.constant 1 : i32
    scf.for %scan3A_166 = %scan3A_104 to %scan3A_106 step %scan3A_107  : i32 {
      %mul3A_167 = arith.constant 2 : i32
      %mul3A_168 = arith.muli %mul3A_167, %scan3A_166 : i32
      %add3A_169 = arith.constant 1 : i32
      %add3A_170 = arith.addi %mul3A_168, %add3A_169 : i32
      %mul3A_171 = arith.constant 3 : i32
      %mul3A_172 = arith.muli %add3A_170, %mul3A_171 : i32
      %add3A_173 = arith.addi %mul3A_0, %mul3A_172 : i32
      "tpu.region"() ({
        %run_scoped3A = tpu.sem_alloc : memref<!tpu.dma_semaphore, #tpu.memory_space<semaphore_mem>>
        %dma_start3A_391 = arith.constant 0 : i32
        %dma_start3A_392 = arith.constant 0 : i32
        %dma_start3A_393 = tpu.memref_slice %arg3[%add3A_173, %dma_start3A_391, %dma_start3A_392] : memref<2592x2x128xi32, #tpu.memory_space<hbm>> -> memref<3x2x128xi32, #tpu.memory_space<hbm>>
        %dma_start3A_394 = arith.constant 0 : i32
        %dma_start3A_395 = arith.constant 0 : i32
        %dma_start3A_396 = tpu.memref_slice %arg3[%add3A_173, %dma_start3A_394, %dma_start3A_395] : memref<2592x2x128xi32, #tpu.memory_space<hbm>> -> memref<3x2x128xi32, #tpu.memory_space<hbm>>
        tpu.enqueue_dma source(%dma_start3A_396 : memref<3x2x128xi32, #tpu.memory_space<hbm>>) target(%arg9 : memref<3x2x128xi32, #tpu.memory_space<vmem>>) target_semaphore(%run_scoped3A : memref<!tpu.dma_semaphore, #tpu.memory_space<semaphore_mem>>)
        %dma_wait3A_397 = arith.constant 0 : i32
        %dma_wait3A_398 = arith.constant 0 : i32
        %dma_wait3A_399 = tpu.memref_slice %arg3[%add3A_173, %dma_wait3A_397, %dma_wait3A_398] : memref<2592x2x128xi32, #tpu.memory_space<hbm>> -> memref<3x2x128xi32, #tpu.memory_space<hbm>>
        %dma_wait3A_400 = arith.constant 0 : i32
        %dma_wait3A_401 = arith.constant 0 : i32
        %dma_wait3A_402 = tpu.memref_slice %arg3[%add3A_173, %dma_wait3A_400, %dma_wait3A_401] : memref<2592x2x128xi32, #tpu.memory_space<hbm>> -> memref<3x2x128xi32, #tpu.memory_space<hbm>>
        tpu.wait_dma2 semaphore(%run_scoped3A : memref<!tpu.dma_semaphore, #tpu.memory_space<semaphore_mem>>) src(%dma_wait3A_402 : memref<3x2x128xi32, #tpu.memory_space<hbm>>) dst(%arg9 : memref<3x2x128xi32, #tpu.memory_space<vmem>>)
        tpu.yield
      }) : () -> ()
      %dma_start3A_174 = arith.constant 0 : i32
      %dma_start3A_175 = arith.constant 0 : i32
      %dma_start3A_176 = tpu.memref_slice %arg11[%dma_start3A_174, %dma_start3A_175] : memref<384x64xbf16, #tpu.memory_space<vmem>> -> memref<128x64xbf16, #tpu.memory_space<vmem>>
      %dma_start3A_177 = arith.constant 0 : i32
      %dma_start3A_178 = tpu.memref_slice %arg9[%scan3A_92, %scan3A_93, %dma_start3A_177] : memref<3x2x128xi32, #tpu.memory_space<vmem>> -> memref<1x1x128xi32, #tpu.memory_space<vmem>>
      %dma_start3A_179 = tpu.memref_squeeze %dma_start3A_178 : memref<1x1x128xi32, #tpu.memory_space<vmem>> -> memref<128xi32, #tpu.memory_space<vmem>>
      %dma_start3A_180 = arith.constant 0 : i32
      %dma_start3A_181 = arith.constant 0 : i32
      %dma_start3A_182 = tpu.memref_slice %arg7[%dma_start3A_180, %dma_start3A_181] : memref<10000x64xbf16, #tpu.memory_space<vmem_shared>> -> memref<10000x64xbf16, #tpu.memory_space<vmem_shared>>
      tpu.enqueue_indirect_dma source(%dma_start3A_182 : memref<10000x64xbf16, #tpu.memory_space<vmem_shared>>) target(%dma_start3A_176 : memref<128x64xbf16, #tpu.memory_space<vmem>>) offsets(%dma_start3A_179 : memref<128xi32, #tpu.memory_space<vmem>>) semaphore(%arg13 : memref<!tpu.dma_semaphore, #tpu.memory_space<semaphore_mem>>)
      %dma_start3A_183 = arith.constant 128 : i32
      %dma_start3A_184 = arith.constant 0 : i32
      %dma_start3A_185 = tpu.memref_slice %arg11[%dma_start3A_183, %dma_start3A_184] : memref<384x64xbf16, #tpu.memory_space<vmem>> -> memref<128x64xbf16, #tpu.memory_space<vmem>>
      %dma_start3A_186 = arith.constant 0 : i32
      %dma_start3A_187 = tpu.memref_slice %arg9[%scan3A_94, %scan3A_95, %dma_start3A_186] : memref<3x2x128xi32, #tpu.memory_space<vmem>> -> memref<1x1x128xi32, #tpu.memory_space<vmem>>
      %dma_start3A_188 = tpu.memref_squeeze %dma_start3A_187 : memref<1x1x128xi32, #tpu.memory_space<vmem>> -> memref<128xi32, #tpu.memory_space<vmem>>
      %dma_start3A_189 = arith.constant 0 : i32
      %dma_start3A_190 = arith.constant 0 : i32
      %dma_start3A_191 = tpu.memref_slice %arg7[%dma_start3A_189, %dma_start3A_190] : memref<10000x64xbf16, #tpu.memory_space<vmem_shared>> -> memref<10000x64xbf16, #tpu.memory_space<vmem_shared>>
      tpu.enqueue_indirect_dma source(%dma_start3A_191 : memref<10000x64xbf16, #tpu.memory_space<vmem_shared>>) target(%dma_start3A_185 : memref<128x64xbf16, #tpu.memory_space<vmem>>) offsets(%dma_start3A_188 : memref<128xi32, #tpu.memory_space<vmem>>) semaphore(%arg13 : memref<!tpu.dma_semaphore, #tpu.memory_space<semaphore_mem>>)
      %dma_start3A_192 = arith.constant 256 : i32
      %dma_start3A_193 = arith.constant 0 : i32
      %dma_start3A_194 = tpu.memref_slice %arg11[%dma_start3A_192, %dma_start3A_193] : memref<384x64xbf16, #tpu.memory_space<vmem>> -> memref<128x64xbf16, #tpu.memory_space<vmem>>
      %dma_start3A_195 = arith.constant 0 : i32
      %dma_start3A_196 = tpu.memref_slice %arg9[%scan3A_96, %scan3A_97, %dma_start3A_195] : memref<3x2x128xi32, #tpu.memory_space<vmem>> -> memref<1x1x128xi32, #tpu.memory_space<vmem>>
      %dma_start3A_197 = tpu.memref_squeeze %dma_start3A_196 : memref<1x1x128xi32, #tpu.memory_space<vmem>> -> memref<128xi32, #tpu.memory_space<vmem>>
      %dma_start3A_198 = arith.constant 0 : i32
      %dma_start3A_199 = arith.constant 0 : i32
      %dma_start3A_200 = tpu.memref_slice %arg7[%dma_start3A_198, %dma_start3A_199] : memref<10000x64xbf16, #tpu.memory_space<vmem_shared>> -> memref<10000x64xbf16, #tpu.memory_space<vmem_shared>>
      tpu.enqueue_indirect_dma source(%dma_start3A_200 : memref<10000x64xbf16, #tpu.memory_space<vmem_shared>>) target(%dma_start3A_194 : memref<128x64xbf16, #tpu.memory_space<vmem>>) offsets(%dma_start3A_197 : memref<128xi32, #tpu.memory_space<vmem>>) semaphore(%arg13 : memref<!tpu.dma_semaphore, #tpu.memory_space<semaphore_mem>>)
      %dma_wait3A = arith.constant 0 : i32
      %dma_wait3A_201 = arith.constant 0 : i32
      %dma_wait3A_202 = tpu.memref_slice %arg10[%dma_wait3A, %dma_wait3A_201] : memref<384x64xbf16, #tpu.memory_space<vmem>> -> memref<128x64xbf16, #tpu.memory_space<vmem>>
      %dma_wait3A_203 = arith.constant 0 : i32
      %dma_wait3A_204 = tpu.memref_slice %arg8[%scan3A_98, %scan3A_99, %dma_wait3A_203] : memref<3x2x128xi32, #tpu.memory_space<vmem>> -> memref<1x1x128xi32, #tpu.memory_space<vmem>>
      %dma_wait3A_205 = tpu.memref_squeeze %dma_wait3A_204 : memref<1x1x128xi32, #tpu.memory_space<vmem>> -> memref<128xi32, #tpu.memory_space<vmem>>
      %dma_wait3A_206 = arith.constant 0 : i32
      %dma_wait3A_207 = arith.constant 0 : i32
      %dma_wait3A_208 = tpu.memref_slice %arg7[%dma_wait3A_206, %dma_wait3A_207] : memref<10000x64xbf16, #tpu.memory_space<vmem_shared>> -> memref<10000x64xbf16, #tpu.memory_space<vmem_shared>>
      tpu.wait_indirect_dma semaphore(%arg12 : memref<!tpu.dma_semaphore, #tpu.memory_space<semaphore_mem>>) src(%dma_wait3A_208 : memref<10000x64xbf16, #tpu.memory_space<vmem_shared>>) dst(%dma_wait3A_202 : memref<128x64xbf16, #tpu.memory_space<vmem>>)
      %dma_start3A_209 = arith.constant 0 : i32
      %dma_start3A_210 = arith.constant 1 : i32
      %dma_start3A_211 = arith.constant 0 : i32
      %dma_start3A_212 = arith.constant 0 : i32
      %dma_start3A_213 = tpu.memref_slice %arg10[%dma_start3A_211, %dma_start3A_212] : memref<384x64xbf16, #tpu.memory_space<vmem>> -> memref<128x64xbf16, #tpu.memory_space<vmem>>
      %dma_start3A_214 = arith.constant 0 : i32
      %dma_start3A_215 = tpu.memref_slice %arg8[%dma_start3A_209, %dma_start3A_210, %dma_start3A_214] : memref<3x2x128xi32, #tpu.memory_space<vmem>> -> memref<1x1x128xi32, #tpu.memory_space<vmem>>
      %dma_start3A_216 = tpu.memref_squeeze %dma_start3A_215 : memref<1x1x128xi32, #tpu.memory_space<vmem>> -> memref<128xi32, #tpu.memory_space<vmem>>
      %dma_start3A_217 = arith.constant 0 : i32
      %dma_start3A_218 = arith.constant 0 : i32
      %dma_start3A_219 = tpu.memref_slice %arg6[%dma_start3A_217, %dma_start3A_218] : memref<40008x64xbf16, #tpu.memory_space<vmem_shared>> -> memref<40008x64xbf16, #tpu.memory_space<vmem_shared>>
      tpu.enqueue_indirect_dma source(%dma_start3A_213 : memref<128x64xbf16, #tpu.memory_space<vmem>>) target(%dma_start3A_219 : memref<40008x64xbf16, #tpu.memory_space<vmem_shared>>) offsets(%dma_start3A_216 : memref<128xi32, #tpu.memory_space<vmem>>) semaphore(%arg14 : memref<!tpu.dma_semaphore, #tpu.memory_space<semaphore_mem>>) {add = true}
      %dma_wait3A_220 = arith.constant 128 : i32
      %dma_wait3A_221 = arith.constant 0 : i32
      %dma_wait3A_222 = tpu.memref_slice %arg10[%dma_wait3A_220, %dma_wait3A_221] : memref<384x64xbf16, #tpu.memory_space<vmem>> -> memref<128x64xbf16, #tpu.memory_space<vmem>>
      %dma_wait3A_223 = arith.constant 0 : i32
      %dma_wait3A_224 = tpu.memref_slice %arg8[%scan3A_100, %scan3A_101, %dma_wait3A_223] : memref<3x2x128xi32, #tpu.memory_space<vmem>> -> memref<1x1x128xi32, #tpu.memory_space<vmem>>
      %dma_wait3A_225 = tpu.memref_squeeze %dma_wait3A_224 : memref<1x1x128xi32, #tpu.memory_space<vmem>> -> memref<128xi32, #tpu.memory_space<vmem>>
      %dma_wait3A_226 = arith.constant 0 : i32
      %dma_wait3A_227 = arith.constant 0 : i32
      %dma_wait3A_228 = tpu.memref_slice %arg7[%dma_wait3A_226, %dma_wait3A_227] : memref<10000x64xbf16, #tpu.memory_space<vmem_shared>> -> memref<10000x64xbf16, #tpu.memory_space<vmem_shared>>
      tpu.wait_indirect_dma semaphore(%arg12 : memref<!tpu.dma_semaphore, #tpu.memory_space<semaphore_mem>>) src(%dma_wait3A_228 : memref<10000x64xbf16, #tpu.memory_space<vmem_shared>>) dst(%dma_wait3A_222 : memref<128x64xbf16, #tpu.memory_space<vmem>>)
      %dma_start3A_229 = arith.constant 1 : i32
      %dma_start3A_230 = arith.constant 1 : i32
      %dma_start3A_231 = arith.constant 128 : i32
      %dma_start3A_232 = arith.constant 0 : i32
      %dma_start3A_233 = tpu.memref_slice %arg10[%dma_start3A_231, %dma_start3A_232] : memref<384x64xbf16, #tpu.memory_space<vmem>> -> memref<128x64xbf16, #tpu.memory_space<vmem>>
      %dma_start3A_234 = arith.constant 0 : i32
      %dma_start3A_235 = tpu.memref_slice %arg8[%dma_start3A_229, %dma_start3A_230, %dma_start3A_234] : memref<3x2x128xi32, #tpu.memory_space<vmem>> -> memref<1x1x128xi32, #tpu.memory_space<vmem>>
      %dma_start3A_236 = tpu.memref_squeeze %dma_start3A_235 : memref<1x1x128xi32, #tpu.memory_space<vmem>> -> memref<128xi32, #tpu.memory_space<vmem>>
      %dma_start3A_237 = arith.constant 0 : i32
      %dma_start3A_238 = arith.constant 0 : i32
      %dma_start3A_239 = tpu.memref_slice %arg6[%dma_start3A_237, %dma_start3A_238] : memref<40008x64xbf16, #tpu.memory_space<vmem_shared>> -> memref<40008x64xbf16, #tpu.memory_space<vmem_shared>>
      tpu.enqueue_indirect_dma source(%dma_start3A_233 : memref<128x64xbf16, #tpu.memory_space<vmem>>) target(%dma_start3A_239 : memref<40008x64xbf16, #tpu.memory_space<vmem_shared>>) offsets(%dma_start3A_236 : memref<128xi32, #tpu.memory_space<vmem>>) semaphore(%arg14 : memref<!tpu.dma_semaphore, #tpu.memory_space<semaphore_mem>>) {add = true}
      %dma_wait3A_240 = arith.constant 256 : i32
      %dma_wait3A_241 = arith.constant 0 : i32
      %dma_wait3A_242 = tpu.memref_slice %arg10[%dma_wait3A_240, %dma_wait3A_241] : memref<384x64xbf16, #tpu.memory_space<vmem>> -> memref<128x64xbf16, #tpu.memory_space<vmem>>
      %dma_wait3A_243 = arith.constant 0 : i32
      %dma_wait3A_244 = tpu.memref_slice %arg8[%scan3A_102, %scan3A_103, %dma_wait3A_243] : memref<3x2x128xi32, #tpu.memory_space<vmem>> -> memref<1x1x128xi32, #tpu.memory_space<vmem>>
      %dma_wait3A_245 = tpu.memref_squeeze %dma_wait3A_244 : memref<1x1x128xi32, #tpu.memory_space<vmem>> -> memref<128xi32, #tpu.memory_space<vmem>>
      %dma_wait3A_246 = arith.constant 0 : i32
      %dma_wait3A_247 = arith.constant 0 : i32
      %dma_wait3A_248 = tpu.memref_slice %arg7[%dma_wait3A_246, %dma_wait3A_247] : memref<10000x64xbf16, #tpu.memory_space<vmem_shared>> -> memref<10000x64xbf16, #tpu.memory_space<vmem_shared>>
      tpu.wait_indirect_dma semaphore(%arg12 : memref<!tpu.dma_semaphore, #tpu.memory_space<semaphore_mem>>) src(%dma_wait3A_248 : memref<10000x64xbf16, #tpu.memory_space<vmem_shared>>) dst(%dma_wait3A_242 : memref<128x64xbf16, #tpu.memory_space<vmem>>)
      %dma_start3A_249 = arith.constant 2 : i32
      %dma_start3A_250 = arith.constant 1 : i32
      %dma_start3A_251 = arith.constant 256 : i32
      %dma_start3A_252 = arith.constant 0 : i32
      %dma_start3A_253 = tpu.memref_slice %arg10[%dma_start3A_251, %dma_start3A_252] : memref<384x64xbf16, #tpu.memory_space<vmem>> -> memref<128x64xbf16, #tpu.memory_space<vmem>>
      %dma_start3A_254 = arith.constant 0 : i32
      %dma_start3A_255 = tpu.memref_slice %arg8[%dma_start3A_249, %dma_start3A_250, %dma_start3A_254] : memref<3x2x128xi32, #tpu.memory_space<vmem>> -> memref<1x1x128xi32, #tpu.memory_space<vmem>>
      %dma_start3A_256 = tpu.memref_squeeze %dma_start3A_255 : memref<1x1x128xi32, #tpu.memory_space<vmem>> -> memref<128xi32, #tpu.memory_space<vmem>>
      %dma_start3A_257 = arith.constant 0 : i32
      %dma_start3A_258 = arith.constant 0 : i32
      %dma_start3A_259 = tpu.memref_slice %arg6[%dma_start3A_257, %dma_start3A_258] : memref<40008x64xbf16, #tpu.memory_space<vmem_shared>> -> memref<40008x64xbf16, #tpu.memory_space<vmem_shared>>
      tpu.enqueue_indirect_dma source(%dma_start3A_253 : memref<128x64xbf16, #tpu.memory_space<vmem>>) target(%dma_start3A_259 : memref<40008x64xbf16, #tpu.memory_space<vmem_shared>>) offsets(%dma_start3A_256 : memref<128xi32, #tpu.memory_space<vmem>>) semaphore(%arg14 : memref<!tpu.dma_semaphore, #tpu.memory_space<semaphore_mem>>) {add = true}
      %dma_wait3A_260 = arith.constant 0 : i32
      %dma_wait3A_261 = arith.constant 1 : i32
      %dma_wait3A_262 = arith.constant 0 : i32
      %dma_wait3A_263 = arith.constant 0 : i32
      %dma_wait3A_264 = tpu.memref_slice %arg10[%dma_wait3A_262, %dma_wait3A_263] : memref<384x64xbf16, #tpu.memory_space<vmem>> -> memref<128x64xbf16, #tpu.memory_space<vmem>>
      %dma_wait3A_265 = arith.constant 0 : i32
      %dma_wait3A_266 = tpu.memref_slice %arg8[%dma_wait3A_260, %dma_wait3A_261, %dma_wait3A_265] : memref<3x2x128xi32, #tpu.memory_space<vmem>> -> memref<1x1x128xi32, #tpu.memory_space<vmem>>
      %dma_wait3A_267 = tpu.memref_squeeze %dma_wait3A_266 : memref<1x1x128xi32, #tpu.memory_space<vmem>> -> memref<128xi32, #tpu.memory_space<vmem>>
      %dma_wait3A_268 = arith.constant 0 : i32
      %dma_wait3A_269 = arith.constant 0 : i32
      %dma_wait3A_270 = tpu.memref_slice %arg6[%dma_wait3A_268, %dma_wait3A_269] : memref<40008x64xbf16, #tpu.memory_space<vmem_shared>> -> memref<40008x64xbf16, #tpu.memory_space<vmem_shared>>
      tpu.wait_indirect_dma semaphore(%arg14 : memref<!tpu.dma_semaphore, #tpu.memory_space<semaphore_mem>>) src(%dma_wait3A_264 : memref<128x64xbf16, #tpu.memory_space<vmem>>) dst(%dma_wait3A_270 : memref<40008x64xbf16, #tpu.memory_space<vmem_shared>>)
      %dma_wait3A_271 = arith.constant 1 : i32
      %dma_wait3A_272 = arith.constant 1 : i32
      %dma_wait3A_273 = arith.constant 128 : i32
      %dma_wait3A_274 = arith.constant 0 : i32
      %dma_wait3A_275 = tpu.memref_slice %arg10[%dma_wait3A_273, %dma_wait3A_274] : memref<384x64xbf16, #tpu.memory_space<vmem>> -> memref<128x64xbf16, #tpu.memory_space<vmem>>
      %dma_wait3A_276 = arith.constant 0 : i32
      %dma_wait3A_277 = tpu.memref_slice %arg8[%dma_wait3A_271, %dma_wait3A_272, %dma_wait3A_276] : memref<3x2x128xi32, #tpu.memory_space<vmem>> -> memref<1x1x128xi32, #tpu.memory_space<vmem>>
      %dma_wait3A_278 = tpu.memref_squeeze %dma_wait3A_277 : memref<1x1x128xi32, #tpu.memory_space<vmem>> -> memref<128xi32, #tpu.memory_space<vmem>>
      %dma_wait3A_279 = arith.constant 0 : i32
      %dma_wait3A_280 = arith.constant 0 : i32
      %dma_wait3A_281 = tpu.memref_slice %arg6[%dma_wait3A_279, %dma_wait3A_280] : memref<40008x64xbf16, #tpu.memory_space<vmem_shared>> -> memref<40008x64xbf16, #tpu.memory_space<vmem_shared>>
      tpu.wait_indirect_dma semaphore(%arg14 : memref<!tpu.dma_semaphore, #tpu.memory_space<semaphore_mem>>) src(%dma_wait3A_275 : memref<128x64xbf16, #tpu.memory_space<vmem>>) dst(%dma_wait3A_281 : memref<40008x64xbf16, #tpu.memory_space<vmem_shared>>)
      %dma_wait3A_282 = arith.constant 2 : i32
      %dma_wait3A_283 = arith.constant 1 : i32
      %dma_wait3A_284 = arith.constant 256 : i32
      %dma_wait3A_285 = arith.constant 0 : i32
      %dma_wait3A_286 = tpu.memref_slice %arg10[%dma_wait3A_284, %dma_wait3A_285] : memref<384x64xbf16, #tpu.memory_space<vmem>> -> memref<128x64xbf16, #tpu.memory_space<vmem>>
      %dma_wait3A_287 = arith.constant 0 : i32
      %dma_wait3A_288 = tpu.memref_slice %arg8[%dma_wait3A_282, %dma_wait3A_283, %dma_wait3A_287] : memref<3x2x128xi32, #tpu.memory_space<vmem>> -> memref<1x1x128xi32, #tpu.memory_space<vmem>>
      %dma_wait3A_289 = tpu.memref_squeeze %dma_wait3A_288 : memref<1x1x128xi32, #tpu.memory_space<vmem>> -> memref<128xi32, #tpu.memory_space<vmem>>
      %dma_wait3A_290 = arith.constant 0 : i32
      %dma_wait3A_291 = arith.constant 0 : i32
      %dma_wait3A_292 = tpu.memref_slice %arg6[%dma_wait3A_290, %dma_wait3A_291] : memref<40008x64xbf16, #tpu.memory_space<vmem_shared>> -> memref<40008x64xbf16, #tpu.memory_space<vmem_shared>>
      tpu.wait_indirect_dma semaphore(%arg14 : memref<!tpu.dma_semaphore, #tpu.memory_space<semaphore_mem>>) src(%dma_wait3A_286 : memref<128x64xbf16, #tpu.memory_space<vmem>>) dst(%dma_wait3A_292 : memref<40008x64xbf16, #tpu.memory_space<vmem_shared>>)
      %lt3A_293 = arith.constant 26 : i32
      %lt3A_294 = arith.cmpi slt, %scan3A_166, %lt3A_293 : i32
      %convert_element_type3A_295 = arith.extui %lt3A_294 : i1 to i32
      %cond3A_296 = arith.constant 0 : i32
      %cond3A_297 = arith.cmpi ne, %convert_element_type3A_295, %cond3A_296 : i32
      scf.if %cond3A_297 {
        %mul3A_391 = arith.constant 2 : i32
        %mul3A_392 = arith.muli %mul3A_391, %scan3A_166 : i32
        %add3A_393 = arith.constant 2 : i32
        %add3A_394 = arith.addi %mul3A_392, %add3A_393 : i32
        %mul3A_395 = arith.constant 3 : i32
        %mul3A_396 = arith.muli %add3A_394, %mul3A_395 : i32
        %add3A_397 = arith.addi %mul3A_0, %mul3A_396 : i32
        "tpu.region"() ({
          %run_scoped3A = tpu.sem_alloc : memref<!tpu.dma_semaphore, #tpu.memory_space<semaphore_mem>>
          %dma_start3A_425 = arith.constant 0 : i32
          %dma_start3A_426 = arith.constant 0 : i32
          %dma_start3A_427 = tpu.memref_slice %arg3[%add3A_397, %dma_start3A_425, %dma_start3A_426] : memref<2592x2x128xi32, #tpu.memory_space<hbm>> -> memref<3x2x128xi32, #tpu.memory_space<hbm>>
          %dma_start3A_428 = arith.constant 0 : i32
          %dma_start3A_429 = arith.constant 0 : i32
          %dma_start3A_430 = tpu.memref_slice %arg3[%add3A_397, %dma_start3A_428, %dma_start3A_429] : memref<2592x2x128xi32, #tpu.memory_space<hbm>> -> memref<3x2x128xi32, #tpu.memory_space<hbm>>
          tpu.enqueue_dma source(%dma_start3A_430 : memref<3x2x128xi32, #tpu.memory_space<hbm>>) target(%arg8 : memref<3x2x128xi32, #tpu.memory_space<vmem>>) target_semaphore(%run_scoped3A : memref<!tpu.dma_semaphore, #tpu.memory_space<semaphore_mem>>)
          %dma_wait3A_431 = arith.constant 0 : i32
          %dma_wait3A_432 = arith.constant 0 : i32
          %dma_wait3A_433 = tpu.memref_slice %arg3[%add3A_397, %dma_wait3A_431, %dma_wait3A_432] : memref<2592x2x128xi32, #tpu.memory_space<hbm>> -> memref<3x2x128xi32, #tpu.memory_space<hbm>>
          %dma_wait3A_434 = arith.constant 0 : i32
          %dma_wait3A_435 = arith.constant 0 : i32
          %dma_wait3A_436 = tpu.memref_slice %arg3[%add3A_397, %dma_wait3A_434, %dma_wait3A_435] : memref<2592x2x128xi32, #tpu.memory_space<hbm>> -> memref<3x2x128xi32, #tpu.memory_space<hbm>>
          tpu.wait_dma2 semaphore(%run_scoped3A : memref<!tpu.dma_semaphore, #tpu.memory_space<semaphore_mem>>) src(%dma_wait3A_436 : memref<3x2x128xi32, #tpu.memory_space<hbm>>) dst(%arg8 : memref<3x2x128xi32, #tpu.memory_space<vmem>>)
          tpu.yield
        }) : () -> ()
        %dma_start3A_398 = arith.constant 0 : i32
        %dma_start3A_399 = arith.constant 0 : i32
        %dma_start3A_400 = tpu.memref_slice %arg10[%dma_start3A_398, %dma_start3A_399] : memref<384x64xbf16, #tpu.memory_space<vmem>> -> memref<128x64xbf16, #tpu.memory_space<vmem>>
        %dma_start3A_401 = arith.constant 0 : i32
        %dma_start3A_402 = tpu.memref_slice %arg8[%scan3A_98, %scan3A_99, %dma_start3A_401] : memref<3x2x128xi32, #tpu.memory_space<vmem>> -> memref<1x1x128xi32, #tpu.memory_space<vmem>>
        %dma_start3A_403 = tpu.memref_squeeze %dma_start3A_402 : memref<1x1x128xi32, #tpu.memory_space<vmem>> -> memref<128xi32, #tpu.memory_space<vmem>>
        %dma_start3A_404 = arith.constant 0 : i32
        %dma_start3A_405 = arith.constant 0 : i32
        %dma_start3A_406 = tpu.memref_slice %arg7[%dma_start3A_404, %dma_start3A_405] : memref<10000x64xbf16, #tpu.memory_space<vmem_shared>> -> memref<10000x64xbf16, #tpu.memory_space<vmem_shared>>
        tpu.enqueue_indirect_dma source(%dma_start3A_406 : memref<10000x64xbf16, #tpu.memory_space<vmem_shared>>) target(%dma_start3A_400 : memref<128x64xbf16, #tpu.memory_space<vmem>>) offsets(%dma_start3A_403 : memref<128xi32, #tpu.memory_space<vmem>>) semaphore(%arg12 : memref<!tpu.dma_semaphore, #tpu.memory_space<semaphore_mem>>)
        %dma_start3A_407 = arith.constant 128 : i32
        %dma_start3A_408 = arith.constant 0 : i32
        %dma_start3A_409 = tpu.memref_slice %arg10[%dma_start3A_407, %dma_start3A_408] : memref<384x64xbf16, #tpu.memory_space<vmem>> -> memref<128x64xbf16, #tpu.memory_space<vmem>>
        %dma_start3A_410 = arith.constant 0 : i32
        %dma_start3A_411 = tpu.memref_slice %arg8[%scan3A_100, %scan3A_101, %dma_start3A_410] : memref<3x2x128xi32, #tpu.memory_space<vmem>> -> memref<1x1x128xi32, #tpu.memory_space<vmem>>
        %dma_start3A_412 = tpu.memref_squeeze %dma_start3A_411 : memref<1x1x128xi32, #tpu.memory_space<vmem>> -> memref<128xi32, #tpu.memory_space<vmem>>
        %dma_start3A_413 = arith.constant 0 : i32
        %dma_start3A_414 = arith.constant 0 : i32
        %dma_start3A_415 = tpu.memref_slice %arg7[%dma_start3A_413, %dma_start3A_414] : memref<10000x64xbf16, #tpu.memory_space<vmem_shared>> -> memref<10000x64xbf16, #tpu.memory_space<vmem_shared>>
        tpu.enqueue_indirect_dma source(%dma_start3A_415 : memref<10000x64xbf16, #tpu.memory_space<vmem_shared>>) target(%dma_start3A_409 : memref<128x64xbf16, #tpu.memory_space<vmem>>) offsets(%dma_start3A_412 : memref<128xi32, #tpu.memory_space<vmem>>) semaphore(%arg12 : memref<!tpu.dma_semaphore, #tpu.memory_space<semaphore_mem>>)
        %dma_start3A_416 = arith.constant 256 : i32
        %dma_start3A_417 = arith.constant 0 : i32
        %dma_start3A_418 = tpu.memref_slice %arg10[%dma_start3A_416, %dma_start3A_417] : memref<384x64xbf16, #tpu.memory_space<vmem>> -> memref<128x64xbf16, #tpu.memory_space<vmem>>
        %dma_start3A_419 = arith.constant 0 : i32
        %dma_start3A_420 = tpu.memref_slice %arg8[%scan3A_102, %scan3A_103, %dma_start3A_419] : memref<3x2x128xi32, #tpu.memory_space<vmem>> -> memref<1x1x128xi32, #tpu.memory_space<vmem>>
        %dma_start3A_421 = tpu.memref_squeeze %dma_start3A_420 : memref<1x1x128xi32, #tpu.memory_space<vmem>> -> memref<128xi32, #tpu.memory_space<vmem>>
        %dma_start3A_422 = arith.constant 0 : i32
        %dma_start3A_423 = arith.constant 0 : i32
        %dma_start3A_424 = tpu.memref_slice %arg7[%dma_start3A_422, %dma_start3A_423] : memref<10000x64xbf16, #tpu.memory_space<vmem_shared>> -> memref<10000x64xbf16, #tpu.memory_space<vmem_shared>>
        tpu.enqueue_indirect_dma source(%dma_start3A_424 : memref<10000x64xbf16, #tpu.memory_space<vmem_shared>>) target(%dma_start3A_418 : memref<128x64xbf16, #tpu.memory_space<vmem>>) offsets(%dma_start3A_421 : memref<128xi32, #tpu.memory_space<vmem>>) semaphore(%arg12 : memref<!tpu.dma_semaphore, #tpu.memory_space<semaphore_mem>>)
      } else {
      }
      %dma_wait3A_298 = arith.constant 0 : i32
      %dma_wait3A_299 = arith.constant 0 : i32
      %dma_wait3A_300 = tpu.memref_slice %arg11[%dma_wait3A_298, %dma_wait3A_299] : memref<384x64xbf16, #tpu.memory_space<vmem>> -> memref<128x64xbf16, #tpu.memory_space<vmem>>
      %dma_wait3A_301 = arith.constant 0 : i32
      %dma_wait3A_302 = tpu.memref_slice %arg9[%scan3A_92, %scan3A_93, %dma_wait3A_301] : memref<3x2x128xi32, #tpu.memory_space<vmem>> -> memref<1x1x128xi32, #tpu.memory_space<vmem>>
      %dma_wait3A_303 = tpu.memref_squeeze %dma_wait3A_302 : memref<1x1x128xi32, #tpu.memory_space<vmem>> -> memref<128xi32, #tpu.memory_space<vmem>>
      %dma_wait3A_304 = arith.constant 0 : i32
      %dma_wait3A_305 = arith.constant 0 : i32
      %dma_wait3A_306 = tpu.memref_slice %arg7[%dma_wait3A_304, %dma_wait3A_305] : memref<10000x64xbf16, #tpu.memory_space<vmem_shared>> -> memref<10000x64xbf16, #tpu.memory_space<vmem_shared>>
      tpu.wait_indirect_dma semaphore(%arg13 : memref<!tpu.dma_semaphore, #tpu.memory_space<semaphore_mem>>) src(%dma_wait3A_306 : memref<10000x64xbf16, #tpu.memory_space<vmem_shared>>) dst(%dma_wait3A_300 : memref<128x64xbf16, #tpu.memory_space<vmem>>)
      %dma_start3A_307 = arith.constant 0 : i32
      %dma_start3A_308 = arith.constant 1 : i32
      %dma_start3A_309 = arith.constant 0 : i32
      %dma_start3A_310 = arith.constant 0 : i32
      %dma_start3A_311 = tpu.memref_slice %arg11[%dma_start3A_309, %dma_start3A_310] : memref<384x64xbf16, #tpu.memory_space<vmem>> -> memref<128x64xbf16, #tpu.memory_space<vmem>>
      %dma_start3A_312 = arith.constant 0 : i32
      %dma_start3A_313 = tpu.memref_slice %arg9[%dma_start3A_307, %dma_start3A_308, %dma_start3A_312] : memref<3x2x128xi32, #tpu.memory_space<vmem>> -> memref<1x1x128xi32, #tpu.memory_space<vmem>>
      %dma_start3A_314 = tpu.memref_squeeze %dma_start3A_313 : memref<1x1x128xi32, #tpu.memory_space<vmem>> -> memref<128xi32, #tpu.memory_space<vmem>>
      %dma_start3A_315 = arith.constant 0 : i32
      %dma_start3A_316 = arith.constant 0 : i32
      %dma_start3A_317 = tpu.memref_slice %arg6[%dma_start3A_315, %dma_start3A_316] : memref<40008x64xbf16, #tpu.memory_space<vmem_shared>> -> memref<40008x64xbf16, #tpu.memory_space<vmem_shared>>
      tpu.enqueue_indirect_dma source(%dma_start3A_311 : memref<128x64xbf16, #tpu.memory_space<vmem>>) target(%dma_start3A_317 : memref<40008x64xbf16, #tpu.memory_space<vmem_shared>>) offsets(%dma_start3A_314 : memref<128xi32, #tpu.memory_space<vmem>>) semaphore(%arg15 : memref<!tpu.dma_semaphore, #tpu.memory_space<semaphore_mem>>) {add = true}
      %dma_wait3A_318 = arith.constant 128 : i32
      %dma_wait3A_319 = arith.constant 0 : i32
      %dma_wait3A_320 = tpu.memref_slice %arg11[%dma_wait3A_318, %dma_wait3A_319] : memref<384x64xbf16, #tpu.memory_space<vmem>> -> memref<128x64xbf16, #tpu.memory_space<vmem>>
      %dma_wait3A_321 = arith.constant 0 : i32
      %dma_wait3A_322 = tpu.memref_slice %arg9[%scan3A_94, %scan3A_95, %dma_wait3A_321] : memref<3x2x128xi32, #tpu.memory_space<vmem>> -> memref<1x1x128xi32, #tpu.memory_space<vmem>>
      %dma_wait3A_323 = tpu.memref_squeeze %dma_wait3A_322 : memref<1x1x128xi32, #tpu.memory_space<vmem>> -> memref<128xi32, #tpu.memory_space<vmem>>
      %dma_wait3A_324 = arith.constant 0 : i32
      %dma_wait3A_325 = arith.constant 0 : i32
      %dma_wait3A_326 = tpu.memref_slice %arg7[%dma_wait3A_324, %dma_wait3A_325] : memref<10000x64xbf16, #tpu.memory_space<vmem_shared>> -> memref<10000x64xbf16, #tpu.memory_space<vmem_shared>>
      tpu.wait_indirect_dma semaphore(%arg13 : memref<!tpu.dma_semaphore, #tpu.memory_space<semaphore_mem>>) src(%dma_wait3A_326 : memref<10000x64xbf16, #tpu.memory_space<vmem_shared>>) dst(%dma_wait3A_320 : memref<128x64xbf16, #tpu.memory_space<vmem>>)
      %dma_start3A_327 = arith.constant 1 : i32
      %dma_start3A_328 = arith.constant 1 : i32
      %dma_start3A_329 = arith.constant 128 : i32
      %dma_start3A_330 = arith.constant 0 : i32
      %dma_start3A_331 = tpu.memref_slice %arg11[%dma_start3A_329, %dma_start3A_330] : memref<384x64xbf16, #tpu.memory_space<vmem>> -> memref<128x64xbf16, #tpu.memory_space<vmem>>
      %dma_start3A_332 = arith.constant 0 : i32
      %dma_start3A_333 = tpu.memref_slice %arg9[%dma_start3A_327, %dma_start3A_328, %dma_start3A_332] : memref<3x2x128xi32, #tpu.memory_space<vmem>> -> memref<1x1x128xi32, #tpu.memory_space<vmem>>
      %dma_start3A_334 = tpu.memref_squeeze %dma_start3A_333 : memref<1x1x128xi32, #tpu.memory_space<vmem>> -> memref<128xi32, #tpu.memory_space<vmem>>
      %dma_start3A_335 = arith.constant 0 : i32
      %dma_start3A_336 = arith.constant 0 : i32
      %dma_start3A_337 = tpu.memref_slice %arg6[%dma_start3A_335, %dma_start3A_336] : memref<40008x64xbf16, #tpu.memory_space<vmem_shared>> -> memref<40008x64xbf16, #tpu.memory_space<vmem_shared>>
      tpu.enqueue_indirect_dma source(%dma_start3A_331 : memref<128x64xbf16, #tpu.memory_space<vmem>>) target(%dma_start3A_337 : memref<40008x64xbf16, #tpu.memory_space<vmem_shared>>) offsets(%dma_start3A_334 : memref<128xi32, #tpu.memory_space<vmem>>) semaphore(%arg15 : memref<!tpu.dma_semaphore, #tpu.memory_space<semaphore_mem>>) {add = true}
      %dma_wait3A_338 = arith.constant 256 : i32
      %dma_wait3A_339 = arith.constant 0 : i32
      %dma_wait3A_340 = tpu.memref_slice %arg11[%dma_wait3A_338, %dma_wait3A_339] : memref<384x64xbf16, #tpu.memory_space<vmem>> -> memref<128x64xbf16, #tpu.memory_space<vmem>>
      %dma_wait3A_341 = arith.constant 0 : i32
      %dma_wait3A_342 = tpu.memref_slice %arg9[%scan3A_96, %scan3A_97, %dma_wait3A_341] : memref<3x2x128xi32, #tpu.memory_space<vmem>> -> memref<1x1x128xi32, #tpu.memory_space<vmem>>
      %dma_wait3A_343 = tpu.memref_squeeze %dma_wait3A_342 : memref<1x1x128xi32, #tpu.memory_space<vmem>> -> memref<128xi32, #tpu.memory_space<vmem>>
      %dma_wait3A_344 = arith.constant 0 : i32
      %dma_wait3A_345 = arith.constant 0 : i32
      %dma_wait3A_346 = tpu.memref_slice %arg7[%dma_wait3A_344, %dma_wait3A_345] : memref<10000x64xbf16, #tpu.memory_space<vmem_shared>> -> memref<10000x64xbf16, #tpu.memory_space<vmem_shared>>
      tpu.wait_indirect_dma semaphore(%arg13 : memref<!tpu.dma_semaphore, #tpu.memory_space<semaphore_mem>>) src(%dma_wait3A_346 : memref<10000x64xbf16, #tpu.memory_space<vmem_shared>>) dst(%dma_wait3A_340 : memref<128x64xbf16, #tpu.memory_space<vmem>>)
      %dma_start3A_347 = arith.constant 2 : i32
      %dma_start3A_348 = arith.constant 1 : i32
      %dma_start3A_349 = arith.constant 256 : i32
      %dma_start3A_350 = arith.constant 0 : i32
      %dma_start3A_351 = tpu.memref_slice %arg11[%dma_start3A_349, %dma_start3A_350] : memref<384x64xbf16, #tpu.memory_space<vmem>> -> memref<128x64xbf16, #tpu.memory_space<vmem>>
      %dma_start3A_352 = arith.constant 0 : i32
      %dma_start3A_353 = tpu.memref_slice %arg9[%dma_start3A_347, %dma_start3A_348, %dma_start3A_352] : memref<3x2x128xi32, #tpu.memory_space<vmem>> -> memref<1x1x128xi32, #tpu.memory_space<vmem>>
      %dma_start3A_354 = tpu.memref_squeeze %dma_start3A_353 : memref<1x1x128xi32, #tpu.memory_space<vmem>> -> memref<128xi32, #tpu.memory_space<vmem>>
      %dma_start3A_355 = arith.constant 0 : i32
      %dma_start3A_356 = arith.constant 0 : i32
      %dma_start3A_357 = tpu.memref_slice %arg6[%dma_start3A_355, %dma_start3A_356] : memref<40008x64xbf16, #tpu.memory_space<vmem_shared>> -> memref<40008x64xbf16, #tpu.memory_space<vmem_shared>>
      tpu.enqueue_indirect_dma source(%dma_start3A_351 : memref<128x64xbf16, #tpu.memory_space<vmem>>) target(%dma_start3A_357 : memref<40008x64xbf16, #tpu.memory_space<vmem_shared>>) offsets(%dma_start3A_354 : memref<128xi32, #tpu.memory_space<vmem>>) semaphore(%arg15 : memref<!tpu.dma_semaphore, #tpu.memory_space<semaphore_mem>>) {add = true}
      %dma_wait3A_358 = arith.constant 0 : i32
      %dma_wait3A_359 = arith.constant 1 : i32
      %dma_wait3A_360 = arith.constant 0 : i32
      %dma_wait3A_361 = arith.constant 0 : i32
      %dma_wait3A_362 = tpu.memref_slice %arg11[%dma_wait3A_360, %dma_wait3A_361] : memref<384x64xbf16, #tpu.memory_space<vmem>> -> memref<128x64xbf16, #tpu.memory_space<vmem>>
      %dma_wait3A_363 = arith.constant 0 : i32
      %dma_wait3A_364 = tpu.memref_slice %arg9[%dma_wait3A_358, %dma_wait3A_359, %dma_wait3A_363] : memref<3x2x128xi32, #tpu.memory_space<vmem>> -> memref<1x1x128xi32, #tpu.memory_space<vmem>>
      %dma_wait3A_365 = tpu.memref_squeeze %dma_wait3A_364 : memref<1x1x128xi32, #tpu.memory_space<vmem>> -> memref<128xi32, #tpu.memory_space<vmem>>
      %dma_wait3A_366 = arith.constant 0 : i32
      %dma_wait3A_367 = arith.constant 0 : i32
      %dma_wait3A_368 = tpu.memref_slice %arg6[%dma_wait3A_366, %dma_wait3A_367] : memref<40008x64xbf16, #tpu.memory_space<vmem_shared>> -> memref<40008x64xbf16, #tpu.memory_space<vmem_shared>>
      tpu.wait_indirect_dma semaphore(%arg15 : memref<!tpu.dma_semaphore, #tpu.memory_space<semaphore_mem>>) src(%dma_wait3A_362 : memref<128x64xbf16, #tpu.memory_space<vmem>>) dst(%dma_wait3A_368 : memref<40008x64xbf16, #tpu.memory_space<vmem_shared>>)
      %dma_wait3A_369 = arith.constant 1 : i32
      %dma_wait3A_370 = arith.constant 1 : i32
      %dma_wait3A_371 = arith.constant 128 : i32
      %dma_wait3A_372 = arith.constant 0 : i32
      %dma_wait3A_373 = tpu.memref_slice %arg11[%dma_wait3A_371, %dma_wait3A_372] : memref<384x64xbf16, #tpu.memory_space<vmem>> -> memref<128x64xbf16, #tpu.memory_space<vmem>>
      %dma_wait3A_374 = arith.constant 0 : i32
      %dma_wait3A_375 = tpu.memref_slice %arg9[%dma_wait3A_369, %dma_wait3A_370, %dma_wait3A_374] : memref<3x2x128xi32, #tpu.memory_space<vmem>> -> memref<1x1x128xi32, #tpu.memory_space<vmem>>
      %dma_wait3A_376 = tpu.memref_squeeze %dma_wait3A_375 : memref<1x1x128xi32, #tpu.memory_space<vmem>> -> memref<128xi32, #tpu.memory_space<vmem>>
      %dma_wait3A_377 = arith.constant 0 : i32
      %dma_wait3A_378 = arith.constant 0 : i32
      %dma_wait3A_379 = tpu.memref_slice %arg6[%dma_wait3A_377, %dma_wait3A_378] : memref<40008x64xbf16, #tpu.memory_space<vmem_shared>> -> memref<40008x64xbf16, #tpu.memory_space<vmem_shared>>
      tpu.wait_indirect_dma semaphore(%arg15 : memref<!tpu.dma_semaphore, #tpu.memory_space<semaphore_mem>>) src(%dma_wait3A_373 : memref<128x64xbf16, #tpu.memory_space<vmem>>) dst(%dma_wait3A_379 : memref<40008x64xbf16, #tpu.memory_space<vmem_shared>>)
      %dma_wait3A_380 = arith.constant 2 : i32
      %dma_wait3A_381 = arith.constant 1 : i32
      %dma_wait3A_382 = arith.constant 256 : i32
      %dma_wait3A_383 = arith.constant 0 : i32
      %dma_wait3A_384 = tpu.memref_slice %arg11[%dma_wait3A_382, %dma_wait3A_383] : memref<384x64xbf16, #tpu.memory_space<vmem>> -> memref<128x64xbf16, #tpu.memory_space<vmem>>
      %dma_wait3A_385 = arith.constant 0 : i32
      %dma_wait3A_386 = tpu.memref_slice %arg9[%dma_wait3A_380, %dma_wait3A_381, %dma_wait3A_385] : memref<3x2x128xi32, #tpu.memory_space<vmem>> -> memref<1x1x128xi32, #tpu.memory_space<vmem>>
      %dma_wait3A_387 = tpu.memref_squeeze %dma_wait3A_386 : memref<1x1x128xi32, #tpu.memory_space<vmem>> -> memref<128xi32, #tpu.memory_space<vmem>>
      %dma_wait3A_388 = arith.constant 0 : i32
      %dma_wait3A_389 = arith.constant 0 : i32
      %dma_wait3A_390 = tpu.memref_slice %arg6[%dma_wait3A_388, %dma_wait3A_389] : memref<40008x64xbf16, #tpu.memory_space<vmem_shared>> -> memref<40008x64xbf16, #tpu.memory_space<vmem_shared>>
      tpu.wait_indirect_dma semaphore(%arg15 : memref<!tpu.dma_semaphore, #tpu.memory_space<semaphore_mem>>) src(%dma_wait3A_384 : memref<128x64xbf16, #tpu.memory_space<vmem>>) dst(%dma_wait3A_390 : memref<40008x64xbf16, #tpu.memory_space<vmem_shared>>)
    }
    %scan3A_108 = arith.constant 27 : i32
    %barrier3A_109 = arith.constant 0 : index
    tpu.barrier barrier_id(%barrier3A_109)
    %add3A_110 = arith.constant 0 : i32
    %add3A_111 = arith.addi %arg1, %add3A_110 : i32
    %lt3A_112 = arith.constant 125 : i32
    %lt3A_113 = arith.cmpi slt, %add3A_111, %lt3A_112 : i32
    %convert_element_type3A_114 = arith.extui %lt3A_113 : i1 to i32
    %cond3A_115 = arith.constant 0 : i32
    %cond3A_116 = arith.cmpi ne, %convert_element_type3A_114, %cond3A_115 : i32
    scf.if %cond3A_116 {
      %mul3A_166 = arith.constant 320 : i32
      %mul3A_167 = arith.muli %add3A_111, %mul3A_166 : i32
      "tpu.region"() ({
        %run_scoped3A = tpu.sem_alloc : memref<!tpu.dma_semaphore, #tpu.memory_space<semaphore_mem>>
        %dma_start3A_168 = arith.constant 0 : i32
        %dma_start3A_169 = arith.constant 0 : i32
        %dma_start3A_170 = tpu.memref_slice %arg10[%dma_start3A_168, %dma_start3A_169] : memref<384x64xbf16, #tpu.memory_space<vmem>> -> memref<320x64xbf16, #tpu.memory_space<vmem>>
        %dma_start3A_171 = arith.constant 0 : i32
        %dma_start3A_172 = tpu.memref_slice %arg6[%mul3A_167, %dma_start3A_171] : memref<40008x64xbf16, #tpu.memory_space<vmem_shared>> -> memref<320x64xbf16, #tpu.memory_space<vmem_shared>>
        %dma_start3A_173 = arith.constant 0 : i32
        %dma_start3A_174 = arith.constant 0 : i32
        %dma_start3A_175 = tpu.memref_slice %arg10[%dma_start3A_173, %dma_start3A_174] : memref<384x64xbf16, #tpu.memory_space<vmem>> -> memref<320x64xbf16, #tpu.memory_space<vmem>>
        %dma_start3A_176 = arith.constant 0 : i32
        %dma_start3A_177 = tpu.memref_slice %arg6[%mul3A_167, %dma_start3A_176] : memref<40008x64xbf16, #tpu.memory_space<vmem_shared>> -> memref<320x64xbf16, #tpu.memory_space<vmem_shared>>
        tpu.enqueue_dma source(%dma_start3A_177 : memref<320x64xbf16, #tpu.memory_space<vmem_shared>>) target(%dma_start3A_175 : memref<320x64xbf16, #tpu.memory_space<vmem>>) target_semaphore(%run_scoped3A : memref<!tpu.dma_semaphore, #tpu.memory_space<semaphore_mem>>)
        %dma_wait3A = arith.constant 0 : i32
        %dma_wait3A_178 = arith.constant 0 : i32
        %dma_wait3A_179 = tpu.memref_slice %arg10[%dma_wait3A, %dma_wait3A_178] : memref<384x64xbf16, #tpu.memory_space<vmem>> -> memref<320x64xbf16, #tpu.memory_space<vmem>>
        %dma_wait3A_180 = arith.constant 0 : i32
        %dma_wait3A_181 = tpu.memref_slice %arg6[%mul3A_167, %dma_wait3A_180] : memref<40008x64xbf16, #tpu.memory_space<vmem_shared>> -> memref<320x64xbf16, #tpu.memory_space<vmem_shared>>
        %dma_wait3A_182 = arith.constant 0 : i32
        %dma_wait3A_183 = arith.constant 0 : i32
        %dma_wait3A_184 = tpu.memref_slice %arg10[%dma_wait3A_182, %dma_wait3A_183] : memref<384x64xbf16, #tpu.memory_space<vmem>> -> memref<320x64xbf16, #tpu.memory_space<vmem>>
        %dma_wait3A_185 = arith.constant 0 : i32
        %dma_wait3A_186 = tpu.memref_slice %arg6[%mul3A_167, %dma_wait3A_185] : memref<40008x64xbf16, #tpu.memory_space<vmem_shared>> -> memref<320x64xbf16, #tpu.memory_space<vmem_shared>>
        tpu.wait_dma2 semaphore(%run_scoped3A : memref<!tpu.dma_semaphore, #tpu.memory_space<semaphore_mem>>) src(%dma_wait3A_186 : memref<320x64xbf16, #tpu.memory_space<vmem_shared>>) dst(%dma_wait3A_184 : memref<320x64xbf16, #tpu.memory_space<vmem>>)
        tpu.yield
      }) : () -> ()
      "tpu.region"() ({
        %run_scoped3A = tpu.sem_alloc : memref<!tpu.dma_semaphore, #tpu.memory_space<semaphore_mem>>
        %dma_start3A_168 = arith.constant 0 : i32
        %dma_start3A_169 = arith.constant 0 : i32
        %dma_start3A_170 = tpu.memref_slice %arg10[%dma_start3A_168, %dma_start3A_169] : memref<384x64xbf16, #tpu.memory_space<vmem>> -> memref<320x64xbf16, #tpu.memory_space<vmem>>
        %dma_start3A_171 = arith.constant 0 : i32
        %dma_start3A_172 = tpu.memref_slice %arg5[%arg0, %mul3A_167, %dma_start3A_171] : memref<2x40000x64xbf16, #tpu.memory_space<hbm>> -> memref<1x320x64xbf16, #tpu.memory_space<hbm>>
        %dma_start3A_173 = tpu.memref_squeeze %dma_start3A_172 : memref<1x320x64xbf16, #tpu.memory_space<hbm>> -> memref<320x64xbf16, #tpu.memory_space<hbm>>
        %dma_start3A_174 = arith.constant 0 : i32
        %dma_start3A_175 = tpu.memref_slice %arg5[%arg0, %mul3A_167, %dma_start3A_174] : memref<2x40000x64xbf16, #tpu.memory_space<hbm>> -> memref<1x320x64xbf16, #tpu.memory_space<hbm>>
        %dma_start3A_176 = tpu.memref_squeeze %dma_start3A_175 : memref<1x320x64xbf16, #tpu.memory_space<hbm>> -> memref<320x64xbf16, #tpu.memory_space<hbm>>
        %dma_start3A_177 = arith.constant 0 : i32
        %dma_start3A_178 = arith.constant 0 : i32
        %dma_start3A_179 = tpu.memref_slice %arg10[%dma_start3A_177, %dma_start3A_178] : memref<384x64xbf16, #tpu.memory_space<vmem>> -> memref<320x64xbf16, #tpu.memory_space<vmem>>
        tpu.enqueue_dma source(%dma_start3A_179 : memref<320x64xbf16, #tpu.memory_space<vmem>>) target(%dma_start3A_176 : memref<320x64xbf16, #tpu.memory_space<hbm>>) target_semaphore(%run_scoped3A : memref<!tpu.dma_semaphore, #tpu.memory_space<semaphore_mem>>)
        %dma_wait3A = arith.constant 0 : i32
        %dma_wait3A_180 = arith.constant 0 : i32
        %dma_wait3A_181 = tpu.memref_slice %arg10[%dma_wait3A, %dma_wait3A_180] : memref<384x64xbf16, #tpu.memory_space<vmem>> -> memref<320x64xbf16, #tpu.memory_space<vmem>>
        %dma_wait3A_182 = arith.constant 0 : i32
        %dma_wait3A_183 = tpu.memref_slice %arg5[%arg0, %mul3A_167, %dma_wait3A_182] : memref<2x40000x64xbf16, #tpu.memory_space<hbm>> -> memref<1x320x64xbf16, #tpu.memory_space<hbm>>
        %dma_wait3A_184 = tpu.memref_squeeze %dma_wait3A_183 : memref<1x320x64xbf16, #tpu.memory_space<hbm>> -> memref<320x64xbf16, #tpu.memory_space<hbm>>
        %dma_wait3A_185 = arith.constant 0 : i32
        %dma_wait3A_186 = tpu.memref_slice %arg5[%arg0, %mul3A_167, %dma_wait3A_185] : memref<2x40000x64xbf16, #tpu.memory_space<hbm>> -> memref<1x320x64xbf16, #tpu.memory_space<hbm>>
        %dma_wait3A_187 = tpu.memref_squeeze %dma_wait3A_186 : memref<1x320x64xbf16, #tpu.memory_space<hbm>> -> memref<320x64xbf16, #tpu.memory_space<hbm>>
        %dma_wait3A_188 = arith.constant 0 : i32
        %dma_wait3A_189 = arith.constant 0 : i32
        %dma_wait3A_190 = tpu.memref_slice %arg10[%dma_wait3A_188, %dma_wait3A_189] : memref<384x64xbf16, #tpu.memory_space<vmem>> -> memref<320x64xbf16, #tpu.memory_space<vmem>>
        tpu.wait_dma2 semaphore(%run_scoped3A : memref<!tpu.dma_semaphore, #tpu.memory_space<semaphore_mem>>) src(%dma_wait3A_190 : memref<320x64xbf16, #tpu.memory_space<vmem>>) dst(%dma_wait3A_187 : memref<320x64xbf16, #tpu.memory_space<hbm>>)
        tpu.yield
      }) : () -> ()
    } else {
    }
    %add3A_117 = arith.constant 16 : i32
    %add3A_118 = arith.addi %arg1, %add3A_117 : i32
    %lt3A_119 = arith.constant 125 : i32
    %lt3A_120 = arith.cmpi slt, %add3A_118, %lt3A_119 : i32
    %convert_element_type3A_121 = arith.extui %lt3A_120 : i1 to i32
    %cond3A_122 = arith.constant 0 : i32
    %cond3A_123 = arith.cmpi ne, %convert_element_type3A_121, %cond3A_122 : i32
    scf.if %cond3A_123 {
      %mul3A_166 = arith.constant 320 : i32
      %mul3A_167 = arith.muli %add3A_118, %mul3A_166 : i32
      "tpu.region"() ({
        %run_scoped3A = tpu.sem_alloc : memref<!tpu.dma_semaphore, #tpu.memory_space<semaphore_mem>>
        %dma_start3A_168 = arith.constant 0 : i32
        %dma_start3A_169 = arith.constant 0 : i32
        %dma_start3A_170 = tpu.memref_slice %arg10[%dma_start3A_168, %dma_start3A_169] : memref<384x64xbf16, #tpu.memory_space<vmem>> -> memref<320x64xbf16, #tpu.memory_space<vmem>>
        %dma_start3A_171 = arith.constant 0 : i32
        %dma_start3A_172 = tpu.memref_slice %arg6[%mul3A_167, %dma_start3A_171] : memref<40008x64xbf16, #tpu.memory_space<vmem_shared>> -> memref<320x64xbf16, #tpu.memory_space<vmem_shared>>
        %dma_start3A_173 = arith.constant 0 : i32
        %dma_start3A_174 = arith.constant 0 : i32
        %dma_start3A_175 = tpu.memref_slice %arg10[%dma_start3A_173, %dma_start3A_174] : memref<384x64xbf16, #tpu.memory_space<vmem>> -> memref<320x64xbf16, #tpu.memory_space<vmem>>
        %dma_start3A_176 = arith.constant 0 : i32
        %dma_start3A_177 = tpu.memref_slice %arg6[%mul3A_167, %dma_start3A_176] : memref<40008x64xbf16, #tpu.memory_space<vmem_shared>> -> memref<320x64xbf16, #tpu.memory_space<vmem_shared>>
        tpu.enqueue_dma source(%dma_start3A_177 : memref<320x64xbf16, #tpu.memory_space<vmem_shared>>) target(%dma_start3A_175 : memref<320x64xbf16, #tpu.memory_space<vmem>>) target_semaphore(%run_scoped3A : memref<!tpu.dma_semaphore, #tpu.memory_space<semaphore_mem>>)
        %dma_wait3A = arith.constant 0 : i32
        %dma_wait3A_178 = arith.constant 0 : i32
        %dma_wait3A_179 = tpu.memref_slice %arg10[%dma_wait3A, %dma_wait3A_178] : memref<384x64xbf16, #tpu.memory_space<vmem>> -> memref<320x64xbf16, #tpu.memory_space<vmem>>
        %dma_wait3A_180 = arith.constant 0 : i32
        %dma_wait3A_181 = tpu.memref_slice %arg6[%mul3A_167, %dma_wait3A_180] : memref<40008x64xbf16, #tpu.memory_space<vmem_shared>> -> memref<320x64xbf16, #tpu.memory_space<vmem_shared>>
        %dma_wait3A_182 = arith.constant 0 : i32
        %dma_wait3A_183 = arith.constant 0 : i32
        %dma_wait3A_184 = tpu.memref_slice %arg10[%dma_wait3A_182, %dma_wait3A_183] : memref<384x64xbf16, #tpu.memory_space<vmem>> -> memref<320x64xbf16, #tpu.memory_space<vmem>>
        %dma_wait3A_185 = arith.constant 0 : i32
        %dma_wait3A_186 = tpu.memref_slice %arg6[%mul3A_167, %dma_wait3A_185] : memref<40008x64xbf16, #tpu.memory_space<vmem_shared>> -> memref<320x64xbf16, #tpu.memory_space<vmem_shared>>
        tpu.wait_dma2 semaphore(%run_scoped3A : memref<!tpu.dma_semaphore, #tpu.memory_space<semaphore_mem>>) src(%dma_wait3A_186 : memref<320x64xbf16, #tpu.memory_space<vmem_shared>>) dst(%dma_wait3A_184 : memref<320x64xbf16, #tpu.memory_space<vmem>>)
        tpu.yield
      }) : () -> ()
      "tpu.region"() ({
        %run_scoped3A = tpu.sem_alloc : memref<!tpu.dma_semaphore, #tpu.memory_space<semaphore_mem>>
        %dma_start3A_168 = arith.constant 0 : i32
        %dma_start3A_169 = arith.constant 0 : i32
        %dma_start3A_170 = tpu.memref_slice %arg10[%dma_start3A_168, %dma_start3A_169] : memref<384x64xbf16, #tpu.memory_space<vmem>> -> memref<320x64xbf16, #tpu.memory_space<vmem>>
        %dma_start3A_171 = arith.constant 0 : i32
        %dma_start3A_172 = tpu.memref_slice %arg5[%arg0, %mul3A_167, %dma_start3A_171] : memref<2x40000x64xbf16, #tpu.memory_space<hbm>> -> memref<1x320x64xbf16, #tpu.memory_space<hbm>>
        %dma_start3A_173 = tpu.memref_squeeze %dma_start3A_172 : memref<1x320x64xbf16, #tpu.memory_space<hbm>> -> memref<320x64xbf16, #tpu.memory_space<hbm>>
        %dma_start3A_174 = arith.constant 0 : i32
        %dma_start3A_175 = tpu.memref_slice %arg5[%arg0, %mul3A_167, %dma_start3A_174] : memref<2x40000x64xbf16, #tpu.memory_space<hbm>> -> memref<1x320x64xbf16, #tpu.memory_space<hbm>>
        %dma_start3A_176 = tpu.memref_squeeze %dma_start3A_175 : memref<1x320x64xbf16, #tpu.memory_space<hbm>> -> memref<320x64xbf16, #tpu.memory_space<hbm>>
        %dma_start3A_177 = arith.constant 0 : i32
        %dma_start3A_178 = arith.constant 0 : i32
        %dma_start3A_179 = tpu.memref_slice %arg10[%dma_start3A_177, %dma_start3A_178] : memref<384x64xbf16, #tpu.memory_space<vmem>> -> memref<320x64xbf16, #tpu.memory_space<vmem>>
        tpu.enqueue_dma source(%dma_start3A_179 : memref<320x64xbf16, #tpu.memory_space<vmem>>) target(%dma_start3A_176 : memref<320x64xbf16, #tpu.memory_space<hbm>>) target_semaphore(%run_scoped3A : memref<!tpu.dma_semaphore, #tpu.memory_space<semaphore_mem>>)
        %dma_wait3A = arith.constant 0 : i32
        %dma_wait3A_180 = arith.constant 0 : i32
        %dma_wait3A_181 = tpu.memref_slice %arg10[%dma_wait3A, %dma_wait3A_180] : memref<384x64xbf16, #tpu.memory_space<vmem>> -> memref<320x64xbf16, #tpu.memory_space<vmem>>
        %dma_wait3A_182 = arith.constant 0 : i32
        %dma_wait3A_183 = tpu.memref_slice %arg5[%arg0, %mul3A_167, %dma_wait3A_182] : memref<2x40000x64xbf16, #tpu.memory_space<hbm>> -> memref<1x320x64xbf16, #tpu.memory_space<hbm>>
        %dma_wait3A_184 = tpu.memref_squeeze %dma_wait3A_183 : memref<1x320x64xbf16, #tpu.memory_space<hbm>> -> memref<320x64xbf16, #tpu.memory_space<hbm>>
        %dma_wait3A_185 = arith.constant 0 : i32
        %dma_wait3A_186 = tpu.memref_slice %arg5[%arg0, %mul3A_167, %dma_wait3A_185] : memref<2x40000x64xbf16, #tpu.memory_space<hbm>> -> memref<1x320x64xbf16, #tpu.memory_space<hbm>>
        %dma_wait3A_187 = tpu.memref_squeeze %dma_wait3A_186 : memref<1x320x64xbf16, #tpu.memory_space<hbm>> -> memref<320x64xbf16, #tpu.memory_space<hbm>>
        %dma_wait3A_188 = arith.constant 0 : i32
        %dma_wait3A_189 = arith.constant 0 : i32
        %dma_wait3A_190 = tpu.memref_slice %arg10[%dma_wait3A_188, %dma_wait3A_189] : memref<384x64xbf16, #tpu.memory_space<vmem>> -> memref<320x64xbf16, #tpu.memory_space<vmem>>
        tpu.wait_dma2 semaphore(%run_scoped3A : memref<!tpu.dma_semaphore, #tpu.memory_space<semaphore_mem>>) src(%dma_wait3A_190 : memref<320x64xbf16, #tpu.memory_space<vmem>>) dst(%dma_wait3A_187 : memref<320x64xbf16, #tpu.memory_space<hbm>>)
        tpu.yield
      }) : () -> ()
    } else {
    }
    %add3A_124 = arith.constant 32 : i32
    %add3A_125 = arith.addi %arg1, %add3A_124 : i32
    %lt3A_126 = arith.constant 125 : i32
    %lt3A_127 = arith.cmpi slt, %add3A_125, %lt3A_126 : i32
    %convert_element_type3A_128 = arith.extui %lt3A_127 : i1 to i32
    %cond3A_129 = arith.constant 0 : i32
    %cond3A_130 = arith.cmpi ne, %convert_element_type3A_128, %cond3A_129 : i32
    scf.if %cond3A_130 {
      %mul3A_166 = arith.constant 320 : i32
      %mul3A_167 = arith.muli %add3A_125, %mul3A_166 : i32
      "tpu.region"() ({
        %run_scoped3A = tpu.sem_alloc : memref<!tpu.dma_semaphore, #tpu.memory_space<semaphore_mem>>
        %dma_start3A_168 = arith.constant 0 : i32
        %dma_start3A_169 = arith.constant 0 : i32
        %dma_start3A_170 = tpu.memref_slice %arg10[%dma_start3A_168, %dma_start3A_169] : memref<384x64xbf16, #tpu.memory_space<vmem>> -> memref<320x64xbf16, #tpu.memory_space<vmem>>
        %dma_start3A_171 = arith.constant 0 : i32
        %dma_start3A_172 = tpu.memref_slice %arg6[%mul3A_167, %dma_start3A_171] : memref<40008x64xbf16, #tpu.memory_space<vmem_shared>> -> memref<320x64xbf16, #tpu.memory_space<vmem_shared>>
        %dma_start3A_173 = arith.constant 0 : i32
        %dma_start3A_174 = arith.constant 0 : i32
        %dma_start3A_175 = tpu.memref_slice %arg10[%dma_start3A_173, %dma_start3A_174] : memref<384x64xbf16, #tpu.memory_space<vmem>> -> memref<320x64xbf16, #tpu.memory_space<vmem>>
        %dma_start3A_176 = arith.constant 0 : i32
        %dma_start3A_177 = tpu.memref_slice %arg6[%mul3A_167, %dma_start3A_176] : memref<40008x64xbf16, #tpu.memory_space<vmem_shared>> -> memref<320x64xbf16, #tpu.memory_space<vmem_shared>>
        tpu.enqueue_dma source(%dma_start3A_177 : memref<320x64xbf16, #tpu.memory_space<vmem_shared>>) target(%dma_start3A_175 : memref<320x64xbf16, #tpu.memory_space<vmem>>) target_semaphore(%run_scoped3A : memref<!tpu.dma_semaphore, #tpu.memory_space<semaphore_mem>>)
        %dma_wait3A = arith.constant 0 : i32
        %dma_wait3A_178 = arith.constant 0 : i32
        %dma_wait3A_179 = tpu.memref_slice %arg10[%dma_wait3A, %dma_wait3A_178] : memref<384x64xbf16, #tpu.memory_space<vmem>> -> memref<320x64xbf16, #tpu.memory_space<vmem>>
        %dma_wait3A_180 = arith.constant 0 : i32
        %dma_wait3A_181 = tpu.memref_slice %arg6[%mul3A_167, %dma_wait3A_180] : memref<40008x64xbf16, #tpu.memory_space<vmem_shared>> -> memref<320x64xbf16, #tpu.memory_space<vmem_shared>>
        %dma_wait3A_182 = arith.constant 0 : i32
        %dma_wait3A_183 = arith.constant 0 : i32
        %dma_wait3A_184 = tpu.memref_slice %arg10[%dma_wait3A_182, %dma_wait3A_183] : memref<384x64xbf16, #tpu.memory_space<vmem>> -> memref<320x64xbf16, #tpu.memory_space<vmem>>
        %dma_wait3A_185 = arith.constant 0 : i32
        %dma_wait3A_186 = tpu.memref_slice %arg6[%mul3A_167, %dma_wait3A_185] : memref<40008x64xbf16, #tpu.memory_space<vmem_shared>> -> memref<320x64xbf16, #tpu.memory_space<vmem_shared>>
        tpu.wait_dma2 semaphore(%run_scoped3A : memref<!tpu.dma_semaphore, #tpu.memory_space<semaphore_mem>>) src(%dma_wait3A_186 : memref<320x64xbf16, #tpu.memory_space<vmem_shared>>) dst(%dma_wait3A_184 : memref<320x64xbf16, #tpu.memory_space<vmem>>)
        tpu.yield
      }) : () -> ()
      "tpu.region"() ({
        %run_scoped3A = tpu.sem_alloc : memref<!tpu.dma_semaphore, #tpu.memory_space<semaphore_mem>>
        %dma_start3A_168 = arith.constant 0 : i32
        %dma_start3A_169 = arith.constant 0 : i32
        %dma_start3A_170 = tpu.memref_slice %arg10[%dma_start3A_168, %dma_start3A_169] : memref<384x64xbf16, #tpu.memory_space<vmem>> -> memref<320x64xbf16, #tpu.memory_space<vmem>>
        %dma_start3A_171 = arith.constant 0 : i32
        %dma_start3A_172 = tpu.memref_slice %arg5[%arg0, %mul3A_167, %dma_start3A_171] : memref<2x40000x64xbf16, #tpu.memory_space<hbm>> -> memref<1x320x64xbf16, #tpu.memory_space<hbm>>
        %dma_start3A_173 = tpu.memref_squeeze %dma_start3A_172 : memref<1x320x64xbf16, #tpu.memory_space<hbm>> -> memref<320x64xbf16, #tpu.memory_space<hbm>>
        %dma_start3A_174 = arith.constant 0 : i32
        %dma_start3A_175 = tpu.memref_slice %arg5[%arg0, %mul3A_167, %dma_start3A_174] : memref<2x40000x64xbf16, #tpu.memory_space<hbm>> -> memref<1x320x64xbf16, #tpu.memory_space<hbm>>
        %dma_start3A_176 = tpu.memref_squeeze %dma_start3A_175 : memref<1x320x64xbf16, #tpu.memory_space<hbm>> -> memref<320x64xbf16, #tpu.memory_space<hbm>>
        %dma_start3A_177 = arith.constant 0 : i32
        %dma_start3A_178 = arith.constant 0 : i32
        %dma_start3A_179 = tpu.memref_slice %arg10[%dma_start3A_177, %dma_start3A_178] : memref<384x64xbf16, #tpu.memory_space<vmem>> -> memref<320x64xbf16, #tpu.memory_space<vmem>>
        tpu.enqueue_dma source(%dma_start3A_179 : memref<320x64xbf16, #tpu.memory_space<vmem>>) target(%dma_start3A_176 : memref<320x64xbf16, #tpu.memory_space<hbm>>) target_semaphore(%run_scoped3A : memref<!tpu.dma_semaphore, #tpu.memory_space<semaphore_mem>>)
        %dma_wait3A = arith.constant 0 : i32
        %dma_wait3A_180 = arith.constant 0 : i32
        %dma_wait3A_181 = tpu.memref_slice %arg10[%dma_wait3A, %dma_wait3A_180] : memref<384x64xbf16, #tpu.memory_space<vmem>> -> memref<320x64xbf16, #tpu.memory_space<vmem>>
        %dma_wait3A_182 = arith.constant 0 : i32
        %dma_wait3A_183 = tpu.memref_slice %arg5[%arg0, %mul3A_167, %dma_wait3A_182] : memref<2x40000x64xbf16, #tpu.memory_space<hbm>> -> memref<1x320x64xbf16, #tpu.memory_space<hbm>>
        %dma_wait3A_184 = tpu.memref_squeeze %dma_wait3A_183 : memref<1x320x64xbf16, #tpu.memory_space<hbm>> -> memref<320x64xbf16, #tpu.memory_space<hbm>>
        %dma_wait3A_185 = arith.constant 0 : i32
        %dma_wait3A_186 = tpu.memref_slice %arg5[%arg0, %mul3A_167, %dma_wait3A_185] : memref<2x40000x64xbf16, #tpu.memory_space<hbm>> -> memref<1x320x64xbf16, #tpu.memory_space<hbm>>
        %dma_wait3A_187 = tpu.memref_squeeze %dma_wait3A_186 : memref<1x320x64xbf16, #tpu.memory_space<hbm>> -> memref<320x64xbf16, #tpu.memory_space<hbm>>
        %dma_wait3A_188 = arith.constant 0 : i32
        %dma_wait3A_189 = arith.constant 0 : i32
        %dma_wait3A_190 = tpu.memref_slice %arg10[%dma_wait3A_188, %dma_wait3A_189] : memref<384x64xbf16, #tpu.memory_space<vmem>> -> memref<320x64xbf16, #tpu.memory_space<vmem>>
        tpu.wait_dma2 semaphore(%run_scoped3A : memref<!tpu.dma_semaphore, #tpu.memory_space<semaphore_mem>>) src(%dma_wait3A_190 : memref<320x64xbf16, #tpu.memory_space<vmem>>) dst(%dma_wait3A_187 : memref<320x64xbf16, #tpu.memory_space<hbm>>)
        tpu.yield
      }) : () -> ()
    } else {
    }
    %add3A_131 = arith.constant 48 : i32
    %add3A_132 = arith.addi %arg1, %add3A_131 : i32
    %lt3A_133 = arith.constant 125 : i32
    %lt3A_134 = arith.cmpi slt, %add3A_132, %lt3A_133 : i32
    %convert_element_type3A_135 = arith.extui %lt3A_134 : i1 to i32
    %cond3A_136 = arith.constant 0 : i32
    %cond3A_137 = arith.cmpi ne, %convert_element_type3A_135, %cond3A_136 : i32
    scf.if %cond3A_137 {
      %mul3A_166 = arith.constant 320 : i32
      %mul3A_167 = arith.muli %add3A_132, %mul3A_166 : i32
      "tpu.region"() ({
        %run_scoped3A = tpu.sem_alloc : memref<!tpu.dma_semaphore, #tpu.memory_space<semaphore_mem>>
        %dma_start3A_168 = arith.constant 0 : i32
        %dma_start3A_169 = arith.constant 0 : i32
        %dma_start3A_170 = tpu.memref_slice %arg10[%dma_start3A_168, %dma_start3A_169] : memref<384x64xbf16, #tpu.memory_space<vmem>> -> memref<320x64xbf16, #tpu.memory_space<vmem>>
        %dma_start3A_171 = arith.constant 0 : i32
        %dma_start3A_172 = tpu.memref_slice %arg6[%mul3A_167, %dma_start3A_171] : memref<40008x64xbf16, #tpu.memory_space<vmem_shared>> -> memref<320x64xbf16, #tpu.memory_space<vmem_shared>>
        %dma_start3A_173 = arith.constant 0 : i32
        %dma_start3A_174 = arith.constant 0 : i32
        %dma_start3A_175 = tpu.memref_slice %arg10[%dma_start3A_173, %dma_start3A_174] : memref<384x64xbf16, #tpu.memory_space<vmem>> -> memref<320x64xbf16, #tpu.memory_space<vmem>>
        %dma_start3A_176 = arith.constant 0 : i32
        %dma_start3A_177 = tpu.memref_slice %arg6[%mul3A_167, %dma_start3A_176] : memref<40008x64xbf16, #tpu.memory_space<vmem_shared>> -> memref<320x64xbf16, #tpu.memory_space<vmem_shared>>
        tpu.enqueue_dma source(%dma_start3A_177 : memref<320x64xbf16, #tpu.memory_space<vmem_shared>>) target(%dma_start3A_175 : memref<320x64xbf16, #tpu.memory_space<vmem>>) target_semaphore(%run_scoped3A : memref<!tpu.dma_semaphore, #tpu.memory_space<semaphore_mem>>)
        %dma_wait3A = arith.constant 0 : i32
        %dma_wait3A_178 = arith.constant 0 : i32
        %dma_wait3A_179 = tpu.memref_slice %arg10[%dma_wait3A, %dma_wait3A_178] : memref<384x64xbf16, #tpu.memory_space<vmem>> -> memref<320x64xbf16, #tpu.memory_space<vmem>>
        %dma_wait3A_180 = arith.constant 0 : i32
        %dma_wait3A_181 = tpu.memref_slice %arg6[%mul3A_167, %dma_wait3A_180] : memref<40008x64xbf16, #tpu.memory_space<vmem_shared>> -> memref<320x64xbf16, #tpu.memory_space<vmem_shared>>
        %dma_wait3A_182 = arith.constant 0 : i32
        %dma_wait3A_183 = arith.constant 0 : i32
        %dma_wait3A_184 = tpu.memref_slice %arg10[%dma_wait3A_182, %dma_wait3A_183] : memref<384x64xbf16, #tpu.memory_space<vmem>> -> memref<320x64xbf16, #tpu.memory_space<vmem>>
        %dma_wait3A_185 = arith.constant 0 : i32
        %dma_wait3A_186 = tpu.memref_slice %arg6[%mul3A_167, %dma_wait3A_185] : memref<40008x64xbf16, #tpu.memory_space<vmem_shared>> -> memref<320x64xbf16, #tpu.memory_space<vmem_shared>>
        tpu.wait_dma2 semaphore(%run_scoped3A : memref<!tpu.dma_semaphore, #tpu.memory_space<semaphore_mem>>) src(%dma_wait3A_186 : memref<320x64xbf16, #tpu.memory_space<vmem_shared>>) dst(%dma_wait3A_184 : memref<320x64xbf16, #tpu.memory_space<vmem>>)
        tpu.yield
      }) : () -> ()
      "tpu.region"() ({
        %run_scoped3A = tpu.sem_alloc : memref<!tpu.dma_semaphore, #tpu.memory_space<semaphore_mem>>
        %dma_start3A_168 = arith.constant 0 : i32
        %dma_start3A_169 = arith.constant 0 : i32
        %dma_start3A_170 = tpu.memref_slice %arg10[%dma_start3A_168, %dma_start3A_169] : memref<384x64xbf16, #tpu.memory_space<vmem>> -> memref<320x64xbf16, #tpu.memory_space<vmem>>
        %dma_start3A_171 = arith.constant 0 : i32
        %dma_start3A_172 = tpu.memref_slice %arg5[%arg0, %mul3A_167, %dma_start3A_171] : memref<2x40000x64xbf16, #tpu.memory_space<hbm>> -> memref<1x320x64xbf16, #tpu.memory_space<hbm>>
        %dma_start3A_173 = tpu.memref_squeeze %dma_start3A_172 : memref<1x320x64xbf16, #tpu.memory_space<hbm>> -> memref<320x64xbf16, #tpu.memory_space<hbm>>
        %dma_start3A_174 = arith.constant 0 : i32
        %dma_start3A_175 = tpu.memref_slice %arg5[%arg0, %mul3A_167, %dma_start3A_174] : memref<2x40000x64xbf16, #tpu.memory_space<hbm>> -> memref<1x320x64xbf16, #tpu.memory_space<hbm>>
        %dma_start3A_176 = tpu.memref_squeeze %dma_start3A_175 : memref<1x320x64xbf16, #tpu.memory_space<hbm>> -> memref<320x64xbf16, #tpu.memory_space<hbm>>
        %dma_start3A_177 = arith.constant 0 : i32
        %dma_start3A_178 = arith.constant 0 : i32
        %dma_start3A_179 = tpu.memref_slice %arg10[%dma_start3A_177, %dma_start3A_178] : memref<384x64xbf16, #tpu.memory_space<vmem>> -> memref<320x64xbf16, #tpu.memory_space<vmem>>
        tpu.enqueue_dma source(%dma_start3A_179 : memref<320x64xbf16, #tpu.memory_space<vmem>>) target(%dma_start3A_176 : memref<320x64xbf16, #tpu.memory_space<hbm>>) target_semaphore(%run_scoped3A : memref<!tpu.dma_semaphore, #tpu.memory_space<semaphore_mem>>)
        %dma_wait3A = arith.constant 0 : i32
        %dma_wait3A_180 = arith.constant 0 : i32
        %dma_wait3A_181 = tpu.memref_slice %arg10[%dma_wait3A, %dma_wait3A_180] : memref<384x64xbf16, #tpu.memory_space<vmem>> -> memref<320x64xbf16, #tpu.memory_space<vmem>>
        %dma_wait3A_182 = arith.constant 0 : i32
        %dma_wait3A_183 = tpu.memref_slice %arg5[%arg0, %mul3A_167, %dma_wait3A_182] : memref<2x40000x64xbf16, #tpu.memory_space<hbm>> -> memref<1x320x64xbf16, #tpu.memory_space<hbm>>
        %dma_wait3A_184 = tpu.memref_squeeze %dma_wait3A_183 : memref<1x320x64xbf16, #tpu.memory_space<hbm>> -> memref<320x64xbf16, #tpu.memory_space<hbm>>
        %dma_wait3A_185 = arith.constant 0 : i32
        %dma_wait3A_186 = tpu.memref_slice %arg5[%arg0, %mul3A_167, %dma_wait3A_185] : memref<2x40000x64xbf16, #tpu.memory_space<hbm>> -> memref<1x320x64xbf16, #tpu.memory_space<hbm>>
        %dma_wait3A_187 = tpu.memref_squeeze %dma_wait3A_186 : memref<1x320x64xbf16, #tpu.memory_space<hbm>> -> memref<320x64xbf16, #tpu.memory_space<hbm>>
        %dma_wait3A_188 = arith.constant 0 : i32
        %dma_wait3A_189 = arith.constant 0 : i32
        %dma_wait3A_190 = tpu.memref_slice %arg10[%dma_wait3A_188, %dma_wait3A_189] : memref<384x64xbf16, #tpu.memory_space<vmem>> -> memref<320x64xbf16, #tpu.memory_space<vmem>>
        tpu.wait_dma2 semaphore(%run_scoped3A : memref<!tpu.dma_semaphore, #tpu.memory_space<semaphore_mem>>) src(%dma_wait3A_190 : memref<320x64xbf16, #tpu.memory_space<vmem>>) dst(%dma_wait3A_187 : memref<320x64xbf16, #tpu.memory_space<hbm>>)
        tpu.yield
      }) : () -> ()
    } else {
    }
    %add3A_138 = arith.constant 64 : i32
    %add3A_139 = arith.addi %arg1, %add3A_138 : i32
    %lt3A_140 = arith.constant 125 : i32
    %lt3A_141 = arith.cmpi slt, %add3A_139, %lt3A_140 : i32
    %convert_element_type3A_142 = arith.extui %lt3A_141 : i1 to i32
    %cond3A_143 = arith.constant 0 : i32
    %cond3A_144 = arith.cmpi ne, %convert_element_type3A_142, %cond3A_143 : i32
    scf.if %cond3A_144 {
      %mul3A_166 = arith.constant 320 : i32
      %mul3A_167 = arith.muli %add3A_139, %mul3A_166 : i32
      "tpu.region"() ({
        %run_scoped3A = tpu.sem_alloc : memref<!tpu.dma_semaphore, #tpu.memory_space<semaphore_mem>>
        %dma_start3A_168 = arith.constant 0 : i32
        %dma_start3A_169 = arith.constant 0 : i32
        %dma_start3A_170 = tpu.memref_slice %arg10[%dma_start3A_168, %dma_start3A_169] : memref<384x64xbf16, #tpu.memory_space<vmem>> -> memref<320x64xbf16, #tpu.memory_space<vmem>>
        %dma_start3A_171 = arith.constant 0 : i32
        %dma_start3A_172 = tpu.memref_slice %arg6[%mul3A_167, %dma_start3A_171] : memref<40008x64xbf16, #tpu.memory_space<vmem_shared>> -> memref<320x64xbf16, #tpu.memory_space<vmem_shared>>
        %dma_start3A_173 = arith.constant 0 : i32
        %dma_start3A_174 = arith.constant 0 : i32
        %dma_start3A_175 = tpu.memref_slice %arg10[%dma_start3A_173, %dma_start3A_174] : memref<384x64xbf16, #tpu.memory_space<vmem>> -> memref<320x64xbf16, #tpu.memory_space<vmem>>
        %dma_start3A_176 = arith.constant 0 : i32
        %dma_start3A_177 = tpu.memref_slice %arg6[%mul3A_167, %dma_start3A_176] : memref<40008x64xbf16, #tpu.memory_space<vmem_shared>> -> memref<320x64xbf16, #tpu.memory_space<vmem_shared>>
        tpu.enqueue_dma source(%dma_start3A_177 : memref<320x64xbf16, #tpu.memory_space<vmem_shared>>) target(%dma_start3A_175 : memref<320x64xbf16, #tpu.memory_space<vmem>>) target_semaphore(%run_scoped3A : memref<!tpu.dma_semaphore, #tpu.memory_space<semaphore_mem>>)
        %dma_wait3A = arith.constant 0 : i32
        %dma_wait3A_178 = arith.constant 0 : i32
        %dma_wait3A_179 = tpu.memref_slice %arg10[%dma_wait3A, %dma_wait3A_178] : memref<384x64xbf16, #tpu.memory_space<vmem>> -> memref<320x64xbf16, #tpu.memory_space<vmem>>
        %dma_wait3A_180 = arith.constant 0 : i32
        %dma_wait3A_181 = tpu.memref_slice %arg6[%mul3A_167, %dma_wait3A_180] : memref<40008x64xbf16, #tpu.memory_space<vmem_shared>> -> memref<320x64xbf16, #tpu.memory_space<vmem_shared>>
        %dma_wait3A_182 = arith.constant 0 : i32
        %dma_wait3A_183 = arith.constant 0 : i32
        %dma_wait3A_184 = tpu.memref_slice %arg10[%dma_wait3A_182, %dma_wait3A_183] : memref<384x64xbf16, #tpu.memory_space<vmem>> -> memref<320x64xbf16, #tpu.memory_space<vmem>>
        %dma_wait3A_185 = arith.constant 0 : i32
        %dma_wait3A_186 = tpu.memref_slice %arg6[%mul3A_167, %dma_wait3A_185] : memref<40008x64xbf16, #tpu.memory_space<vmem_shared>> -> memref<320x64xbf16, #tpu.memory_space<vmem_shared>>
        tpu.wait_dma2 semaphore(%run_scoped3A : memref<!tpu.dma_semaphore, #tpu.memory_space<semaphore_mem>>) src(%dma_wait3A_186 : memref<320x64xbf16, #tpu.memory_space<vmem_shared>>) dst(%dma_wait3A_184 : memref<320x64xbf16, #tpu.memory_space<vmem>>)
        tpu.yield
      }) : () -> ()
      "tpu.region"() ({
        %run_scoped3A = tpu.sem_alloc : memref<!tpu.dma_semaphore, #tpu.memory_space<semaphore_mem>>
        %dma_start3A_168 = arith.constant 0 : i32
        %dma_start3A_169 = arith.constant 0 : i32
        %dma_start3A_170 = tpu.memref_slice %arg10[%dma_start3A_168, %dma_start3A_169] : memref<384x64xbf16, #tpu.memory_space<vmem>> -> memref<320x64xbf16, #tpu.memory_space<vmem>>
        %dma_start3A_171 = arith.constant 0 : i32
        %dma_start3A_172 = tpu.memref_slice %arg5[%arg0, %mul3A_167, %dma_start3A_171] : memref<2x40000x64xbf16, #tpu.memory_space<hbm>> -> memref<1x320x64xbf16, #tpu.memory_space<hbm>>
        %dma_start3A_173 = tpu.memref_squeeze %dma_start3A_172 : memref<1x320x64xbf16, #tpu.memory_space<hbm>> -> memref<320x64xbf16, #tpu.memory_space<hbm>>
        %dma_start3A_174 = arith.constant 0 : i32
        %dma_start3A_175 = tpu.memref_slice %arg5[%arg0, %mul3A_167, %dma_start3A_174] : memref<2x40000x64xbf16, #tpu.memory_space<hbm>> -> memref<1x320x64xbf16, #tpu.memory_space<hbm>>
        %dma_start3A_176 = tpu.memref_squeeze %dma_start3A_175 : memref<1x320x64xbf16, #tpu.memory_space<hbm>> -> memref<320x64xbf16, #tpu.memory_space<hbm>>
        %dma_start3A_177 = arith.constant 0 : i32
        %dma_start3A_178 = arith.constant 0 : i32
        %dma_start3A_179 = tpu.memref_slice %arg10[%dma_start3A_177, %dma_start3A_178] : memref<384x64xbf16, #tpu.memory_space<vmem>> -> memref<320x64xbf16, #tpu.memory_space<vmem>>
        tpu.enqueue_dma source(%dma_start3A_179 : memref<320x64xbf16, #tpu.memory_space<vmem>>) target(%dma_start3A_176 : memref<320x64xbf16, #tpu.memory_space<hbm>>) target_semaphore(%run_scoped3A : memref<!tpu.dma_semaphore, #tpu.memory_space<semaphore_mem>>)
        %dma_wait3A = arith.constant 0 : i32
        %dma_wait3A_180 = arith.constant 0 : i32
        %dma_wait3A_181 = tpu.memref_slice %arg10[%dma_wait3A, %dma_wait3A_180] : memref<384x64xbf16, #tpu.memory_space<vmem>> -> memref<320x64xbf16, #tpu.memory_space<vmem>>
        %dma_wait3A_182 = arith.constant 0 : i32
        %dma_wait3A_183 = tpu.memref_slice %arg5[%arg0, %mul3A_167, %dma_wait3A_182] : memref<2x40000x64xbf16, #tpu.memory_space<hbm>> -> memref<1x320x64xbf16, #tpu.memory_space<hbm>>
        %dma_wait3A_184 = tpu.memref_squeeze %dma_wait3A_183 : memref<1x320x64xbf16, #tpu.memory_space<hbm>> -> memref<320x64xbf16, #tpu.memory_space<hbm>>
        %dma_wait3A_185 = arith.constant 0 : i32
        %dma_wait3A_186 = tpu.memref_slice %arg5[%arg0, %mul3A_167, %dma_wait3A_185] : memref<2x40000x64xbf16, #tpu.memory_space<hbm>> -> memref<1x320x64xbf16, #tpu.memory_space<hbm>>
        %dma_wait3A_187 = tpu.memref_squeeze %dma_wait3A_186 : memref<1x320x64xbf16, #tpu.memory_space<hbm>> -> memref<320x64xbf16, #tpu.memory_space<hbm>>
        %dma_wait3A_188 = arith.constant 0 : i32
        %dma_wait3A_189 = arith.constant 0 : i32
        %dma_wait3A_190 = tpu.memref_slice %arg10[%dma_wait3A_188, %dma_wait3A_189] : memref<384x64xbf16, #tpu.memory_space<vmem>> -> memref<320x64xbf16, #tpu.memory_space<vmem>>
        tpu.wait_dma2 semaphore(%run_scoped3A : memref<!tpu.dma_semaphore, #tpu.memory_space<semaphore_mem>>) src(%dma_wait3A_190 : memref<320x64xbf16, #tpu.memory_space<vmem>>) dst(%dma_wait3A_187 : memref<320x64xbf16, #tpu.memory_space<hbm>>)
        tpu.yield
      }) : () -> ()
    } else {
    }
    %add3A_145 = arith.constant 80 : i32
    %add3A_146 = arith.addi %arg1, %add3A_145 : i32
    %lt3A_147 = arith.constant 125 : i32
    %lt3A_148 = arith.cmpi slt, %add3A_146, %lt3A_147 : i32
    %convert_element_type3A_149 = arith.extui %lt3A_148 : i1 to i32
    %cond3A_150 = arith.constant 0 : i32
    %cond3A_151 = arith.cmpi ne, %convert_element_type3A_149, %cond3A_150 : i32
    scf.if %cond3A_151 {
      %mul3A_166 = arith.constant 320 : i32
      %mul3A_167 = arith.muli %add3A_146, %mul3A_166 : i32
      "tpu.region"() ({
        %run_scoped3A = tpu.sem_alloc : memref<!tpu.dma_semaphore, #tpu.memory_space<semaphore_mem>>
        %dma_start3A_168 = arith.constant 0 : i32
        %dma_start3A_169 = arith.constant 0 : i32
        %dma_start3A_170 = tpu.memref_slice %arg10[%dma_start3A_168, %dma_start3A_169] : memref<384x64xbf16, #tpu.memory_space<vmem>> -> memref<320x64xbf16, #tpu.memory_space<vmem>>
        %dma_start3A_171 = arith.constant 0 : i32
        %dma_start3A_172 = tpu.memref_slice %arg6[%mul3A_167, %dma_start3A_171] : memref<40008x64xbf16, #tpu.memory_space<vmem_shared>> -> memref<320x64xbf16, #tpu.memory_space<vmem_shared>>
        %dma_start3A_173 = arith.constant 0 : i32
        %dma_start3A_174 = arith.constant 0 : i32
        %dma_start3A_175 = tpu.memref_slice %arg10[%dma_start3A_173, %dma_start3A_174] : memref<384x64xbf16, #tpu.memory_space<vmem>> -> memref<320x64xbf16, #tpu.memory_space<vmem>>
        %dma_start3A_176 = arith.constant 0 : i32
        %dma_start3A_177 = tpu.memref_slice %arg6[%mul3A_167, %dma_start3A_176] : memref<40008x64xbf16, #tpu.memory_space<vmem_shared>> -> memref<320x64xbf16, #tpu.memory_space<vmem_shared>>
        tpu.enqueue_dma source(%dma_start3A_177 : memref<320x64xbf16, #tpu.memory_space<vmem_shared>>) target(%dma_start3A_175 : memref<320x64xbf16, #tpu.memory_space<vmem>>) target_semaphore(%run_scoped3A : memref<!tpu.dma_semaphore, #tpu.memory_space<semaphore_mem>>)
        %dma_wait3A = arith.constant 0 : i32
        %dma_wait3A_178 = arith.constant 0 : i32
        %dma_wait3A_179 = tpu.memref_slice %arg10[%dma_wait3A, %dma_wait3A_178] : memref<384x64xbf16, #tpu.memory_space<vmem>> -> memref<320x64xbf16, #tpu.memory_space<vmem>>
        %dma_wait3A_180 = arith.constant 0 : i32
        %dma_wait3A_181 = tpu.memref_slice %arg6[%mul3A_167, %dma_wait3A_180] : memref<40008x64xbf16, #tpu.memory_space<vmem_shared>> -> memref<320x64xbf16, #tpu.memory_space<vmem_shared>>
        %dma_wait3A_182 = arith.constant 0 : i32
        %dma_wait3A_183 = arith.constant 0 : i32
        %dma_wait3A_184 = tpu.memref_slice %arg10[%dma_wait3A_182, %dma_wait3A_183] : memref<384x64xbf16, #tpu.memory_space<vmem>> -> memref<320x64xbf16, #tpu.memory_space<vmem>>
        %dma_wait3A_185 = arith.constant 0 : i32
        %dma_wait3A_186 = tpu.memref_slice %arg6[%mul3A_167, %dma_wait3A_185] : memref<40008x64xbf16, #tpu.memory_space<vmem_shared>> -> memref<320x64xbf16, #tpu.memory_space<vmem_shared>>
        tpu.wait_dma2 semaphore(%run_scoped3A : memref<!tpu.dma_semaphore, #tpu.memory_space<semaphore_mem>>) src(%dma_wait3A_186 : memref<320x64xbf16, #tpu.memory_space<vmem_shared>>) dst(%dma_wait3A_184 : memref<320x64xbf16, #tpu.memory_space<vmem>>)
        tpu.yield
      }) : () -> ()
      "tpu.region"() ({
        %run_scoped3A = tpu.sem_alloc : memref<!tpu.dma_semaphore, #tpu.memory_space<semaphore_mem>>
        %dma_start3A_168 = arith.constant 0 : i32
        %dma_start3A_169 = arith.constant 0 : i32
        %dma_start3A_170 = tpu.memref_slice %arg10[%dma_start3A_168, %dma_start3A_169] : memref<384x64xbf16, #tpu.memory_space<vmem>> -> memref<320x64xbf16, #tpu.memory_space<vmem>>
        %dma_start3A_171 = arith.constant 0 : i32
        %dma_start3A_172 = tpu.memref_slice %arg5[%arg0, %mul3A_167, %dma_start3A_171] : memref<2x40000x64xbf16, #tpu.memory_space<hbm>> -> memref<1x320x64xbf16, #tpu.memory_space<hbm>>
        %dma_start3A_173 = tpu.memref_squeeze %dma_start3A_172 : memref<1x320x64xbf16, #tpu.memory_space<hbm>> -> memref<320x64xbf16, #tpu.memory_space<hbm>>
        %dma_start3A_174 = arith.constant 0 : i32
        %dma_start3A_175 = tpu.memref_slice %arg5[%arg0, %mul3A_167, %dma_start3A_174] : memref<2x40000x64xbf16, #tpu.memory_space<hbm>> -> memref<1x320x64xbf16, #tpu.memory_space<hbm>>
        %dma_start3A_176 = tpu.memref_squeeze %dma_start3A_175 : memref<1x320x64xbf16, #tpu.memory_space<hbm>> -> memref<320x64xbf16, #tpu.memory_space<hbm>>
        %dma_start3A_177 = arith.constant 0 : i32
        %dma_start3A_178 = arith.constant 0 : i32
        %dma_start3A_179 = tpu.memref_slice %arg10[%dma_start3A_177, %dma_start3A_178] : memref<384x64xbf16, #tpu.memory_space<vmem>> -> memref<320x64xbf16, #tpu.memory_space<vmem>>
        tpu.enqueue_dma source(%dma_start3A_179 : memref<320x64xbf16, #tpu.memory_space<vmem>>) target(%dma_start3A_176 : memref<320x64xbf16, #tpu.memory_space<hbm>>) target_semaphore(%run_scoped3A : memref<!tpu.dma_semaphore, #tpu.memory_space<semaphore_mem>>)
        %dma_wait3A = arith.constant 0 : i32
        %dma_wait3A_180 = arith.constant 0 : i32
        %dma_wait3A_181 = tpu.memref_slice %arg10[%dma_wait3A, %dma_wait3A_180] : memref<384x64xbf16, #tpu.memory_space<vmem>> -> memref<320x64xbf16, #tpu.memory_space<vmem>>
        %dma_wait3A_182 = arith.constant 0 : i32
        %dma_wait3A_183 = tpu.memref_slice %arg5[%arg0, %mul3A_167, %dma_wait3A_182] : memref<2x40000x64xbf16, #tpu.memory_space<hbm>> -> memref<1x320x64xbf16, #tpu.memory_space<hbm>>
        %dma_wait3A_184 = tpu.memref_squeeze %dma_wait3A_183 : memref<1x320x64xbf16, #tpu.memory_space<hbm>> -> memref<320x64xbf16, #tpu.memory_space<hbm>>
        %dma_wait3A_185 = arith.constant 0 : i32
        %dma_wait3A_186 = tpu.memref_slice %arg5[%arg0, %mul3A_167, %dma_wait3A_185] : memref<2x40000x64xbf16, #tpu.memory_space<hbm>> -> memref<1x320x64xbf16, #tpu.memory_space<hbm>>
        %dma_wait3A_187 = tpu.memref_squeeze %dma_wait3A_186 : memref<1x320x64xbf16, #tpu.memory_space<hbm>> -> memref<320x64xbf16, #tpu.memory_space<hbm>>
        %dma_wait3A_188 = arith.constant 0 : i32
        %dma_wait3A_189 = arith.constant 0 : i32
        %dma_wait3A_190 = tpu.memref_slice %arg10[%dma_wait3A_188, %dma_wait3A_189] : memref<384x64xbf16, #tpu.memory_space<vmem>> -> memref<320x64xbf16, #tpu.memory_space<vmem>>
        tpu.wait_dma2 semaphore(%run_scoped3A : memref<!tpu.dma_semaphore, #tpu.memory_space<semaphore_mem>>) src(%dma_wait3A_190 : memref<320x64xbf16, #tpu.memory_space<vmem>>) dst(%dma_wait3A_187 : memref<320x64xbf16, #tpu.memory_space<hbm>>)
        tpu.yield
      }) : () -> ()
    } else {
    }
    %add3A_152 = arith.constant 96 : i32
    %add3A_153 = arith.addi %arg1, %add3A_152 : i32
    %lt3A_154 = arith.constant 125 : i32
    %lt3A_155 = arith.cmpi slt, %add3A_153, %lt3A_154 : i32
    %convert_element_type3A_156 = arith.extui %lt3A_155 : i1 to i32
    %cond3A_157 = arith.constant 0 : i32
    %cond3A_158 = arith.cmpi ne, %convert_element_type3A_156, %cond3A_157 : i32
    scf.if %cond3A_158 {
      %mul3A_166 = arith.constant 320 : i32
      %mul3A_167 = arith.muli %add3A_153, %mul3A_166 : i32
      "tpu.region"() ({
        %run_scoped3A = tpu.sem_alloc : memref<!tpu.dma_semaphore, #tpu.memory_space<semaphore_mem>>
        %dma_start3A_168 = arith.constant 0 : i32
        %dma_start3A_169 = arith.constant 0 : i32
        %dma_start3A_170 = tpu.memref_slice %arg10[%dma_start3A_168, %dma_start3A_169] : memref<384x64xbf16, #tpu.memory_space<vmem>> -> memref<320x64xbf16, #tpu.memory_space<vmem>>
        %dma_start3A_171 = arith.constant 0 : i32
        %dma_start3A_172 = tpu.memref_slice %arg6[%mul3A_167, %dma_start3A_171] : memref<40008x64xbf16, #tpu.memory_space<vmem_shared>> -> memref<320x64xbf16, #tpu.memory_space<vmem_shared>>
        %dma_start3A_173 = arith.constant 0 : i32
        %dma_start3A_174 = arith.constant 0 : i32
        %dma_start3A_175 = tpu.memref_slice %arg10[%dma_start3A_173, %dma_start3A_174] : memref<384x64xbf16, #tpu.memory_space<vmem>> -> memref<320x64xbf16, #tpu.memory_space<vmem>>
        %dma_start3A_176 = arith.constant 0 : i32
        %dma_start3A_177 = tpu.memref_slice %arg6[%mul3A_167, %dma_start3A_176] : memref<40008x64xbf16, #tpu.memory_space<vmem_shared>> -> memref<320x64xbf16, #tpu.memory_space<vmem_shared>>
        tpu.enqueue_dma source(%dma_start3A_177 : memref<320x64xbf16, #tpu.memory_space<vmem_shared>>) target(%dma_start3A_175 : memref<320x64xbf16, #tpu.memory_space<vmem>>) target_semaphore(%run_scoped3A : memref<!tpu.dma_semaphore, #tpu.memory_space<semaphore_mem>>)
        %dma_wait3A = arith.constant 0 : i32
        %dma_wait3A_178 = arith.constant 0 : i32
        %dma_wait3A_179 = tpu.memref_slice %arg10[%dma_wait3A, %dma_wait3A_178] : memref<384x64xbf16, #tpu.memory_space<vmem>> -> memref<320x64xbf16, #tpu.memory_space<vmem>>
        %dma_wait3A_180 = arith.constant 0 : i32
        %dma_wait3A_181 = tpu.memref_slice %arg6[%mul3A_167, %dma_wait3A_180] : memref<40008x64xbf16, #tpu.memory_space<vmem_shared>> -> memref<320x64xbf16, #tpu.memory_space<vmem_shared>>
        %dma_wait3A_182 = arith.constant 0 : i32
        %dma_wait3A_183 = arith.constant 0 : i32
        %dma_wait3A_184 = tpu.memref_slice %arg10[%dma_wait3A_182, %dma_wait3A_183] : memref<384x64xbf16, #tpu.memory_space<vmem>> -> memref<320x64xbf16, #tpu.memory_space<vmem>>
        %dma_wait3A_185 = arith.constant 0 : i32
        %dma_wait3A_186 = tpu.memref_slice %arg6[%mul3A_167, %dma_wait3A_185] : memref<40008x64xbf16, #tpu.memory_space<vmem_shared>> -> memref<320x64xbf16, #tpu.memory_space<vmem_shared>>
        tpu.wait_dma2 semaphore(%run_scoped3A : memref<!tpu.dma_semaphore, #tpu.memory_space<semaphore_mem>>) src(%dma_wait3A_186 : memref<320x64xbf16, #tpu.memory_space<vmem_shared>>) dst(%dma_wait3A_184 : memref<320x64xbf16, #tpu.memory_space<vmem>>)
        tpu.yield
      }) : () -> ()
      "tpu.region"() ({
        %run_scoped3A = tpu.sem_alloc : memref<!tpu.dma_semaphore, #tpu.memory_space<semaphore_mem>>
        %dma_start3A_168 = arith.constant 0 : i32
        %dma_start3A_169 = arith.constant 0 : i32
        %dma_start3A_170 = tpu.memref_slice %arg10[%dma_start3A_168, %dma_start3A_169] : memref<384x64xbf16, #tpu.memory_space<vmem>> -> memref<320x64xbf16, #tpu.memory_space<vmem>>
        %dma_start3A_171 = arith.constant 0 : i32
        %dma_start3A_172 = tpu.memref_slice %arg5[%arg0, %mul3A_167, %dma_start3A_171] : memref<2x40000x64xbf16, #tpu.memory_space<hbm>> -> memref<1x320x64xbf16, #tpu.memory_space<hbm>>
        %dma_start3A_173 = tpu.memref_squeeze %dma_start3A_172 : memref<1x320x64xbf16, #tpu.memory_space<hbm>> -> memref<320x64xbf16, #tpu.memory_space<hbm>>
        %dma_start3A_174 = arith.constant 0 : i32
        %dma_start3A_175 = tpu.memref_slice %arg5[%arg0, %mul3A_167, %dma_start3A_174] : memref<2x40000x64xbf16, #tpu.memory_space<hbm>> -> memref<1x320x64xbf16, #tpu.memory_space<hbm>>
        %dma_start3A_176 = tpu.memref_squeeze %dma_start3A_175 : memref<1x320x64xbf16, #tpu.memory_space<hbm>> -> memref<320x64xbf16, #tpu.memory_space<hbm>>
        %dma_start3A_177 = arith.constant 0 : i32
        %dma_start3A_178 = arith.constant 0 : i32
        %dma_start3A_179 = tpu.memref_slice %arg10[%dma_start3A_177, %dma_start3A_178] : memref<384x64xbf16, #tpu.memory_space<vmem>> -> memref<320x64xbf16, #tpu.memory_space<vmem>>
        tpu.enqueue_dma source(%dma_start3A_179 : memref<320x64xbf16, #tpu.memory_space<vmem>>) target(%dma_start3A_176 : memref<320x64xbf16, #tpu.memory_space<hbm>>) target_semaphore(%run_scoped3A : memref<!tpu.dma_semaphore, #tpu.memory_space<semaphore_mem>>)
        %dma_wait3A = arith.constant 0 : i32
        %dma_wait3A_180 = arith.constant 0 : i32
        %dma_wait3A_181 = tpu.memref_slice %arg10[%dma_wait3A, %dma_wait3A_180] : memref<384x64xbf16, #tpu.memory_space<vmem>> -> memref<320x64xbf16, #tpu.memory_space<vmem>>
        %dma_wait3A_182 = arith.constant 0 : i32
        %dma_wait3A_183 = tpu.memref_slice %arg5[%arg0, %mul3A_167, %dma_wait3A_182] : memref<2x40000x64xbf16, #tpu.memory_space<hbm>> -> memref<1x320x64xbf16, #tpu.memory_space<hbm>>
        %dma_wait3A_184 = tpu.memref_squeeze %dma_wait3A_183 : memref<1x320x64xbf16, #tpu.memory_space<hbm>> -> memref<320x64xbf16, #tpu.memory_space<hbm>>
        %dma_wait3A_185 = arith.constant 0 : i32
        %dma_wait3A_186 = tpu.memref_slice %arg5[%arg0, %mul3A_167, %dma_wait3A_185] : memref<2x40000x64xbf16, #tpu.memory_space<hbm>> -> memref<1x320x64xbf16, #tpu.memory_space<hbm>>
        %dma_wait3A_187 = tpu.memref_squeeze %dma_wait3A_186 : memref<1x320x64xbf16, #tpu.memory_space<hbm>> -> memref<320x64xbf16, #tpu.memory_space<hbm>>
        %dma_wait3A_188 = arith.constant 0 : i32
        %dma_wait3A_189 = arith.constant 0 : i32
        %dma_wait3A_190 = tpu.memref_slice %arg10[%dma_wait3A_188, %dma_wait3A_189] : memref<384x64xbf16, #tpu.memory_space<vmem>> -> memref<320x64xbf16, #tpu.memory_space<vmem>>
        tpu.wait_dma2 semaphore(%run_scoped3A : memref<!tpu.dma_semaphore, #tpu.memory_space<semaphore_mem>>) src(%dma_wait3A_190 : memref<320x64xbf16, #tpu.memory_space<vmem>>) dst(%dma_wait3A_187 : memref<320x64xbf16, #tpu.memory_space<hbm>>)
        tpu.yield
      }) : () -> ()
    } else {
    }
    %add3A_159 = arith.constant 112 : i32
    %add3A_160 = arith.addi %arg1, %add3A_159 : i32
    %lt3A_161 = arith.constant 125 : i32
    %lt3A_162 = arith.cmpi slt, %add3A_160, %lt3A_161 : i32
    %convert_element_type3A_163 = arith.extui %lt3A_162 : i1 to i32
    %cond3A_164 = arith.constant 0 : i32
    %cond3A_165 = arith.cmpi ne, %convert_element_type3A_163, %cond3A_164 : i32
    scf.if %cond3A_165 {
      %mul3A_166 = arith.constant 320 : i32
      %mul3A_167 = arith.muli %add3A_160, %mul3A_166 : i32
      "tpu.region"() ({
        %run_scoped3A = tpu.sem_alloc : memref<!tpu.dma_semaphore, #tpu.memory_space<semaphore_mem>>
        %dma_start3A_168 = arith.constant 0 : i32
        %dma_start3A_169 = arith.constant 0 : i32
        %dma_start3A_170 = tpu.memref_slice %arg10[%dma_start3A_168, %dma_start3A_169] : memref<384x64xbf16, #tpu.memory_space<vmem>> -> memref<320x64xbf16, #tpu.memory_space<vmem>>
        %dma_start3A_171 = arith.constant 0 : i32
        %dma_start3A_172 = tpu.memref_slice %arg6[%mul3A_167, %dma_start3A_171] : memref<40008x64xbf16, #tpu.memory_space<vmem_shared>> -> memref<320x64xbf16, #tpu.memory_space<vmem_shared>>
        %dma_start3A_173 = arith.constant 0 : i32
        %dma_start3A_174 = arith.constant 0 : i32
        %dma_start3A_175 = tpu.memref_slice %arg10[%dma_start3A_173, %dma_start3A_174] : memref<384x64xbf16, #tpu.memory_space<vmem>> -> memref<320x64xbf16, #tpu.memory_space<vmem>>
        %dma_start3A_176 = arith.constant 0 : i32
        %dma_start3A_177 = tpu.memref_slice %arg6[%mul3A_167, %dma_start3A_176] : memref<40008x64xbf16, #tpu.memory_space<vmem_shared>> -> memref<320x64xbf16, #tpu.memory_space<vmem_shared>>
        tpu.enqueue_dma source(%dma_start3A_177 : memref<320x64xbf16, #tpu.memory_space<vmem_shared>>) target(%dma_start3A_175 : memref<320x64xbf16, #tpu.memory_space<vmem>>) target_semaphore(%run_scoped3A : memref<!tpu.dma_semaphore, #tpu.memory_space<semaphore_mem>>)
        %dma_wait3A = arith.constant 0 : i32
        %dma_wait3A_178 = arith.constant 0 : i32
        %dma_wait3A_179 = tpu.memref_slice %arg10[%dma_wait3A, %dma_wait3A_178] : memref<384x64xbf16, #tpu.memory_space<vmem>> -> memref<320x64xbf16, #tpu.memory_space<vmem>>
        %dma_wait3A_180 = arith.constant 0 : i32
        %dma_wait3A_181 = tpu.memref_slice %arg6[%mul3A_167, %dma_wait3A_180] : memref<40008x64xbf16, #tpu.memory_space<vmem_shared>> -> memref<320x64xbf16, #tpu.memory_space<vmem_shared>>
        %dma_wait3A_182 = arith.constant 0 : i32
        %dma_wait3A_183 = arith.constant 0 : i32
        %dma_wait3A_184 = tpu.memref_slice %arg10[%dma_wait3A_182, %dma_wait3A_183] : memref<384x64xbf16, #tpu.memory_space<vmem>> -> memref<320x64xbf16, #tpu.memory_space<vmem>>
        %dma_wait3A_185 = arith.constant 0 : i32
        %dma_wait3A_186 = tpu.memref_slice %arg6[%mul3A_167, %dma_wait3A_185] : memref<40008x64xbf16, #tpu.memory_space<vmem_shared>> -> memref<320x64xbf16, #tpu.memory_space<vmem_shared>>
        tpu.wait_dma2 semaphore(%run_scoped3A : memref<!tpu.dma_semaphore, #tpu.memory_space<semaphore_mem>>) src(%dma_wait3A_186 : memref<320x64xbf16, #tpu.memory_space<vmem_shared>>) dst(%dma_wait3A_184 : memref<320x64xbf16, #tpu.memory_space<vmem>>)
        tpu.yield
      }) : () -> ()
      "tpu.region"() ({
        %run_scoped3A = tpu.sem_alloc : memref<!tpu.dma_semaphore, #tpu.memory_space<semaphore_mem>>
        %dma_start3A_168 = arith.constant 0 : i32
        %dma_start3A_169 = arith.constant 0 : i32
        %dma_start3A_170 = tpu.memref_slice %arg10[%dma_start3A_168, %dma_start3A_169] : memref<384x64xbf16, #tpu.memory_space<vmem>> -> memref<320x64xbf16, #tpu.memory_space<vmem>>
        %dma_start3A_171 = arith.constant 0 : i32
        %dma_start3A_172 = tpu.memref_slice %arg5[%arg0, %mul3A_167, %dma_start3A_171] : memref<2x40000x64xbf16, #tpu.memory_space<hbm>> -> memref<1x320x64xbf16, #tpu.memory_space<hbm>>
        %dma_start3A_173 = tpu.memref_squeeze %dma_start3A_172 : memref<1x320x64xbf16, #tpu.memory_space<hbm>> -> memref<320x64xbf16, #tpu.memory_space<hbm>>
        %dma_start3A_174 = arith.constant 0 : i32
        %dma_start3A_175 = tpu.memref_slice %arg5[%arg0, %mul3A_167, %dma_start3A_174] : memref<2x40000x64xbf16, #tpu.memory_space<hbm>> -> memref<1x320x64xbf16, #tpu.memory_space<hbm>>
        %dma_start3A_176 = tpu.memref_squeeze %dma_start3A_175 : memref<1x320x64xbf16, #tpu.memory_space<hbm>> -> memref<320x64xbf16, #tpu.memory_space<hbm>>
        %dma_start3A_177 = arith.constant 0 : i32
        %dma_start3A_178 = arith.constant 0 : i32
        %dma_start3A_179 = tpu.memref_slice %arg10[%dma_start3A_177, %dma_start3A_178] : memref<384x64xbf16, #tpu.memory_space<vmem>> -> memref<320x64xbf16, #tpu.memory_space<vmem>>
        tpu.enqueue_dma source(%dma_start3A_179 : memref<320x64xbf16, #tpu.memory_space<vmem>>) target(%dma_start3A_176 : memref<320x64xbf16, #tpu.memory_space<hbm>>) target_semaphore(%run_scoped3A : memref<!tpu.dma_semaphore, #tpu.memory_space<semaphore_mem>>)
        %dma_wait3A = arith.constant 0 : i32
        %dma_wait3A_180 = arith.constant 0 : i32
        %dma_wait3A_181 = tpu.memref_slice %arg10[%dma_wait3A, %dma_wait3A_180] : memref<384x64xbf16, #tpu.memory_space<vmem>> -> memref<320x64xbf16, #tpu.memory_space<vmem>>
        %dma_wait3A_182 = arith.constant 0 : i32
        %dma_wait3A_183 = tpu.memref_slice %arg5[%arg0, %mul3A_167, %dma_wait3A_182] : memref<2x40000x64xbf16, #tpu.memory_space<hbm>> -> memref<1x320x64xbf16, #tpu.memory_space<hbm>>
        %dma_wait3A_184 = tpu.memref_squeeze %dma_wait3A_183 : memref<1x320x64xbf16, #tpu.memory_space<hbm>> -> memref<320x64xbf16, #tpu.memory_space<hbm>>
        %dma_wait3A_185 = arith.constant 0 : i32
        %dma_wait3A_186 = tpu.memref_slice %arg5[%arg0, %mul3A_167, %dma_wait3A_185] : memref<2x40000x64xbf16, #tpu.memory_space<hbm>> -> memref<1x320x64xbf16, #tpu.memory_space<hbm>>
        %dma_wait3A_187 = tpu.memref_squeeze %dma_wait3A_186 : memref<1x320x64xbf16, #tpu.memory_space<hbm>> -> memref<320x64xbf16, #tpu.memory_space<hbm>>
        %dma_wait3A_188 = arith.constant 0 : i32
        %dma_wait3A_189 = arith.constant 0 : i32
        %dma_wait3A_190 = tpu.memref_slice %arg10[%dma_wait3A_188, %dma_wait3A_189] : memref<384x64xbf16, #tpu.memory_space<vmem>> -> memref<320x64xbf16, #tpu.memory_space<vmem>>
        tpu.wait_dma2 semaphore(%run_scoped3A : memref<!tpu.dma_semaphore, #tpu.memory_space<semaphore_mem>>) src(%dma_wait3A_190 : memref<320x64xbf16, #tpu.memory_space<vmem>>) dst(%dma_wait3A_187 : memref<320x64xbf16, #tpu.memory_space<hbm>>)
        tpu.yield
      }) : () -> ()
    } else {
    }
    return
  }
}

module attributes {stable_mosaic.version = 14 : i64} {
  func.func @_mlp1_body(%arg0: i32, %arg1: i32, %arg2: memref<2000x128xf32, #tpu.memory_space<vmem>>, %arg3: memref<2x1x2000x64xbf16, #tpu.memory_space<vmem>>, %arg4: memref<1x128x128xf32, #tpu.memory_space<vmem>>, %arg5: memref<1x1x128xf32, #tpu.memory_space<vmem>>, %arg6: memref<1x2000x128xbf16, #tpu.memory_space<vmem>>, %arg7: memref<1x1x128xf32, #tpu.memory_space<vmem>>, %arg8: memref<1x1x128xf32, #tpu.memory_space<vmem>>) attributes {dimension_semantics = [#tpu.dimension_semantics<arbitrary>, #tpu.dimension_semantics<arbitrary>], iteration_bounds = array<i64: 4, 5>, scalar_prefetch = 0 : i64, scratch_operands = 0 : i64, tpu.core_type = #tpu.core_type<tc>, window_params = [{transform_indices = @transform_0, window_bounds = array<i64: 2000, 128>}, {transform_indices = @transform_1, window_bounds = array<i64: 2, 1, 2000, 64>}, {transform_indices = @transform_2, window_bounds = array<i64: 1, 128, 128>}, {transform_indices = @transform_3, window_bounds = array<i64: 1, 1, 128>}, {transform_indices = @transform_4, window_bounds = array<i64: 1, 2000, 128>}, {transform_indices = @transform_5, window_bounds = array<i64: 1, 1, 128>}, {transform_indices = @transform_6, window_bounds = array<i64: 1, 1, 128>}]} {
    %get3A = arith.constant 0 : index
    %get3A_0 = arith.constant 0 : index
    %get3A_1 = vector.load %arg2[%get3A, %get3A_0] : memref<2000x128xf32, #tpu.memory_space<vmem>>, vector<2000x128xf32>
    %get3A_2 = arith.constant 0 : index
    %get3A_3 = arith.constant 0 : index
    %get3A_4 = arith.constant 0 : index
    %get3A_5 = arith.constant 0 : index
    %get3A_6 = vector.load %arg3[%get3A_2, %get3A_3, %get3A_4, %get3A_5] : memref<2x1x2000x64xbf16, #tpu.memory_space<vmem>>, vector<1x1x2000x64xbf16>
    %get3A_7 = vector.shape_cast %get3A_6 : vector<1x1x2000x64xbf16> to vector<2000x64xbf16>
    %get3A_8 = arith.constant 1 : index
    %get3A_9 = arith.constant 0 : index
    %get3A_10 = arith.constant 0 : index
    %get3A_11 = arith.constant 0 : index
    %get3A_12 = vector.load %arg3[%get3A_8, %get3A_9, %get3A_10, %get3A_11] : memref<2x1x2000x64xbf16, #tpu.memory_space<vmem>>, vector<1x1x2000x64xbf16>
    %get3A_13 = vector.shape_cast %get3A_12 : vector<1x1x2000x64xbf16> to vector<2000x64xbf16>
    %concatenate3A = tpu.concatenate %get3A_7, %get3A_13 in 1 : vector<2000x64xbf16>, vector<2000x64xbf16> -> vector<2000x128xbf16>
    %convert_element_type3A = arith.extf %concatenate3A : vector<2000x128xbf16> to vector<2000x128xf32>
    %add3A = arith.addf %get3A_1, %convert_element_type3A : vector<2000x128xf32>
    %get3A_14 = arith.constant 0 : index
    %get3A_15 = arith.constant 0 : index
    %get3A_16 = arith.constant 0 : index
    %get3A_17 = vector.load %arg4[%get3A_14, %get3A_15, %get3A_16] : memref<1x128x128xf32, #tpu.memory_space<vmem>>, vector<1x128x128xf32>
    %get3A_18 = vector.shape_cast %get3A_17 : vector<1x128x128xf32> to vector<128x128xf32>
    %dot_general3A = arith.constant dense<0.000000e+00> : vector<2000x128xf32>
    %dot_general3A_19 = tpu.matmul %add3A, %get3A_18, %dot_general3A {dimension_numbers = #tpu.dot_dimension_numbers<[1], [0], [0], [1], [0, 0, 1, 1], [], []>, transpose_lhs_hint = false} : vector<2000x128xf32>, vector<128x128xf32>, vector<2000x128xf32> -> vector<2000x128xf32>
    %get3A_20 = arith.constant 0 : index
    %get3A_21 = arith.constant 0 : index
    %get3A_22 = arith.constant 0 : index
    %get3A_23 = vector.load %arg5[%get3A_20, %get3A_21, %get3A_22] : memref<1x1x128xf32, #tpu.memory_space<vmem>>, vector<1x1x128xf32>
    %get3A_24 = vector.shape_cast %get3A_23 : vector<1x1x128xf32> to vector<128xf32>
    %broadcast_in_dim3A = vector.shape_cast %get3A_24 : vector<128xf32> to vector<1x128xf32>
    %add3A_25 = vector.broadcast %broadcast_in_dim3A : vector<1x128xf32> to vector<2000x128xf32>
    %add3A_26 = arith.addf %dot_general3A_19, %add3A_25 : vector<2000x128xf32>
    %convert_element_type3A_27 = arith.truncf %add3A_26 : vector<2000x128xf32> to vector<2000x128xbf16>
    %swap3A = arith.constant 0 : index
    %swap3A_28 = arith.constant 0 : index
    %swap3A_29 = arith.constant 0 : index
    %swap3A_30 = vector.load %arg6[%swap3A, %swap3A_28, %swap3A_29] : memref<1x2000x128xbf16, #tpu.memory_space<vmem>>, vector<1x2000x128xbf16>
    %swap3A_31 = vector.shape_cast %swap3A_30 : vector<1x2000x128xbf16> to vector<2000x128xbf16>
    %swap3A_32 = vector.shape_cast %convert_element_type3A_27 : vector<2000x128xbf16> to vector<1x2000x128xbf16>
    tpu.vector_store %arg6[%swap3A, %swap3A_28, %swap3A_29], %swap3A_32 {strides = array<i32>} : memref<1x2000x128xbf16, #tpu.memory_space<vmem>>, vector<1x2000x128xbf16>,
    %eq3A = arith.constant 0 : i32
    %eq3A_33 = arith.cmpi eq, %arg1, %eq3A : i32
    %convert_element_type3A_34 = arith.extui %eq3A_33 : i1 to i32
    %cond3A = arith.constant 0 : i32
    %cond3A_35 = arith.cmpi ne, %convert_element_type3A_34, %cond3A : i32
    scf.if %cond3A_35 {
      %broadcast_in_dim3A_65 = arith.constant 0.000000e+00 : f32
      %broadcast_in_dim3A_66 = vector.broadcast %broadcast_in_dim3A_65 : f32 to vector<1x1x128xf32>
      %swap3A_67 = arith.constant 0 : index
      %swap3A_68 = arith.constant 0 : index
      %swap3A_69 = arith.constant 0 : index
      %swap3A_70 = vector.load %arg7[%swap3A_67, %swap3A_68, %swap3A_69] : memref<1x1x128xf32, #tpu.memory_space<vmem>>, vector<1x1x128xf32>
      tpu.vector_store %arg7[%swap3A_67, %swap3A_68, %swap3A_69], %broadcast_in_dim3A_66 {strides = array<i32>} : memref<1x1x128xf32, #tpu.memory_space<vmem>>, vector<1x1x128xf32>,
      %broadcast_in_dim3A_71 = arith.constant 0.000000e+00 : f32
      %broadcast_in_dim3A_72 = vector.broadcast %broadcast_in_dim3A_71 : f32 to vector<1x1x128xf32>
      %swap3A_73 = arith.constant 0 : index
      %swap3A_74 = arith.constant 0 : index
      %swap3A_75 = arith.constant 0 : index
      %swap3A_76 = vector.load %arg8[%swap3A_73, %swap3A_74, %swap3A_75] : memref<1x1x128xf32, #tpu.memory_space<vmem>>, vector<1x1x128xf32>
      tpu.vector_store %arg8[%swap3A_73, %swap3A_74, %swap3A_75], %broadcast_in_dim3A_72 {strides = array<i32>} : memref<1x1x128xf32, #tpu.memory_space<vmem>>, vector<1x1x128xf32>,
    } else {
    }
    %get3A_36 = arith.constant 0 : index
    %get3A_37 = arith.constant 0 : index
    %get3A_38 = arith.constant 0 : index
    %get3A_39 = vector.load %arg7[%get3A_36, %get3A_37, %get3A_38] : memref<1x1x128xf32, #tpu.memory_space<vmem>>, vector<1x1x128xf32>
    %get3A_40 = vector.shape_cast %get3A_39 : vector<1x1x128xf32> to vector<1x128xf32>
    %reduce_sum3A = arith.constant dense<0.000000e+00> : vector<128xf32>
    %reduce_sum3A_41 = vector.multi_reduction <add>, %add3A_26, %reduce_sum3A [0] : vector<2000x128xf32> to vector<128xf32>
    %broadcast_in_dim3A_42 = vector.shape_cast %reduce_sum3A_41 : vector<128xf32> to vector<1x128xf32>
    %add3A_43 = arith.addf %get3A_40, %broadcast_in_dim3A_42 : vector<1x128xf32>
    %swap3A_44 = arith.constant 0 : index
    %swap3A_45 = arith.constant 0 : index
    %swap3A_46 = arith.constant 0 : index
    %swap3A_47 = vector.load %arg7[%swap3A_44, %swap3A_45, %swap3A_46] : memref<1x1x128xf32, #tpu.memory_space<vmem>>, vector<1x1x128xf32>
    %swap3A_48 = vector.shape_cast %swap3A_47 : vector<1x1x128xf32> to vector<1x128xf32>
    %swap3A_49 = vector.shape_cast %add3A_43 : vector<1x128xf32> to vector<1x1x128xf32>
    tpu.vector_store %arg7[%swap3A_44, %swap3A_45, %swap3A_46], %swap3A_49 {strides = array<i32>} : memref<1x1x128xf32, #tpu.memory_space<vmem>>, vector<1x1x128xf32>,
    %get3A_50 = arith.constant 0 : index
    %get3A_51 = arith.constant 0 : index
    %get3A_52 = arith.constant 0 : index
    %get3A_53 = vector.load %arg8[%get3A_50, %get3A_51, %get3A_52] : memref<1x1x128xf32, #tpu.memory_space<vmem>>, vector<1x1x128xf32>
    %get3A_54 = vector.shape_cast %get3A_53 : vector<1x1x128xf32> to vector<1x128xf32>
    %mul3A = arith.mulf %add3A_26, %add3A_26 : vector<2000x128xf32>
    %reduce_sum3A_55 = arith.constant dense<0.000000e+00> : vector<128xf32>
    %reduce_sum3A_56 = vector.multi_reduction <add>, %mul3A, %reduce_sum3A_55 [0] : vector<2000x128xf32> to vector<128xf32>
    %broadcast_in_dim3A_57 = vector.shape_cast %reduce_sum3A_56 : vector<128xf32> to vector<1x128xf32>
    %add3A_58 = arith.addf %get3A_54, %broadcast_in_dim3A_57 : vector<1x128xf32>
    %swap3A_59 = arith.constant 0 : index
    %swap3A_60 = arith.constant 0 : index
    %swap3A_61 = arith.constant 0 : index
    %swap3A_62 = vector.load %arg8[%swap3A_59, %swap3A_60, %swap3A_61] : memref<1x1x128xf32, #tpu.memory_space<vmem>>, vector<1x1x128xf32>
    %swap3A_63 = vector.shape_cast %swap3A_62 : vector<1x1x128xf32> to vector<1x128xf32>
    %swap3A_64 = vector.shape_cast %add3A_58 : vector<1x128xf32> to vector<1x1x128xf32>
    tpu.vector_store %arg8[%swap3A_59, %swap3A_60, %swap3A_61], %swap3A_64 {strides = array<i32>} : memref<1x1x128xf32, #tpu.memory_space<vmem>>, vector<1x1x128xf32>,
    return
  }
  func.func @transform_0(%arg0: i32, %arg1: i32) -> (i32, i32) {
    %c0_i32 = arith.constant 0 : i32
    %c0_i32_0 = arith.constant 0 : i32
    return %arg1, %c0_i32 : i32, i32
  }
  func.func @transform_1(%arg0: i32, %arg1: i32) -> (i32, i32, i32, i32) {
    %c0_i32 = arith.constant 0 : i32
    %c0_i32_0 = arith.constant 0 : i32
    %c0_i32_1 = arith.constant 0 : i32
    return %c0_i32, %arg0, %arg1, %c0_i32_0 : i32, i32, i32, i32
  }
  func.func @transform_2(%arg0: i32, %arg1: i32) -> (i32, i32, i32) {
    %c0_i32 = arith.constant 0 : i32
    %c0_i32_0 = arith.constant 0 : i32
    %c0_i32_1 = arith.constant 0 : i32
    return %arg0, %c0_i32, %c0_i32_0 : i32, i32, i32
  }
  func.func @transform_3(%arg0: i32, %arg1: i32) -> (i32, i32, i32) {
    %c0_i32 = arith.constant 0 : i32
    %c0_i32_0 = arith.constant 0 : i32
    %c0_i32_1 = arith.constant 0 : i32
    return %arg0, %c0_i32, %c0_i32_0 : i32, i32, i32
  }
  func.func @transform_4(%arg0: i32, %arg1: i32) -> (i32, i32, i32) {
    %c0_i32 = arith.constant 0 : i32
    %c0_i32_0 = arith.constant 0 : i32
    return %arg0, %arg1, %c0_i32 : i32, i32, i32
  }
  func.func @transform_5(%arg0: i32, %arg1: i32) -> (i32, i32, i32) {
    %c0_i32 = arith.constant 0 : i32
    %c0_i32_0 = arith.constant 0 : i32
    %c0_i32_1 = arith.constant 0 : i32
    return %arg0, %c0_i32, %c0_i32_0 : i32, i32, i32
  }
  func.func @transform_6(%arg0: i32, %arg1: i32) -> (i32, i32, i32) {
    %c0_i32 = arith.constant 0 : i32
    %c0_i32_0 = arith.constant 0 : i32
    %c0_i32_1 = arith.constant 0 : i32
    return %arg0, %c0_i32, %c0_i32_0 : i32, i32, i32
  }
}

module attributes {stable_mosaic.version = 14 : i64} {
  func.func @_mlp2_body(%arg0: i32, %arg1: memref<2000x128xf32, #tpu.memory_space<vmem>>, %arg2: memref<4x2000x128xbf16, #tpu.memory_space<vmem>>, %arg3: memref<128x128xf32, #tpu.memory_space<vmem>>, %arg4: memref<4x128x128xf32, #tpu.memory_space<vmem>>, %arg5: memref<4x1x128xf32, #tpu.memory_space<vmem>>, %arg6: memref<4x1x128xf32, #tpu.memory_space<vmem>>, %arg7: memref<4x128xf32, #tpu.memory_space<vmem>>, %arg8: memref<4x128xf32, #tpu.memory_space<vmem>>, %arg9: memref<1x128xf32, #tpu.memory_space<vmem>>, %arg10: memref<2000x128xf32, #tpu.memory_space<vmem>>) attributes {dimension_semantics = [#tpu.dimension_semantics<arbitrary>], iteration_bounds = array<i64: 5>, scalar_prefetch = 0 : i64, scratch_operands = 0 : i64, tpu.core_type = #tpu.core_type<tc>, window_params = [{transform_indices = @transform_0, window_bounds = array<i64: 2000, 128>}, {transform_indices = @transform_1, window_bounds = array<i64: 4, 2000, 128>}, {pipeline_mode = #tpu.pipeline_mode<synchronous>, transform_indices = @transform_2, window_bounds = array<i64: 128, 128>}, {pipeline_mode = #tpu.pipeline_mode<synchronous>, transform_indices = @transform_3, window_bounds = array<i64: 4, 128, 128>}, {pipeline_mode = #tpu.pipeline_mode<synchronous>, transform_indices = @transform_4, window_bounds = array<i64: 4, 1, 128>}, {pipeline_mode = #tpu.pipeline_mode<synchronous>, transform_indices = @transform_5, window_bounds = array<i64: 4, 1, 128>}, {pipeline_mode = #tpu.pipeline_mode<synchronous>, transform_indices = @transform_6, window_bounds = array<i64: 4, 128>}, {pipeline_mode = #tpu.pipeline_mode<synchronous>, transform_indices = @transform_7, window_bounds = array<i64: 4, 128>}, {pipeline_mode = #tpu.pipeline_mode<synchronous>, transform_indices = @transform_8, window_bounds = array<i64: 1, 128>}, {transform_indices = @transform_9, window_bounds = array<i64: 2000, 128>}]} {
    %get3A = arith.constant 0 : index
    %get3A_0 = arith.constant 0 : index
    %get3A_1 = vector.load %arg1[%get3A, %get3A_0] : memref<2000x128xf32, #tpu.memory_space<vmem>>, vector<2000x128xf32>
    %get3A_2 = arith.constant 0 : index
    %get3A_3 = arith.constant 0 : index
    %get3A_4 = vector.load %arg3[%get3A_2, %get3A_3] : memref<128x128xf32, #tpu.memory_space<vmem>>, vector<128x128xf32>
    %dot_general3A = arith.constant dense<0.000000e+00> : vector<2000x128xf32>
    %dot_general3A_5 = tpu.matmul %get3A_1, %get3A_4, %dot_general3A {dimension_numbers = #tpu.dot_dimension_numbers<[1], [0], [0], [1], [0, 0, 1, 1], [], []>, transpose_lhs_hint = false} : vector<2000x128xf32>, vector<128x128xf32>, vector<2000x128xf32> -> vector<2000x128xf32>
    %get3A_6 = arith.constant 0 : index
    %get3A_7 = arith.constant 0 : index
    %get3A_8 = vector.load %arg9[%get3A_6, %get3A_7] : memref<1x128xf32, #tpu.memory_space<vmem>>, vector<1x128xf32>
    %add3A = vector.broadcast %get3A_8 : vector<1x128xf32> to vector<2000x128xf32>
    %add3A_9 = arith.addf %dot_general3A_5, %add3A : vector<2000x128xf32>
    %get3A_10 = arith.constant 0 : index
    %get3A_11 = arith.constant 0 : index
    %get3A_12 = arith.constant 0 : index
    %get3A_13 = vector.load %arg5[%get3A_10, %get3A_11, %get3A_12] : memref<4x1x128xf32, #tpu.memory_space<vmem>>, vector<1x1x128xf32>
    %get3A_14 = vector.shape_cast %get3A_13 : vector<1x1x128xf32> to vector<128xf32>
    %div3A = arith.constant 1.000000e+04 : f32
    %div3A_15 = vector.broadcast %div3A : f32 to vector<128xf32>
    %div3A_16 = arith.divf %get3A_14, %div3A_15 : vector<128xf32>
    %get3A_17 = arith.constant 0 : index
    %get3A_18 = arith.constant 0 : index
    %get3A_19 = arith.constant 0 : index
    %get3A_20 = vector.load %arg6[%get3A_17, %get3A_18, %get3A_19] : memref<4x1x128xf32, #tpu.memory_space<vmem>>, vector<1x1x128xf32>
    %get3A_21 = vector.shape_cast %get3A_20 : vector<1x1x128xf32> to vector<128xf32>
    %div3A_22 = arith.constant 1.000000e+04 : f32
    %div3A_23 = vector.broadcast %div3A_22 : f32 to vector<128xf32>
    %div3A_24 = arith.divf %get3A_21, %div3A_23 : vector<128xf32>
    %mul3A = arith.mulf %div3A_16, %div3A_16 : vector<128xf32>
    %sub3A = arith.subf %div3A_24, %mul3A : vector<128xf32>
    %get3A_25 = arith.constant 0 : index
    %get3A_26 = arith.constant 0 : index
    %get3A_27 = vector.load %arg7[%get3A_25, %get3A_26] : memref<4x128xf32, #tpu.memory_space<vmem>>, vector<1x128xf32>
    %get3A_28 = vector.shape_cast %get3A_27 : vector<1x128xf32> to vector<128xf32>
    %add3A_29 = arith.constant 9.99999974E-6 : f32
    %add3A_30 = vector.broadcast %add3A_29 : f32 to vector<128xf32>
    %add3A_31 = arith.addf %sub3A, %add3A_30 : vector<128xf32>
    %rsqrt3A = math.rsqrt %add3A_31 : vector<128xf32>
    %mul3A_32 = arith.mulf %get3A_28, %rsqrt3A : vector<128xf32>
    %get3A_33 = arith.constant 0 : index
    %get3A_34 = arith.constant 0 : index
    %get3A_35 = vector.load %arg8[%get3A_33, %get3A_34] : memref<4x128xf32, #tpu.memory_space<vmem>>, vector<1x128xf32>
    %get3A_36 = vector.shape_cast %get3A_35 : vector<1x128xf32> to vector<128xf32>
    %mul3A_37 = arith.mulf %div3A_16, %mul3A_32 : vector<128xf32>
    %sub3A_38 = arith.subf %get3A_36, %mul3A_37 : vector<128xf32>
    %get3A_39 = arith.constant 0 : index
    %get3A_40 = arith.constant 0 : index
    %get3A_41 = arith.constant 0 : index
    %get3A_42 = vector.load %arg2[%get3A_39, %get3A_40, %get3A_41] : memref<4x2000x128xbf16, #tpu.memory_space<vmem>>, vector<1x2000x128xbf16>
    %get3A_43 = vector.shape_cast %get3A_42 : vector<1x2000x128xbf16> to vector<2000x128xbf16>
    %convert_element_type3A = arith.extf %get3A_43 : vector<2000x128xbf16> to vector<2000x128xf32>
    %broadcast_in_dim3A = vector.shape_cast %mul3A_32 : vector<128xf32> to vector<1x128xf32>
    %mul3A_44 = vector.broadcast %broadcast_in_dim3A : vector<1x128xf32> to vector<2000x128xf32>
    %mul3A_45 = arith.mulf %convert_element_type3A, %mul3A_44 : vector<2000x128xf32>
    %broadcast_in_dim3A_46 = vector.shape_cast %sub3A_38 : vector<128xf32> to vector<1x128xf32>
    %add3A_47 = vector.broadcast %broadcast_in_dim3A_46 : vector<1x128xf32> to vector<2000x128xf32>
    %add3A_48 = arith.addf %mul3A_45, %add3A_47 : vector<2000x128xf32>
    %max3A = arith.constant 0.000000e+00 : f32
    %max3A_49 = vector.broadcast %max3A : f32 to vector<2000x128xf32>
    %max3A_50 = arith.maximumf %add3A_48, %max3A_49 : vector<2000x128xf32>
    %get3A_51 = arith.constant 0 : index
    %get3A_52 = arith.constant 0 : index
    %get3A_53 = arith.constant 0 : index
    %get3A_54 = vector.load %arg4[%get3A_51, %get3A_52, %get3A_53] : memref<4x128x128xf32, #tpu.memory_space<vmem>>, vector<1x128x128xf32>
    %get3A_55 = vector.shape_cast %get3A_54 : vector<1x128x128xf32> to vector<128x128xf32>
    %dot_general3A_56 = arith.constant dense<0.000000e+00> : vector<2000x128xf32>
    %dot_general3A_57 = tpu.matmul %max3A_50, %get3A_55, %dot_general3A_56 {dimension_numbers = #tpu.dot_dimension_numbers<[1], [0], [0], [1], [0, 0, 1, 1], [], []>, transpose_lhs_hint = false} : vector<2000x128xf32>, vector<128x128xf32>, vector<2000x128xf32> -> vector<2000x128xf32>
    %add3A_58 = arith.addf %add3A_9, %dot_general3A_57 : vector<2000x128xf32>
    %get3A_59 = arith.constant 1 : index
    %get3A_60 = arith.constant 0 : index
    %get3A_61 = arith.constant 0 : index
    %get3A_62 = vector.load %arg5[%get3A_59, %get3A_60, %get3A_61] : memref<4x1x128xf32, #tpu.memory_space<vmem>>, vector<1x1x128xf32>
    %get3A_63 = vector.shape_cast %get3A_62 : vector<1x1x128xf32> to vector<128xf32>
    %div3A_64 = arith.constant 1.000000e+04 : f32
    %div3A_65 = vector.broadcast %div3A_64 : f32 to vector<128xf32>
    %div3A_66 = arith.divf %get3A_63, %div3A_65 : vector<128xf32>
    %get3A_67 = arith.constant 1 : index
    %get3A_68 = arith.constant 0 : index
    %get3A_69 = arith.constant 0 : index
    %get3A_70 = vector.load %arg6[%get3A_67, %get3A_68, %get3A_69] : memref<4x1x128xf32, #tpu.memory_space<vmem>>, vector<1x1x128xf32>
    %get3A_71 = vector.shape_cast %get3A_70 : vector<1x1x128xf32> to vector<128xf32>
    %div3A_72 = arith.constant 1.000000e+04 : f32
    %div3A_73 = vector.broadcast %div3A_72 : f32 to vector<128xf32>
    %div3A_74 = arith.divf %get3A_71, %div3A_73 : vector<128xf32>
    %mul3A_75 = arith.mulf %div3A_66, %div3A_66 : vector<128xf32>
    %sub3A_76 = arith.subf %div3A_74, %mul3A_75 : vector<128xf32>
    %get3A_77 = arith.constant 1 : index
    %get3A_78 = arith.constant 0 : index
    %get3A_79 = vector.load %arg7[%get3A_77, %get3A_78] : memref<4x128xf32, #tpu.memory_space<vmem>>, vector<1x128xf32>
    %get3A_80 = vector.shape_cast %get3A_79 : vector<1x128xf32> to vector<128xf32>
    %add3A_81 = arith.constant 9.99999974E-6 : f32
    %add3A_82 = vector.broadcast %add3A_81 : f32 to vector<128xf32>
    %add3A_83 = arith.addf %sub3A_76, %add3A_82 : vector<128xf32>
    %rsqrt3A_84 = math.rsqrt %add3A_83 : vector<128xf32>
    %mul3A_85 = arith.mulf %get3A_80, %rsqrt3A_84 : vector<128xf32>
    %get3A_86 = arith.constant 1 : index
    %get3A_87 = arith.constant 0 : index
    %get3A_88 = vector.load %arg8[%get3A_86, %get3A_87] : memref<4x128xf32, #tpu.memory_space<vmem>>, vector<1x128xf32>
    %get3A_89 = vector.shape_cast %get3A_88 : vector<1x128xf32> to vector<128xf32>
    %mul3A_90 = arith.mulf %div3A_66, %mul3A_85 : vector<128xf32>
    %sub3A_91 = arith.subf %get3A_89, %mul3A_90 : vector<128xf32>
    %get3A_92 = arith.constant 1 : index
    %get3A_93 = arith.constant 0 : index
    %get3A_94 = arith.constant 0 : index
    %get3A_95 = vector.load %arg2[%get3A_92, %get3A_93, %get3A_94] : memref<4x2000x128xbf16, #tpu.memory_space<vmem>>, vector<1x2000x128xbf16>
    %get3A_96 = vector.shape_cast %get3A_95 : vector<1x2000x128xbf16> to vector<2000x128xbf16>
    %convert_element_type3A_97 = arith.extf %get3A_96 : vector<2000x128xbf16> to vector<2000x128xf32>
    %broadcast_in_dim3A_98 = vector.shape_cast %mul3A_85 : vector<128xf32> to vector<1x128xf32>
    %mul3A_99 = vector.broadcast %broadcast_in_dim3A_98 : vector<1x128xf32> to vector<2000x128xf32>
    %mul3A_100 = arith.mulf %convert_element_type3A_97, %mul3A_99 : vector<2000x128xf32>
    %broadcast_in_dim3A_101 = vector.shape_cast %sub3A_91 : vector<128xf32> to vector<1x128xf32>
    %add3A_102 = vector.broadcast %broadcast_in_dim3A_101 : vector<1x128xf32> to vector<2000x128xf32>
    %add3A_103 = arith.addf %mul3A_100, %add3A_102 : vector<2000x128xf32>
    %max3A_104 = arith.constant 0.000000e+00 : f32
    %max3A_105 = vector.broadcast %max3A_104 : f32 to vector<2000x128xf32>
    %max3A_106 = arith.maximumf %add3A_103, %max3A_105 : vector<2000x128xf32>
    %get3A_107 = arith.constant 1 : index
    %get3A_108 = arith.constant 0 : index
    %get3A_109 = arith.constant 0 : index
    %get3A_110 = vector.load %arg4[%get3A_107, %get3A_108, %get3A_109] : memref<4x128x128xf32, #tpu.memory_space<vmem>>, vector<1x128x128xf32>
    %get3A_111 = vector.shape_cast %get3A_110 : vector<1x128x128xf32> to vector<128x128xf32>
    %dot_general3A_112 = arith.constant dense<0.000000e+00> : vector<2000x128xf32>
    %dot_general3A_113 = tpu.matmul %max3A_106, %get3A_111, %dot_general3A_112 {dimension_numbers = #tpu.dot_dimension_numbers<[1], [0], [0], [1], [0, 0, 1, 1], [], []>, transpose_lhs_hint = false} : vector<2000x128xf32>, vector<128x128xf32>, vector<2000x128xf32> -> vector<2000x128xf32>
    %add3A_114 = arith.addf %add3A_58, %dot_general3A_113 : vector<2000x128xf32>
    %get3A_115 = arith.constant 2 : index
    %get3A_116 = arith.constant 0 : index
    %get3A_117 = arith.constant 0 : index
    %get3A_118 = vector.load %arg5[%get3A_115, %get3A_116, %get3A_117] : memref<4x1x128xf32, #tpu.memory_space<vmem>>, vector<1x1x128xf32>
    %get3A_119 = vector.shape_cast %get3A_118 : vector<1x1x128xf32> to vector<128xf32>
    %div3A_120 = arith.constant 1.000000e+04 : f32
    %div3A_121 = vector.broadcast %div3A_120 : f32 to vector<128xf32>
    %div3A_122 = arith.divf %get3A_119, %div3A_121 : vector<128xf32>
    %get3A_123 = arith.constant 2 : index
    %get3A_124 = arith.constant 0 : index
    %get3A_125 = arith.constant 0 : index
    %get3A_126 = vector.load %arg6[%get3A_123, %get3A_124, %get3A_125] : memref<4x1x128xf32, #tpu.memory_space<vmem>>, vector<1x1x128xf32>
    %get3A_127 = vector.shape_cast %get3A_126 : vector<1x1x128xf32> to vector<128xf32>
    %div3A_128 = arith.constant 1.000000e+04 : f32
    %div3A_129 = vector.broadcast %div3A_128 : f32 to vector<128xf32>
    %div3A_130 = arith.divf %get3A_127, %div3A_129 : vector<128xf32>
    %mul3A_131 = arith.mulf %div3A_122, %div3A_122 : vector<128xf32>
    %sub3A_132 = arith.subf %div3A_130, %mul3A_131 : vector<128xf32>
    %get3A_133 = arith.constant 2 : index
    %get3A_134 = arith.constant 0 : index
    %get3A_135 = vector.load %arg7[%get3A_133, %get3A_134] : memref<4x128xf32, #tpu.memory_space<vmem>>, vector<1x128xf32>
    %get3A_136 = vector.shape_cast %get3A_135 : vector<1x128xf32> to vector<128xf32>
    %add3A_137 = arith.constant 9.99999974E-6 : f32
    %add3A_138 = vector.broadcast %add3A_137 : f32 to vector<128xf32>
    %add3A_139 = arith.addf %sub3A_132, %add3A_138 : vector<128xf32>
    %rsqrt3A_140 = math.rsqrt %add3A_139 : vector<128xf32>
    %mul3A_141 = arith.mulf %get3A_136, %rsqrt3A_140 : vector<128xf32>
    %get3A_142 = arith.constant 2 : index
    %get3A_143 = arith.constant 0 : index
    %get3A_144 = vector.load %arg8[%get3A_142, %get3A_143] : memref<4x128xf32, #tpu.memory_space<vmem>>, vector<1x128xf32>
    %get3A_145 = vector.shape_cast %get3A_144 : vector<1x128xf32> to vector<128xf32>
    %mul3A_146 = arith.mulf %div3A_122, %mul3A_141 : vector<128xf32>
    %sub3A_147 = arith.subf %get3A_145, %mul3A_146 : vector<128xf32>
    %get3A_148 = arith.constant 2 : index
    %get3A_149 = arith.constant 0 : index
    %get3A_150 = arith.constant 0 : index
    %get3A_151 = vector.load %arg2[%get3A_148, %get3A_149, %get3A_150] : memref<4x2000x128xbf16, #tpu.memory_space<vmem>>, vector<1x2000x128xbf16>
    %get3A_152 = vector.shape_cast %get3A_151 : vector<1x2000x128xbf16> to vector<2000x128xbf16>
    %convert_element_type3A_153 = arith.extf %get3A_152 : vector<2000x128xbf16> to vector<2000x128xf32>
    %broadcast_in_dim3A_154 = vector.shape_cast %mul3A_141 : vector<128xf32> to vector<1x128xf32>
    %mul3A_155 = vector.broadcast %broadcast_in_dim3A_154 : vector<1x128xf32> to vector<2000x128xf32>
    %mul3A_156 = arith.mulf %convert_element_type3A_153, %mul3A_155 : vector<2000x128xf32>
    %broadcast_in_dim3A_157 = vector.shape_cast %sub3A_147 : vector<128xf32> to vector<1x128xf32>
    %add3A_158 = vector.broadcast %broadcast_in_dim3A_157 : vector<1x128xf32> to vector<2000x128xf32>
    %add3A_159 = arith.addf %mul3A_156, %add3A_158 : vector<2000x128xf32>
    %max3A_160 = arith.constant 0.000000e+00 : f32
    %max3A_161 = vector.broadcast %max3A_160 : f32 to vector<2000x128xf32>
    %max3A_162 = arith.maximumf %add3A_159, %max3A_161 : vector<2000x128xf32>
    %get3A_163 = arith.constant 2 : index
    %get3A_164 = arith.constant 0 : index
    %get3A_165 = arith.constant 0 : index
    %get3A_166 = vector.load %arg4[%get3A_163, %get3A_164, %get3A_165] : memref<4x128x128xf32, #tpu.memory_space<vmem>>, vector<1x128x128xf32>
    %get3A_167 = vector.shape_cast %get3A_166 : vector<1x128x128xf32> to vector<128x128xf32>
    %dot_general3A_168 = arith.constant dense<0.000000e+00> : vector<2000x128xf32>
    %dot_general3A_169 = tpu.matmul %max3A_162, %get3A_167, %dot_general3A_168 {dimension_numbers = #tpu.dot_dimension_numbers<[1], [0], [0], [1], [0, 0, 1, 1], [], []>, transpose_lhs_hint = false} : vector<2000x128xf32>, vector<128x128xf32>, vector<2000x128xf32> -> vector<2000x128xf32>
    %add3A_170 = arith.addf %add3A_114, %dot_general3A_169 : vector<2000x128xf32>
    %get3A_171 = arith.constant 3 : index
    %get3A_172 = arith.constant 0 : index
    %get3A_173 = arith.constant 0 : index
    %get3A_174 = vector.load %arg5[%get3A_171, %get3A_172, %get3A_173] : memref<4x1x128xf32, #tpu.memory_space<vmem>>, vector<1x1x128xf32>
    %get3A_175 = vector.shape_cast %get3A_174 : vector<1x1x128xf32> to vector<128xf32>
    %div3A_176 = arith.constant 1.000000e+04 : f32
    %div3A_177 = vector.broadcast %div3A_176 : f32 to vector<128xf32>
    %div3A_178 = arith.divf %get3A_175, %div3A_177 : vector<128xf32>
    %get3A_179 = arith.constant 3 : index
    %get3A_180 = arith.constant 0 : index
    %get3A_181 = arith.constant 0 : index
    %get3A_182 = vector.load %arg6[%get3A_179, %get3A_180, %get3A_181] : memref<4x1x128xf32, #tpu.memory_space<vmem>>, vector<1x1x128xf32>
    %get3A_183 = vector.shape_cast %get3A_182 : vector<1x1x128xf32> to vector<128xf32>
    %div3A_184 = arith.constant 1.000000e+04 : f32
    %div3A_185 = vector.broadcast %div3A_184 : f32 to vector<128xf32>
    %div3A_186 = arith.divf %get3A_183, %div3A_185 : vector<128xf32>
    %mul3A_187 = arith.mulf %div3A_178, %div3A_178 : vector<128xf32>
    %sub3A_188 = arith.subf %div3A_186, %mul3A_187 : vector<128xf32>
    %get3A_189 = arith.constant 3 : index
    %get3A_190 = arith.constant 0 : index
    %get3A_191 = vector.load %arg7[%get3A_189, %get3A_190] : memref<4x128xf32, #tpu.memory_space<vmem>>, vector<1x128xf32>
    %get3A_192 = vector.shape_cast %get3A_191 : vector<1x128xf32> to vector<128xf32>
    %add3A_193 = arith.constant 9.99999974E-6 : f32
    %add3A_194 = vector.broadcast %add3A_193 : f32 to vector<128xf32>
    %add3A_195 = arith.addf %sub3A_188, %add3A_194 : vector<128xf32>
    %rsqrt3A_196 = math.rsqrt %add3A_195 : vector<128xf32>
    %mul3A_197 = arith.mulf %get3A_192, %rsqrt3A_196 : vector<128xf32>
    %get3A_198 = arith.constant 3 : index
    %get3A_199 = arith.constant 0 : index
    %get3A_200 = vector.load %arg8[%get3A_198, %get3A_199] : memref<4x128xf32, #tpu.memory_space<vmem>>, vector<1x128xf32>
    %get3A_201 = vector.shape_cast %get3A_200 : vector<1x128xf32> to vector<128xf32>
    %mul3A_202 = arith.mulf %div3A_178, %mul3A_197 : vector<128xf32>
    %sub3A_203 = arith.subf %get3A_201, %mul3A_202 : vector<128xf32>
    %get3A_204 = arith.constant 3 : index
    %get3A_205 = arith.constant 0 : index
    %get3A_206 = arith.constant 0 : index
    %get3A_207 = vector.load %arg2[%get3A_204, %get3A_205, %get3A_206] : memref<4x2000x128xbf16, #tpu.memory_space<vmem>>, vector<1x2000x128xbf16>
    %get3A_208 = vector.shape_cast %get3A_207 : vector<1x2000x128xbf16> to vector<2000x128xbf16>
    %convert_element_type3A_209 = arith.extf %get3A_208 : vector<2000x128xbf16> to vector<2000x128xf32>
    %broadcast_in_dim3A_210 = vector.shape_cast %mul3A_197 : vector<128xf32> to vector<1x128xf32>
    %mul3A_211 = vector.broadcast %broadcast_in_dim3A_210 : vector<1x128xf32> to vector<2000x128xf32>
    %mul3A_212 = arith.mulf %convert_element_type3A_209, %mul3A_211 : vector<2000x128xf32>
    %broadcast_in_dim3A_213 = vector.shape_cast %sub3A_203 : vector<128xf32> to vector<1x128xf32>
    %add3A_214 = vector.broadcast %broadcast_in_dim3A_213 : vector<1x128xf32> to vector<2000x128xf32>
    %add3A_215 = arith.addf %mul3A_212, %add3A_214 : vector<2000x128xf32>
    %max3A_216 = arith.constant 0.000000e+00 : f32
    %max3A_217 = vector.broadcast %max3A_216 : f32 to vector<2000x128xf32>
    %max3A_218 = arith.maximumf %add3A_215, %max3A_217 : vector<2000x128xf32>
    %get3A_219 = arith.constant 3 : index
    %get3A_220 = arith.constant 0 : index
    %get3A_221 = arith.constant 0 : index
    %get3A_222 = vector.load %arg4[%get3A_219, %get3A_220, %get3A_221] : memref<4x128x128xf32, #tpu.memory_space<vmem>>, vector<1x128x128xf32>
    %get3A_223 = vector.shape_cast %get3A_222 : vector<1x128x128xf32> to vector<128x128xf32>
    %dot_general3A_224 = arith.constant dense<0.000000e+00> : vector<2000x128xf32>
    %dot_general3A_225 = tpu.matmul %max3A_218, %get3A_223, %dot_general3A_224 {dimension_numbers = #tpu.dot_dimension_numbers<[1], [0], [0], [1], [0, 0, 1, 1], [], []>, transpose_lhs_hint = false} : vector<2000x128xf32>, vector<128x128xf32>, vector<2000x128xf32> -> vector<2000x128xf32>
    %add3A_226 = arith.addf %add3A_170, %dot_general3A_225 : vector<2000x128xf32>
    %swap3A = arith.constant 0 : index
    %swap3A_227 = arith.constant 0 : index
    %swap3A_228 = vector.load %arg10[%swap3A, %swap3A_227] : memref<2000x128xf32, #tpu.memory_space<vmem>>, vector<2000x128xf32>
    tpu.vector_store %arg10[%swap3A, %swap3A_227], %add3A_226 {strides = array<i32>} : memref<2000x128xf32, #tpu.memory_space<vmem>>, vector<2000x128xf32>,
    return
  }
  func.func @transform_0(%arg0: i32) -> (i32, i32) {
    %c0_i32 = arith.constant 0 : i32
    %c0_i32_0 = arith.constant 0 : i32
    return %arg0, %c0_i32 : i32, i32
  }
  func.func @transform_1(%arg0: i32) -> (i32, i32, i32) {
    %c0_i32 = arith.constant 0 : i32
    %c0_i32_0 = arith.constant 0 : i32
    %c0_i32_1 = arith.constant 0 : i32
    return %c0_i32, %arg0, %c0_i32_0 : i32, i32, i32
  }
  func.func @transform_2(%arg0: i32) -> (i32, i32) {
    %c0_i32 = arith.constant 0 : i32
    %c0_i32_0 = arith.constant 0 : i32
    %c0_i32_1 = arith.constant 0 : i32
    return %c0_i32, %c0_i32_0 : i32, i32
  }
  func.func @transform_3(%arg0: i32) -> (i32, i32, i32) {
    %c0_i32 = arith.constant 0 : i32
    %c0_i32_0 = arith.constant 0 : i32
    %c0_i32_1 = arith.constant 0 : i32
    %c0_i32_2 = arith.constant 0 : i32
    return %c0_i32, %c0_i32_0, %c0_i32_1 : i32, i32, i32
  }
  func.func @transform_4(%arg0: i32) -> (i32, i32, i32) {
    %c0_i32 = arith.constant 0 : i32
    %c0_i32_0 = arith.constant 0 : i32
    %c0_i32_1 = arith.constant 0 : i32
    %c0_i32_2 = arith.constant 0 : i32
    return %c0_i32, %c0_i32_0, %c0_i32_1 : i32, i32, i32
  }
  func.func @transform_5(%arg0: i32) -> (i32, i32, i32) {
    %c0_i32 = arith.constant 0 : i32
    %c0_i32_0 = arith.constant 0 : i32
    %c0_i32_1 = arith.constant 0 : i32
    %c0_i32_2 = arith.constant 0 : i32
    return %c0_i32, %c0_i32_0, %c0_i32_1 : i32, i32, i32
  }
  func.func @transform_6(%arg0: i32) -> (i32, i32) {
    %c0_i32 = arith.constant 0 : i32
    %c0_i32_0 = arith.constant 0 : i32
    %c0_i32_1 = arith.constant 0 : i32
    return %c0_i32, %c0_i32_0 : i32, i32
  }
  func.func @transform_7(%arg0: i32) -> (i32, i32) {
    %c0_i32 = arith.constant 0 : i32
    %c0_i32_0 = arith.constant 0 : i32
    %c0_i32_1 = arith.constant 0 : i32
    return %c0_i32, %c0_i32_0 : i32, i32
  }
  func.func @transform_8(%arg0: i32) -> (i32, i32) {
    %c0_i32 = arith.constant 0 : i32
    %c0_i32_0 = arith.constant 0 : i32
    %c0_i32_1 = arith.constant 0 : i32
    return %c0_i32, %c0_i32_0 : i32, i32
  }
  func.func @transform_9(%arg0: i32) -> (i32, i32) {
    %c0_i32 = arith.constant 0 : i32
    %c0_i32_0 = arith.constant 0 : i32
    return %arg0, %c0_i32 : i32, i32
  }
}

</mosaic_0001>

<sc_bundles>
// kernel: kernel.5.cloned.1.call-start
scs
__scs_entry_jumppad:
0x0: {  	(pc) =	sbr.rel $0x88, $3  }
0x1: {  	(tag) =	ssettag $0x0;
	lr =	simm.s32 $0x1  }
0x2: {  	[smem:$0x3F96] =	sst lr;
	_ =	strace $0xD0000000  }
0x3: {  	_ = 	snop  }
0x4: {  	_ = 	snop  }
0x5: {  	_ = 	snop  }
0x6: {  	_ = 	snop  }
0x7: {  	_ = 	snop  }
__scs_overlays_trampoline_lowered:
0x8: {  	[smem:$0x3FA5] =	sst s0  }
0x9: {  	[smem:$0x3FA6] =	sst s1  }
0xa: {  	[smem:$0x3FA7] =	sst s2  }
0xb: {  	[smem:$0x3FA8] =	sst s3  }
0xc: {  	[smem:$0x3FA9] =	sst s4  }
0xd: {  	[smem:$0x3FAA] =	sst s5  }
0xe: {  	[smem:$0x3FAB] =	sst s6  }
0xf: {  	[smem:$0x3FAC] =	sst s7  }
0x10: {  	[smem:$0x3FAD] =	sst s8  }
0x11: {  	[smem:$0x3FAE] =	sst s9;
	s0 =	simm.s32 @!p0 $0x0  }
0x12: {  	s1 =	sld [smem:$0x3F94];
	s0 =	simm.s32 @p0 $0x1  }
0x13: {  	[smem:$0x3FAF] =	sst s0;
	s0 =	simm.s32 @!p1 $0x0  }
0x14: {  	s2 =	sld [smem:$0x3F93];
	s0 =	simm.s32 @p1 $0x1  }
0x15: {  	[smem:$0x3FB0] =	sst s0;
	s0 =	simm.s32 @!p2 $0x0  }
0x16: {  	s3 =	sld [smem:$0x3FDB];
	s0 =	simm.s32 @p2 $0x1  }
0x17: {  	s4 =	simm.s32 $0x1BF5;
	[smem:$0x3FB2] =	sst s0  }
0x18: {  	s0 =	sld [smem:$0x3F95];
	_ =	swait.ge [sflag:s4], $0x0  }
0x19: {  	s7 =	sld [smem:$0x3F96]  }
0x1a: {  	s8 =	sadd.s32 $0xFFFFE003, lr  }
0x1b: {  	s9 =	sadd.s32 $0xFFFFFEF7, lr;
	s5 =	simm.s32 $0xFFFFFFFF;
	p2 =	slt.u32 s8, $0xFFFFF086  }
0x1c: {  	p1 =	slt.u32 s9, $0xF7A;
	s5 =	simm.s32 @!p2 $0x0  }
0x1d: {  	s5 =	simm.s32 @p1 $0x1;
	p0 =	seq.s32 s7, s2  }
0x1e: {  	s7 =	smul.u32 @!p0 $0xF7A, s2;
	p2 =	seq.s32 @!p0 s5, $0x0  }
0x1f: {  	s9 =	smul.u32 $0xF7A, s1;
	s8 =	simm.s32 @!p0 $0x1BF5;
	p2 =	por !p2, p0  }
0x20: {  	[sflag:s8] =	ssyncset.s32 @!p0 $0xFFFFF086;
	s6 =	sadd.s32 @!p0 s3, s7;
	s7 =	simm.s32 @!p0 $0x108  }
0x21: {  	s3 =	sadd.s32 s3, s9;
	s6 =	sadd.s32 @!p0 $0x88, s6;
	s7 =	simm.s32 @p2 $0x1082  }
0x22: {  	[simem:s7], [sflag:s8] =	dma.local @!p0 [hbm:s6], $0xF7A  }
0x23: {  	s9 =	sor.u32 $0xD0000000, s2;
	s6 =	simm.s32 $0x108;
	_ =	swait.ge @!p0 [sflag:s8], $0x0  }
0x24: {  	s3 =	sadd.s32 $0x88, s3;
	s6 =	simm.s32 @!p1 $0x1082;
	[sflag:s4] =	ssyncset.s32 $0xFFFFF086  }
0x25: {  	[simem:s6], [sflag:s4] =	dma.local [hbm:s3], $0xF7A  }
0x26: {  	[smem:$0x3F96] =	sst s1;
	(tag) =	ssettag s2;
	_ =	strace s9  }
0x27: {  	s1 =	sld [smem:$0x3FA6]  }
0x28: {  	s2 =	sld [smem:$0x3FA7]  }
0x29: {  	s4 =	sld [smem:$0x3FA9]  }
0x2a: {  	p0 =	seq.s32 s5, $0x0;
	s5 =	sld [smem:$0x3FAA]  }
0x2b: {  	s6 =	sld [smem:$0x3FAB]  }
0x2c: {  	s7 =	sld [smem:$0x3FAC]  }
0x2d: {  	s3 =	simm.s32 $0x108;
	s8 =	sld [smem:$0x3FAD]  }
0x2e: {  	s3 =	simm.s32 @!p0 $0x1082;
	s9 =	sld [smem:$0x3FAE]  }
0x2f: {  	lr =	sadd.s32 s0, s3;
	s0 =	sld [smem:$0x3FA5]  }
0x30: {  	s3 =	sld [smem:$0x3FA8]  }
0x31: {  	[smem:$0x3FB1] =	sst s10  }
0x32: {  	s10 =	sld [smem:$0x3FAF];
	_ =	sdelay $0x3  }
0x33: {  	p0 =	seq.s32 s10, $0x1;
	s10 =	sld [smem:$0x3FB1];
	_ =	sdelay $0x3  }
0x34: {  	[smem:$0x3FB1] =	sst s10  }
0x35: {  	s10 =	sld [smem:$0x3FB0];
	_ =	sdelay $0x3  }
0x36: {  	p1 =	seq.s32 s10, $0x1;
	s10 =	sld [smem:$0x3FB1];
	_ =	sdelay $0x3  }
0x37: {  	[smem:$0x3FB1] =	sst s10  }
0x38: {  	s10 =	sld [smem:$0x3FB2]  }
0x39: {  	_ = 	snop;
	(pc) =	sbr.ind lr, $3  }
0x3a: {  	_ = 	snop  }
0x3b: {  	_ = 	snop  }
0x3c: {  	p2 =	seq.s32 s10, $0x1;
	s10 =	sld [smem:$0x3FB1]  }
0x3d: {  	_ =	shalt  }
0x3e: {  	_ =	shalt  }
0x3f: {  	_ =	shalt  }
0x40: {  	_ =	shalt  }
0x41: {  	_ =	shalt  }
0x42: {  	_ =	shalt  }
0x43: {  	_ =	shalt  }
0x44: {  	_ =	shalt  }
0x45: {  	_ =	shalt  }
0x46: {  	_ =	shalt  }
0x47: {  	_ =	shalt  }
0x48: {  	_ =	shalt  }
0x49: {  	_ =	shalt  }
0x4a: {  	_ =	shalt  }
0x4b: {  	_ =	shalt  }
0x4c: {  	_ =	shalt  }
0x4d: {  	_ =	shalt  }
0x4e: {  	_ =	shalt  }
0x4f: {  	_ =	shalt  }
0x50: {  	_ =	shalt  }
0x51: {  	_ =	shalt  }
0x52: {  	_ =	shalt  }
0x53: {  	_ =	shalt  }
0x54: {  	_ =	shalt  }
0x55: {  	_ =	shalt  }
0x56: {  	_ =	shalt  }
0x57: {  	_ =	shalt  }
0x58: {  	_ =	shalt  }
0x59: {  	_ =	shalt  }
0x5a: {  	_ =	shalt  }
0x5b: {  	_ =	shalt  }
0x5c: {  	_ =	shalt  }
0x5d: {  	_ =	shalt  }
0x5e: {  	_ =	shalt  }
0x5f: {  	_ =	shalt  }
0x60: {  	_ =	shalt  }
0x61: {  	_ =	shalt  }
0x62: {  	_ =	shalt  }
0x63: {  	_ =	shalt  }
0x64: {  	_ =	shalt  }
0x65: {  	_ =	shalt  }
0x66: {  	_ =	shalt  }
0x67: {  	_ =	shalt  }
0x68: {  	_ =	shalt  }
0x69: {  	_ =	shalt  }
0x6a: {  	_ =	shalt  }
0x6b: {  	_ =	shalt  }
0x6c: {  	_ =	shalt  }
0x6d: {  	_ =	shalt  }
0x6e: {  	_ =	shalt  }
0x6f: {  	_ =	shalt  }
0x70: {  	_ =	shalt  }
0x71: {  	_ =	shalt  }
0x72: {  	_ =	shalt  }
0x73: {  	_ =	shalt  }
0x74: {  	_ =	shalt  }
0x75: {  	_ =	shalt  }
0x76: {  	_ =	shalt  }
0x77: {  	_ =	shalt  }
0x78: {  	_ =	shalt  }
0x79: {  	_ =	shalt  }
0x7a: {  	_ =	shalt  }
0x7b: {  	_ =	shalt  }
0x7c: {  	_ =	shalt  }
0x7d: {  	_ =	shalt  }
0x7e: {  	_ =	shalt  }
0x7f: {  	_ =	shalt  }
0x80: {  	_ =	shalt  }
0x81: {  	_ =	shalt  }
0x82: {  	_ =	shalt  }
0x83: {  	_ =	shalt  }
0x84: {  	_ =	shalt  }
0x85: {  	_ =	shalt  }
0x86: {  	_ =	shalt  }
0x87: {  	_ =	shalt  }
.Lfunc_end0:
.L_simem_size_0:
called_computation_lowered:
.L_overlay_start_0:
0x88: {  	s2 =	sld [smem:$0x3FD9]  }
0x89: {  	s3 =	sld [smem:$0x3FFE];
	_ =	sdelay $0x1  }
0x8a: {  	s1 =	srdreg.scid  }
0x8b: {  	s0 =	sand.u32 $0x1, s1  }
0x8c: {  	s17 =	sshll.u32 s0, $0xA;
	s2 =	sadd.s32 s3, s2  }
0x8d: {  	s2 =	sadd.s32 s2, s17  }
0x8e: {  	[smem:$0x3FBD] =	sst s2  }
0x8f: {  	_ = 	snop  }
0x90: {  	s2 =	sld [smem:$0x3FD0];
	(tm) =	ssettm $0x1  }
0x91: {  	s18 =	sld [smem:$0x3FFB];
	_ =	sdelay $0x3  }
0x92: {  	_ =	strace s18  }
0x93: {  	s3 =	sld [smem:$0x3FFC];
	_ =	sdelay $0x3  }
0x94: {  	_ =	strace s3  }
0x95: {  	s3 =	sld [smem:$0x3FFD];
	_ =	sdelay $0x3  }
0x96: {  	_ =	strace s3  }
0x97: {  	_ =	strace $0x8FFFFFFF  }
0x98: {  	s19 =	sld [smem:$0x3FDB];
	_ =	sdelay $0x1  }
0x99: {  	s4 =	simm.s32 $_scs_section_size  }
0x9a: {  	s5 =	simm.s32 $_size__tile_overlayer_lowered;
	s6 =	simm.s32 $_tile_overlayer_lowered  }
0x9b: {  	s22 =	simm.s32 $0x1BFF;
	s21 =	sshll.u32 s6, $0x1;
	s3 =	sadd.s32 s4, s19  }
0x9c: {  	s7 =	simm.s32 $0x0;
	s20 =	sshll.u32 s5, $0x1;
	s5 =	sadd.s32 s21, s3  }
0x9d: {  	[timem:s7], [sflag:s22] =	dma.local [hbm:s5], s20  }
0x9e: {  	_ =	swait.ge [sflag:s22], s20  }
0x9f: {  	s4 =	ssub.s32 $0x0, s20;
	[sflag:s22] =	ssyncset.done $0x0  }
0xa0: {  	[sflag:s22] =	ssyncadd.s32 s4;
	_ =	sdelay $0x1  }
0xa1: {  	s23 =	simm.s32 $0x1B8B  }
0xa2: {  	_ =	swait.ge [sflag:s23], $0x1  }
0xa3: {  	[sflag:s23] =	ssyncset.done $0x0  }
0xa4: {  	s25 =	simm.s32 $0x1B8E;
	s24 =	sld [smem:$0x3FFE];
	[sflag:s23] =	ssyncadd.s32 $0xFFFFFFFF  }
0xa5: {  	s26 =	simm.s32 $execute0_lowered;
	[smem:$0x3FD2] =	sst s25  }
0xa6: {  	s5 =	sshll.u32 s26, $0x1;
	_ =	strace $0x80000046;
	[dreg:$0x1] =	wrdreg $0xFFFFFFFF  }
0xa7: {  	s28 =	simm.s32 $_size_execute0_lowered;
	s3 =	sadd.s32 s3, s5;
	[dreg:$0x0] =	wrdreg $0x0  }
0xa8: {  	s5 =	sshll.u32 s28, $0x1;
	[dreg:$0x2] =	wrdreg s3  }
0xa9: {  	[dreg:$0x3] =	wrdreg s5  }
0xaa: {  	[dreg:$0x4] =	wrdreg $0xC0  }
0xab: {  	_ =	task [dreg:s7], $0x5FFFF  }
0xac: {  	[dreg:$0x1] =	wrdreg $0xFFFFFFFF  }
0xad: {  	[dreg:$0x0] =	wrdreg $0x60  }
0xae: {  	[dreg:$0x2] =	wrdreg s24  }
0xaf: {  	[dreg:$0x3] =	wrdreg s2  }
0xb0: {  	[dreg:$0x4] =	wrdreg $0x138900  }
0xb1: {  	[dreg:$0x5] =	wrdreg $0x0  }
0xb2: {  	[dreg:$0x6] =	wrdreg $0x9  }
0xb3: {  	_ =	task.clear_ibuf [dreg:s7], $0x7FFFF;
	_ =	strace $0x90000046  }
0xb4: {  	s29 =	simm.s32 $0x9;
	_ =	strace $0x80000048  }
0xb5: {  	_ =	swait.ge [sflag:s29], $0x1  }
0xb6: {  	[sflag:s29] =	ssyncadd.s32 $0xFFFFFFFF  }
0xb7: {  	_ =	strace $0x90000048  }
0xb8: {  	_ =	sfence  }
0xb9: {  	s30 =	sld [smem:$0x0];
	_ =	sdelay $0x2  }
0xba: {  	s31 =	sshll.u32 s1, $0xD;
	s1 =	sshrl.u32 s1, $0x2  }
0xbb: {  	s3 =	sand.u32 $0x4000, s31;
	s1 =	sadd.s32 s1, s30  }
0xbc: {  	s0 =	sor.u32 s3, s0;
	s1 =	sshll.u32 s1, $0x11  }
0xbd: {  	s0 =	sor.u32 s1, s0  }
0xbe: {  	s0 =	sadd.s32 $0x8F2B, s0  }
0xbf: {  	[sflag:s0] =	ssyncadd.remote.s32 $0x1  }
0xc0: {  	_ =	sfence.sel $0xFFFF  }
0xc1: {  	[dreg:$0x0] =	wrdreg $0xFFFFFFFF;
	(pc) =	sbr.abs _section_cstart, $3  }
0xc2: {  	[dreg:$0x1] =	wrdreg $0xFFFFFFFF  }
0xc3: {  	_ =	task.clear_ibuf [dreg:s7], $0x2FFFF;
	_ =	strace $0x9FFFFFFF  }
0xc4: {  	(tm) =	ssettm $0x7FFFFFFF  }
0xc5: {  	_ =	shalt  }
tec
execute0_lowered:
.L_overlay_start_1:
0x0: {  	(tag) =	ssettag $0x1  }
0x1: {  	s0 =	srdreg.scid  }
0x2: {  	s25 =	stileid.u32;
	s8 =	rddreg [dreg:$0x0]  }
0x3: {  	s6 =	rddreg [dreg:$0x1];
	s1 =	simm.s32 $0x0;
	s30 =	simm.s32 $0x18830  }
0x4: {  	s31 =	simm.s32 $0x18930;
	s28 =	simm.s32 $0x3;
	s29 =	simm.s32 $0x2  }
0x5: {  	s2 =	sand.u32 $0x1, s0;
	s3 =	smul.u32 $0x9C4, s25;
	[smem:$0x7FF] =	sst s1  }
0x6: {  	s11 =	sadd.s32 $0x14C00, s8;
	s13 =	sor.u32 $0x10, s25;
	s19 =	smul.u32 $0x1440, s25  }
0x7: {  	s14 =	sor.u32 $0x20, s25;
	s15 =	sor.u32 $0x30, s25;
	s0 =	smul.u32 $0x9C40, s2  }
0x8: {  	s16 =	sor.u32 $0x40, s25;
	s17 =	sor.u32 $0x50, s25;
	s12 =	smul.u32 $0x271000, s2  }
0x9: {  	s18 =	ssub.s32 $0x2, s2;
	s2 =	sadd.s32 s6, s19;
	s6 =	smul.u32 $0x5000, s15  }
0xa: {  	s4 =	sshrl.u32 s18, $0x1;
	s9 =	sadd.s32 s3, s0;
	s3 =	smul.u32 $0x5000, s25  }
0xb: {  	p0 =	sgt.u32 s25, $0xC;
	s0 =	ssub.s32 s18, s4;
	s4 =	smul.u32 $0x5000, s13  }
0xc: {  	s18 =	sor.u32 $0x60, s25;
	s22 =	sadd.s32 s12, s6;
	s9 =	sadd.s32 s9, s8  }
0xd: {  	s8 =	sadd.s32 $0x14600, s8;
	s0 =	smax.u32 s0, $0x1;
	s5 =	sadd.s32 s3, s12  }
0xe: {  	s21 =	sadd.s32 s12, s4;
	s9 =	sadd.s32 $0xC00, s9;
	s3 =	sshrl.u32 s3, $0x1  }
0xf: {  	s7 =	sshrl.u32 s5, $0x4;
	s5 =	smul.u32 $0x5000, s14;
	s19 =	sshrl.u32 s21, $0x4  }
0x10: {  	s21 =	sor.u32 $0x70, s25;
	s14 =	smul.u32 $0xA000, s14;
	s20 =	sadd.s32 s11, s7  }
0x11: {  	s7 =	smul.u32 $0x5000, s16;
	s19 =	sadd.s32 s11, s19;
	[dreg:$0x5] =	wrdreg s20  }
0x12: {  	s10 =	sadd.s32 s12, s5;
	[dreg:$0x6] =	wrdreg s19;
	s20 =	smul.u32 $0x5000, s17  }
0x13: {  	s19 =	smul.u32 $0x5000, s18;
	s10 =	sshrl.u32 s10, $0x4;
	s23 =	sadd.s32 s12, s7  }
0x14: {  	s10 =	sadd.s32 s11, s10;
	s24 =	sshrl.u32 s23, $0x4;
	s26 =	sadd.s32 s12, s20  }
0x15: {  	s23 =	smul.u32 $0x5000, s21;
	[dreg:$0x7] =	wrdreg s10;
	s10 =	sshrl.u32 s22, $0x4  }
0x16: {  	s20 =	sshrl.u32 s20, $0x1;
	s22 =	sadd.s32 s12, s19;
	s10 =	sadd.s32 s11, s10  }
0x17: {  	s22 =	sshrl.u32 s22, $0x4;
	s1 =	sadd.s32 s12, s23;
	s12 =	rddreg [dreg:$0x3]  }
0x18: {  	[dreg:$0x8] =	wrdreg s10;
	s10 =	sadd.s32 s11, s24;
	s22 =	sadd.s32 s11, s22  }
0x19: {  	s24 =	smul.u32 $0x13880, s25;
	s3 =	sadd.s32 s3, s12;
	[dreg:$0x9] =	wrdreg s10  }
0x1a: {  	s10 =	sshrl.u32 s26, $0x4;
	[dreg:$0xb] =	wrdreg s22;
	s22 =	sshrl.u32 s1, $0x4  }
0x1b: {  	s26 =	sshll.u32 s25, $0x6;
	s1 =	smul.u32 $0xA000, s25;
	s10 =	sadd.s32 s11, s10  }
0x1c: {  	s11 =	sadd.s32 s11, s22;
	s24 =	sshrl.u32 s24, $0x2;
	[dreg:$0xa] =	wrdreg s10  }
0x1d: {  	s22 =	smul.u32 $0xA000, s18;
	s18 =	sshrl.u32 s7, $0x1;
	s10 =	rddreg [dreg:$0x2]  }
0x1e: {  	s7 =	simm.s32 $0x18CB0;
	[dreg:$0xc] =	wrdreg s11;
	s11 =	smul.u32 $0xA000, s13  }
0x1f: {  	s13 =	sor.u32 $0x1C05, s26;
	_ =	strace $0x80000047;
	[dreg:$0xd] =	wrdreg s8  }
0x20: {  	s26 =	smul.u32 $0xA000, s15;
	s8 =	sadd.s32 s24, s10;
	[dreg:$0xe] =	wrdreg s9  }
0x21: {  	[dreg:$0xf] =	wrdreg s13;
	s24 =	sshrl.u32 s1, $0x2;
	s1 =	smul.u32 $0xA000, s16  }
0x22: {  	s9 =	sshrl.u32 s14, $0x2;
	s16 =	smul.u32 $0xA000, s17;
	[dreg:$0x18] =	wrdreg s3  }
0x23: {  	s14 =	sshrl.u32 s4, $0x1;
	[smem:$0x7FB] =	sst s0;
	s0 =	simm.s32 $0x4  }
0x24: {  	s11 =	sshrl.u32 s11, $0x2;
	s13 =	sadd.s32 s24, s12;
	s15 =	sshrl.u32 s26, $0x2  }
0x25: {  	s9 =	sadd.s32 s9, s12;
	s26 =	smul.u32 $0xA000, s21;
	s3 =	sadd.s32 s14, s12  }
0x26: {  	s21 =	sshrl.u32 s19, $0x1;
	s25 =	sshrl.u32 s8, $0x3;
	[dreg:$0x10] =	wrdreg s13  }
0x27: {  	s14 =	simm.s32 $0x18C30;
	s11 =	sadd.s32 s11, s12;
	[dreg:$0x12] =	wrdreg s9  }
0x28: {  	s17 =	sadd.s32 s15, s12;
	s24 =	sshrl.u32 s16, $0x2;
	s9 =	sshrl.u32 s22, $0x2  }
0x29: {  	[dreg:$0x19] =	wrdreg s3;
	s15 =	sshrl.u32 s5, $0x1;
	s16 =	sshrl.u32 s6, $0x1  }
0x2a: {  	s22 =	sadd.s32 s21, s12;
	[smem:$0x7FC] =	sst s25;
	s6 =	simm.s32 $0x5  }
0x2b: {  	s25 =	simm.s32 $0x18BB0;
	s5 =	simm.s32 $0x0;
	[dreg:$0x11] =	wrdreg s11  }
0x2c: {  	[dreg:$0x13] =	wrdreg s17;
	s11 =	sshrl.u32 s1, $0x2;
	s1 =	sadd.s32 s24, s12  }
0x2d: {  	s9 =	sadd.s32 s9, s12;
	s13 =	sshrl.u32 s26, $0x2;
	[dreg:$0x1e] =	wrdreg s22  }
0x2e: {  	s3 =	sadd.s32 s15, s12;
	s17 =	sadd.s32 s16, s12;
	[dreg:$0x15] =	wrdreg s1  }
0x2f: {  	s24 =	sshrl.u32 s23, $0x1;
	s26 =	sadd.s32 $0x13E0, s2;
	[dreg:$0x16] =	wrdreg s9  }
0x30: {  	s16 =	simm.s32 $0x1ACB0;
	s22 =	simm.s32 $0x1DCB0;
	[dreg:$0x1a] =	wrdreg s3  }
0x31: {  	s23 =	simm.s32 $0x1;
	s11 =	sadd.s32 s11, s12;
	[dreg:$0x1b] =	wrdreg s17  }
0x32: {  	s9 =	sadd.s32 s13, s12;
	s3 =	sadd.s32 s18, s12;
	[smem:$0x7FD] =	sst s26  }
0x33: {  	s17 =	simm.s32 $0x189B0;
	s18 =	simm.s32 $0x1BCB0;
	[dreg:$0x14] =	wrdreg s11  }
0x34: {  	s26 =	simm.s32 $0x18730;
	s1 =	simm.s32 $0x18B30;
	[dreg:$0x17] =	wrdreg s9  }
0x35: {  	[dreg:$0x1c] =	wrdreg s3;
	s3 =	sadd.s32 s20, s12;
	s11 =	simm.s32 $0x80  }
0x36: {  	s20 =	simm.s32 $0x1CCB0;
	[dreg:$0x1d] =	wrdreg s3;
	s3 =	sadd.s32 s24, s12  }
0x37: {  	s9 =	simm.s32 $0x18A30;
	s24 =	simm.s32 $0x18AB0;
	[dreg:$0x1f] =	wrdreg s3  }
.LBB2_1:
0x38: {  	[smem:$0x7FA] =	sst s5  }
0x39: {  	s21 =	sld [smem:$0x7FC]  }
0x3a: {  	s3 =	rddreg [dreg:$0xe]  }
0x3b: {  	s4 =	rddreg [dreg:$0xf]  }
0x3c: {  	[spmem:s21], [sflag:s4] =	dma.local [hbm:s3], $0x9C4  }
0x3d: {  	_ =	swait.ge [sflag:s6], $0x9C4  }
0x3e: {  	[sflag:s6] =	ssyncset.done $0x0  }
0x3f: {  	s15 =	simm.s32 $0x0;
	s8 =	rddreg [dreg:$0xd];
	[sflag:s6] =	ssyncadd.s32 $0xFFFFF63C  }
0x40: {  	[tilespmem:s7], [sflag:$0x5] =	stream.linear.gather [hbm4b:s8+s15], $0x2800, $0x38;
	[tilespmem:$0x1ECB0] =	vst v63  }
0x41: {  	_ =	swait.ge [sflag:s6], $0x2800  }
0x42: {  	[sflag:s6] =	ssyncset.done $0x0  }
0x43: {  	s13 =	rddreg [dreg:$0x10];
	[sflag:s6] =	ssyncadd.s32 $0xFFFFD800  }
0x44: {  	[spmem:s13] =	stream.linear.scatter [tilespmem:s7], [sflag:$0x5], $0x2800, $0x38;
	[tilespmem:$0x1ECB0] =	vst v63  }
0x45: {  	_ =	swait.ge [sflag:s6], $0x2800  }
0x46: {  	[sflag:s6] =	ssyncset.done $0x0  }
0x47: {  	s19 =	rddreg [dreg:$0x11];
	[sflag:s6] =	ssyncadd.s32 $0xFFFFD800  }
0x48: {  	[spmem:s19] =	stream.linear.scatter [tilespmem:s7], [sflag:$0x5], $0x2800, $0x38;
	[tilespmem:$0x1ECB0] =	vst v63  }
0x49: {  	_ =	swait.ge [sflag:s6], $0x2800  }
0x4a: {  	[sflag:s6] =	ssyncset.done $0x0  }
0x4b: {  	s21 =	rddreg [dreg:$0x12];
	[sflag:s6] =	ssyncadd.s32 $0xFFFFD800  }
0x4c: {  	[spmem:s21] =	stream.linear.scatter [tilespmem:s7], [sflag:$0x5], $0x2800, $0x38;
	[tilespmem:$0x1ECB0] =	vst v63  }
0x4d: {  	_ =	swait.ge [sflag:s6], $0x2800  }
0x4e: {  	[sflag:s6] =	ssyncset.done $0x0  }
0x4f: {  	s4 =	rddreg [dreg:$0x13];
	[sflag:s6] =	ssyncadd.s32 $0xFFFFD800  }
0x50: {  	[spmem:s4] =	stream.linear.scatter [tilespmem:s7], [sflag:$0x5], $0x2800, $0x38;
	[tilespmem:$0x1ECB0] =	vst v63  }
0x51: {  	_ =	swait.ge [sflag:s6], $0x2800  }
0x52: {  	[sflag:s6] =	ssyncset.done $0x0  }
0x53: {  	s5 =	rddreg [dreg:$0x14];
	[sflag:s6] =	ssyncadd.s32 $0xFFFFD800  }
0x54: {  	[spmem:s5] =	stream.linear.scatter [tilespmem:s7], [sflag:$0x5], $0x2800, $0x38;
	[tilespmem:$0x1ECB0] =	vst v63  }
0x55: {  	_ =	swait.ge [sflag:s6], $0x2800  }
0x56: {  	[sflag:s6] =	ssyncset.done $0x0  }
0x57: {  	s8 =	rddreg [dreg:$0x15];
	[sflag:s6] =	ssyncadd.s32 $0xFFFFD800  }
0x58: {  	[spmem:s8] =	stream.linear.scatter [tilespmem:s7], [sflag:$0x5], $0x2800, $0x38;
	[tilespmem:$0x1ECB0] =	vst v63  }
0x59: {  	_ =	swait.ge [sflag:s6], $0x2800  }
0x5a: {  	[sflag:s6] =	ssyncset.done $0x0  }
0x5b: {  	s13 =	rddreg [dreg:$0x16];
	[sflag:s6] =	ssyncadd.s32 $0xFFFFD800  }
0x5c: {  	[spmem:s13] =	stream.linear.scatter [tilespmem:s7], [sflag:$0x5], $0x2800, $0x38;
	[tilespmem:$0x1ECB0] =	vst v63  }
0x5d: {  	_ =	swait.ge [sflag:s6], $0x2800  }
0x5e: {  	[sflag:s6] =	ssyncset.done $0x0  }
0x5f: {  	s3 =	simm.s32 @!p0 $0x18CB0;
	s4 =	rddreg [dreg:$0x17];
	[sflag:s6] =	ssyncadd.s32 $0xFFFFD800  }
0x60: {  	[spmem:s4] =	stream.linear.scatter @!p0 [tilespmem:s3], [sflag:$0x5], $0x2800, $0x38;
	[tilespmem:$0x1ECB0] =	vst v63  }
0x61: {  	s3 =	simm.s32 @!p0 $0x5  }
0x62: {  	_ =	swait.ge @!p0 [sflag:s3], $0x2800  }
0x63: {  	[sflag:s3] =	ssyncset.done @!p0 $0x0  }
0x64: {  	[sflag:s3] =	ssyncadd.s32 @!p0 $0xFFFFD800  }
0x65: {  	s8 =	simm.s32 $0x186B0;
	[bflag:$0x0] =	sbarrier.arrive $0xFFFF  }
0x66: {  	[tilespmem:s8], [sflag:$0x5] =	stream.linear.gather [hbm4b:s2+s15], $0x300, $0x38;
	[tilespmem:$0x1ECB0] =	vst v63  }
0x67: {  	_ =	swait.ge [sflag:s6], $0x300  }
0x68: {  	[sflag:s6] =	ssyncset.done $0x0  }
0x69: {  	[sflag:s6] =	ssyncadd.s32 $0xFFFFFD00  }
0x6a: {  	[tilespmem:s7], [sflag:$0x1] =	stream.indirect.gather [spmem:s10], $0x20, s8, s11, $0xb8;
	[tilespmem:$0x1ECB0] =	vst v63  }
0x6b: {  	s21 =	simm.s32 $0x19CB0;
	s5 =	simm.s32 $0x187B0  }
0x6c: {  	[tilespmem:s21], [sflag:$0x1] =	stream.indirect.gather [spmem:s10], $0x20, s5, s11, $0xb8;
	[tilespmem:$0x1ECB0] =	vst v63  }
0x6d: {  	s13 =	simm.s32 $0x188B0;
	s3 =	sadd.s32 $0xFFFFEC80, s2  }
0x6e: {  	[tilespmem:s16], [sflag:$0x1] =	stream.indirect.gather [spmem:s10], $0x20, s13, s11, $0xb8;
	[tilespmem:$0x1ECB0] =	vst v63  }
0x6f: {  	s19 =	sadd.s32 $0x13E0, s3  }
0x70: {  	[tilespmem:s17], [sflag:$0x5] =	stream.linear.gather [hbm4b:s19+s15], $0x300, $0x38;
	[tilespmem:$0x1ECB0] =	vst v63  }
0x71: {  	_ =	swait.ge [sflag:s6], $0x300  }
0x72: {  	[sflag:s6] =	ssyncset.done $0x0  }
0x73: {  	[sflag:s6] =	ssyncadd.s32 $0xFFFFFD00  }
0x74: {  	[tilespmem:s18], [sflag:$0x2] =	stream.indirect.gather [spmem:s10], $0x20, s17, s11, $0xb8;
	[tilespmem:$0x1ECB0] =	vst v63  }
0x75: {  	_ = 	snop  }
0x76: {  	[tilespmem:s20], [sflag:$0x2] =	stream.indirect.gather [spmem:s10], $0x20, s24, s11, $0xb8;
	[tilespmem:$0x1ECB0] =	vst v63  }
0x77: {  	_ = 	snop  }
0x78: {  	[tilespmem:s22], [sflag:$0x2] =	stream.indirect.gather [spmem:s10], $0x20, s25, s11, $0xb8;
	[tilespmem:$0x1ECB0] =	vst v63  }
0x79: {  	_ =	swait.ge [sflag:s23], $0x1000  }
0x7a: {  	[sflag:s23] =	ssyncset.done $0x0  }
0x7b: {  	[sflag:s23] =	ssyncadd.s32 $0xFFFFF000  }
0x7c: {  	[spmem:s12] =	stream.indirect.scatter.add.bf16 [tilespmem:s7], [sflag:$0x3], $0x20, s26, s11, $0xb8;
	[tilespmem:$0x1ECB0] =	vst v63  }
0x7d: {  	_ =	swait.ge [sflag:s23], $0x1000  }
0x7e: {  	[sflag:s23] =	ssyncset.done $0x0  }
0x7f: {  	[sflag:s23] =	ssyncadd.s32 $0xFFFFF000  }
0x80: {  	[spmem:s12] =	stream.indirect.scatter.add.bf16 [tilespmem:s21], [sflag:$0x3], $0x20, s30, s11, $0xb8;
	[tilespmem:$0x1ECB0] =	vst v63  }
0x81: {  	_ =	swait.ge [sflag:s23], $0x1000  }
0x82: {  	[sflag:s23] =	ssyncset.done $0x0  }
0x83: {  	[sflag:s23] =	ssyncadd.s32 $0xFFFFF000  }
0x84: {  	[spmem:s12] =	stream.indirect.scatter.add.bf16 [tilespmem:s16], [sflag:$0x3], $0x20, s31, s11, $0xb8;
	[tilespmem:$0x1ECB0] =	vst v63  }
0x85: {  	_ =	swait.ge [sflag:s28], $0x1000  }
0x86: {  	[sflag:s28] =	ssyncset.done $0x0  }
0x87: {  	[sflag:s28] =	ssyncadd.s32 $0xFFFFF000  }
0x88: {  	_ =	swait.ge [sflag:s28], $0x1000  }
0x89: {  	[sflag:s28] =	ssyncset.done $0x0  }
0x8a: {  	[sflag:s28] =	ssyncadd.s32 $0xFFFFF000  }
0x8b: {  	_ =	swait.ge [sflag:s28], $0x1000  }
0x8c: {  	[sflag:s28] =	ssyncset.done $0x0  }
0x8d: {  	s3 =	sadd.s32 $0x1440, s3;
	[sflag:s28] =	ssyncadd.s32 $0xFFFFF000  }
0x8e: {  	[tilespmem:s8], [sflag:$0x5] =	stream.linear.gather [hbm4b:s3+s15], $0x300, $0x38;
	[tilespmem:$0x1ECB0] =	vst v63  }
0x8f: {  	_ =	swait.ge [sflag:s6], $0x300  }
0x90: {  	[sflag:s6] =	ssyncset.done $0x0  }
0x91: {  	[sflag:s6] =	ssyncadd.s32 $0xFFFFFD00  }
0x92: {  	[tilespmem:s7], [sflag:$0x1] =	stream.indirect.gather [spmem:s10], $0x20, s8, s11, $0xb8;
	[tilespmem:$0x1ECB0] =	vst v63  }
0x93: {  	_ = 	snop  }
0x94: {  	[tilespmem:s21], [sflag:$0x1] =	stream.indirect.gather [spmem:s10], $0x20, s5, s11, $0xb8;
	[tilespmem:$0x1ECB0] =	vst v63  }
0x95: {  	_ = 	snop  }
0x96: {  	[tilespmem:s16], [sflag:$0x1] =	stream.indirect.gather [spmem:s10], $0x20, s13, s11, $0xb8;
	[tilespmem:$0x1ECB0] =	vst v63  }
0x97: {  	_ =	swait.ge [sflag:s29], $0x1000  }
0x98: {  	[sflag:s29] =	ssyncset.done $0x0  }
0x99: {  	[sflag:s29] =	ssyncadd.s32 $0xFFFFF000  }
0x9a: {  	[spmem:s12] =	stream.indirect.scatter.add.bf16 [tilespmem:s18], [sflag:$0x4], $0x20, s9, s11, $0xb8;
	[tilespmem:$0x1ECB0] =	vst v63  }
0x9b: {  	_ =	swait.ge [sflag:s29], $0x1000  }
0x9c: {  	[sflag:s29] =	ssyncset.done $0x0  }
0x9d: {  	[sflag:s29] =	ssyncadd.s32 $0xFFFFF000  }
0x9e: {  	[spmem:s12] =	stream.indirect.scatter.add.bf16 [tilespmem:s20], [sflag:$0x4], $0x20, s1, s11, $0xb8;
	[tilespmem:$0x1ECB0] =	vst v63  }
0x9f: {  	_ =	swait.ge [sflag:s29], $0x1000  }
0xa0: {  	[sflag:s29] =	ssyncset.done $0x0  }
0xa1: {  	[sflag:s29] =	ssyncadd.s32 $0xFFFFF000  }
0xa2: {  	[spmem:s12] =	stream.indirect.scatter.add.bf16 [tilespmem:s22], [sflag:$0x4], $0x20, s14, s11, $0xb8;
	[tilespmem:$0x1ECB0] =	vst v63  }
0xa3: {  	_ =	swait.ge [sflag:s0], $0x1000  }
0xa4: {  	[sflag:s0] =	ssyncset.done $0x0  }
0xa5: {  	[sflag:s0] =	ssyncadd.s32 $0xFFFFF000  }
0xa6: {  	_ =	swait.ge [sflag:s0], $0x1000  }
0xa7: {  	[sflag:s0] =	ssyncset.done $0x0  }
0xa8: {  	[sflag:s0] =	ssyncadd.s32 $0xFFFFF000  }
0xa9: {  	s4 =	simm.s32 $0xFFFFEE00;
	s19 =	simm.s32 $0x187B0;
	_ =	swait.ge [sflag:s0], $0x1000  }
0xaa: {  	s3 =	sadd.s32 $0xFFFFED40, s2;
	s21 =	simm.s32 $0x188B0;
	[sflag:s0] =	ssyncset.done $0x0  }
.LBB2_2:
0xab: {  	s15 =	sadd.s32 $0x13E0, s3;
	[sflag:s0] =	ssyncadd.s32 $0xFFFFF000  }
0xac: {  	s5 =	smov.u32 s4;
	s13 =	sadd.s32 $0xC0, s4;
	s8 =	simm.s32 $0x0  }
0xad: {  	[tilespmem:s17], [sflag:$0x5] =	stream.linear.gather [hbm4b:s15+s8], $0x300, $0x38;
	[tilespmem:$0x1ECB0] =	vst v63  }
0xae: {  	p1 =	sne.s32 s4, $0xFFFFFF40;
	_ =	swait.ge [sflag:s6], $0x300  }
0xaf: {  	[sflag:s6] =	ssyncset.done $0x0  }
0xb0: {  	[sflag:s6] =	ssyncadd.s32 $0xFFFFFD00  }
0xb1: {  	[tilespmem:s18], [sflag:$0x2] =	stream.indirect.gather [spmem:s10], $0x20, s17, s11, $0xb8;
	[tilespmem:$0x1ECB0] =	vst v63  }
0xb2: {  	_ = 	snop  }
0xb3: {  	[tilespmem:s20], [sflag:$0x2] =	stream.indirect.gather [spmem:s10], $0x20, s24, s11, $0xb8;
	[tilespmem:$0x1ECB0] =	vst v63  }
0xb4: {  	_ = 	snop  }
0xb5: {  	[tilespmem:s22], [sflag:$0x2] =	stream.indirect.gather [spmem:s10], $0x20, s25, s11, $0xb8;
	[tilespmem:$0x1ECB0] =	vst v63  }
0xb6: {  	_ =	swait.ge [sflag:s23], $0x1000  }
0xb7: {  	[sflag:s23] =	ssyncset.done $0x0  }
0xb8: {  	[sflag:s23] =	ssyncadd.s32 $0xFFFFF000  }
0xb9: {  	[spmem:s12] =	stream.indirect.scatter.add.bf16 [tilespmem:s7], [sflag:$0x3], $0x20, s26, s11, $0xb8;
	[tilespmem:$0x1ECB0] =	vst v63  }
0xba: {  	_ =	swait.ge [sflag:s23], $0x1000  }
0xbb: {  	[sflag:s23] =	ssyncset.done $0x0  }
0xbc: {  	s15 =	simm.s32 $0x19CB0;
	[sflag:s23] =	ssyncadd.s32 $0xFFFFF000  }
0xbd: {  	[spmem:s12] =	stream.indirect.scatter.add.bf16 [tilespmem:s15], [sflag:$0x3], $0x20, s30, s11, $0xb8;
	[tilespmem:$0x1ECB0] =	vst v63  }
0xbe: {  	_ =	swait.ge [sflag:s23], $0x1000  }
0xbf: {  	[sflag:s23] =	ssyncset.done $0x0  }
0xc0: {  	[sflag:s23] =	ssyncadd.s32 $0xFFFFF000  }
0xc1: {  	[spmem:s12] =	stream.indirect.scatter.add.bf16 [tilespmem:s16], [sflag:$0x3], $0x20, s31, s11, $0xb8;
	[tilespmem:$0x1ECB0] =	vst v63  }
0xc2: {  	_ =	swait.ge [sflag:s28], $0x1000  }
0xc3: {  	[sflag:s28] =	ssyncset.done $0x0  }
0xc4: {  	[sflag:s28] =	ssyncadd.s32 $0xFFFFF000  }
0xc5: {  	_ =	swait.ge [sflag:s28], $0x1000  }
0xc6: {  	[sflag:s28] =	ssyncset.done $0x0  }
0xc7: {  	[sflag:s28] =	ssyncadd.s32 $0xFFFFF000  }
0xc8: {  	_ =	swait.ge [sflag:s28], $0x1000  }
0xc9: {  	[sflag:s28] =	ssyncset.done $0x0  }
0xca: {  	s3 =	sadd.s32 $0x1440, s3;
	s4 =	simm.s32 $0x186B0;
	[sflag:s28] =	ssyncadd.s32 $0xFFFFF000  }
0xcb: {  	[tilespmem:s4], [sflag:$0x5] =	stream.linear.gather [hbm4b:s3+s8], $0x300, $0x38;
	[tilespmem:$0x1ECB0] =	vst v63  }
0xcc: {  	_ =	swait.ge [sflag:s6], $0x300  }
0xcd: {  	[sflag:s6] =	ssyncset.done $0x0  }
0xce: {  	[sflag:s6] =	ssyncadd.s32 $0xFFFFFD00  }
0xcf: {  	[tilespmem:s7], [sflag:$0x1] =	stream.indirect.gather [spmem:s10], $0x20, s4, s11, $0xb8;
	[tilespmem:$0x1ECB0] =	vst v63  }
0xd0: {  	_ = 	snop  }
0xd1: {  	[tilespmem:s15], [sflag:$0x1] =	stream.indirect.gather [spmem:s10], $0x20, s19, s11, $0xb8;
	[tilespmem:$0x1ECB0] =	vst v63  }
0xd2: {  	_ = 	snop  }
0xd3: {  	[tilespmem:s16], [sflag:$0x1] =	stream.indirect.gather [spmem:s10], $0x20, s21, s11, $0xb8;
	[tilespmem:$0x1ECB0] =	vst v63  }
0xd4: {  	_ =	swait.ge [sflag:s29], $0x1000  }
0xd5: {  	[sflag:s29] =	ssyncset.done $0x0  }
0xd6: {  	[sflag:s29] =	ssyncadd.s32 $0xFFFFF000  }
0xd7: {  	[spmem:s12] =	stream.indirect.scatter.add.bf16 [tilespmem:s18], [sflag:$0x4], $0x20, s9, s11, $0xb8;
	[tilespmem:$0x1ECB0] =	vst v63  }
0xd8: {  	_ =	swait.ge [sflag:s29], $0x1000  }
0xd9: {  	[sflag:s29] =	ssyncset.done $0x0  }
0xda: {  	[sflag:s29] =	ssyncadd.s32 $0xFFFFF000  }
0xdb: {  	[spmem:s12] =	stream.indirect.scatter.add.bf16 [tilespmem:s20], [sflag:$0x4], $0x20, s1, s11, $0xb8;
	[tilespmem:$0x1ECB0] =	vst v63  }
0xdc: {  	_ =	swait.ge [sflag:s29], $0x1000  }
0xdd: {  	[sflag:s29] =	ssyncset.done $0x0  }
0xde: {  	[sflag:s29] =	ssyncadd.s32 $0xFFFFF000  }
0xdf: {  	[spmem:s12] =	stream.indirect.scatter.add.bf16 [tilespmem:s22], [sflag:$0x4], $0x20, s14, s11, $0xb8;
	[tilespmem:$0x1ECB0] =	vst v63  }
0xe0: {  	_ =	swait.ge [sflag:s0], $0x1000  }
0xe1: {  	[sflag:s0] =	ssyncset.done $0x0  }
0xe2: {  	[sflag:s0] =	ssyncadd.s32 $0xFFFFF000  }
.Ltmp0:
0xe3: {  	_ =	swait.ge [sflag:s0], $0x1000;
	(pc) =	sbr.rel @p1 .LBB2_2-.Ltmp0, $4  }
0xe4: {  	[sflag:s0] =	ssyncset.done $0x0  }
0xe5: {  	[sflag:s0] =	ssyncadd.s32 $0xFFFFF000  }
0xe6: {  	_ =	swait.ge [sflag:s0], $0x1000  }
0xe7: {  	s3 =	sadd.s32 s5, s2;
	s4 =	smov.u32 s13;
	[sflag:s0] =	ssyncset.done $0x0  }
0xe8: {  	s4 =	sadd.s32 $0x13E0, s3;
	[sflag:s0] =	ssyncadd.s32 $0xFFFFF000;
	s5 =	simm.s32 $0x0  }
0xe9: {  	[tilespmem:s17], [sflag:$0x5] =	stream.linear.gather [hbm4b:s4+s5], $0x300, $0x38;
	[tilespmem:$0x1ECB0] =	vst v63  }
0xea: {  	_ =	swait.ge [sflag:s6], $0x300  }
0xeb: {  	[sflag:s6] =	ssyncset.done $0x0  }
0xec: {  	[sflag:s6] =	ssyncadd.s32 $0xFFFFFD00  }
0xed: {  	[tilespmem:s18], [sflag:$0x2] =	stream.indirect.gather [spmem:s10], $0x20, s17, s11, $0xb8;
	[tilespmem:$0x1ECB0] =	vst v63  }
0xee: {  	s4 =	simm.s32 $0x18AB0  }
0xef: {  	[tilespmem:s20], [sflag:$0x2] =	stream.indirect.gather [spmem:s10], $0x20, s4, s11, $0xb8;
	[tilespmem:$0x1ECB0] =	vst v63  }
0xf0: {  	s1 =	simm.s32 $0x18BB0  }
0xf1: {  	[tilespmem:s22], [sflag:$0x2] =	stream.indirect.gather [spmem:s10], $0x20, s1, s11, $0xb8;
	[tilespmem:$0x1ECB0] =	vst v63  }
0xf2: {  	_ =	swait.ge [sflag:s23], $0x1000  }
0xf3: {  	[sflag:s23] =	ssyncset.done $0x0  }
0xf4: {  	s13 =	simm.s32 $0x18730;
	[sflag:s23] =	ssyncadd.s32 $0xFFFFF000  }
0xf5: {  	[spmem:s12] =	stream.indirect.scatter.add.bf16 [tilespmem:s7], [sflag:$0x3], $0x20, s13, s11, $0xb8;
	[tilespmem:$0x1ECB0] =	vst v63  }
0xf6: {  	_ =	swait.ge [sflag:s23], $0x1000  }
0xf7: {  	[sflag:s23] =	ssyncset.done $0x0  }
0xf8: {  	s15 =	simm.s32 $0x18830;
	s9 =	simm.s32 $0x19CB0;
	[sflag:s23] =	ssyncadd.s32 $0xFFFFF000  }
0xf9: {  	[spmem:s12] =	stream.indirect.scatter.add.bf16 [tilespmem:s9], [sflag:$0x3], $0x20, s15, s11, $0xb8;
	[tilespmem:$0x1ECB0] =	vst v63  }
0xfa: {  	_ =	swait.ge [sflag:s23], $0x1000  }
0xfb: {  	[sflag:s23] =	ssyncset.done $0x0  }
0xfc: {  	s14 =	simm.s32 $0x18930;
	[sflag:s23] =	ssyncadd.s32 $0xFFFFF000  }
0xfd: {  	[spmem:s12] =	stream.indirect.scatter.add.bf16 [tilespmem:s16], [sflag:$0x3], $0x20, s14, s11, $0xb8;
	[tilespmem:$0x1ECB0] =	vst v63  }
0xfe: {  	_ =	swait.ge [sflag:s28], $0x1000  }
0xff: {  	[sflag:s28] =	ssyncset.done $0x0  }
0x100: {  	[sflag:s28] =	ssyncadd.s32 $0xFFFFF000  }
0x101: {  	_ =	swait.ge [sflag:s28], $0x1000  }
0x102: {  	[sflag:s28] =	ssyncset.done $0x0  }
0x103: {  	[sflag:s28] =	ssyncadd.s32 $0xFFFFF000  }
0x104: {  	_ =	swait.ge [sflag:s28], $0x1000  }
0x105: {  	[sflag:s28] =	ssyncset.done $0x0  }
0x106: {  	s25 =	sadd.s32 $0x1440, s3;
	s8 =	simm.s32 $0x186B0;
	[sflag:s28] =	ssyncadd.s32 $0xFFFFF000  }
0x107: {  	[tilespmem:s8], [sflag:$0x5] =	stream.linear.gather [hbm4b:s25+s5], $0x300, $0x38;
	[tilespmem:$0x1ECB0] =	vst v63  }
0x108: {  	_ =	swait.ge [sflag:s6], $0x300  }
0x109: {  	[sflag:s6] =	ssyncset.done $0x0  }
0x10a: {  	[sflag:s6] =	ssyncadd.s32 $0xFFFFFD00  }
0x10b: {  	[tilespmem:s7], [sflag:$0x1] =	stream.indirect.gather [spmem:s10], $0x20, s8, s11, $0xb8;
	[tilespmem:$0x1ECB0] =	vst v63  }
0x10c: {  	_ = 	snop  }
0x10d: {  	[tilespmem:s9], [sflag:$0x1] =	stream.indirect.gather [spmem:s10], $0x20, s19, s11, $0xb8;
	[tilespmem:$0x1ECB0] =	vst v63  }
0x10e: {  	_ = 	snop  }
0x10f: {  	[tilespmem:s16], [sflag:$0x1] =	stream.indirect.gather [spmem:s10], $0x20, s21, s11, $0xb8;
	[tilespmem:$0x1ECB0] =	vst v63  }
0x110: {  	_ =	swait.ge [sflag:s29], $0x1000  }
0x111: {  	[sflag:s29] =	ssyncset.done $0x0  }
0x112: {  	s19 =	simm.s32 $0x18A30;
	[sflag:s29] =	ssyncadd.s32 $0xFFFFF000  }
0x113: {  	[spmem:s12] =	stream.indirect.scatter.add.bf16 [tilespmem:s18], [sflag:$0x4], $0x20, s19, s11, $0xb8;
	[tilespmem:$0x1ECB0] =	vst v63  }
0x114: {  	_ =	swait.ge [sflag:s29], $0x1000  }
0x115: {  	[sflag:s29] =	ssyncset.done $0x0  }
0x116: {  	s21 =	simm.s32 $0x18B30;
	[sflag:s29] =	ssyncadd.s32 $0xFFFFF000  }
0x117: {  	[spmem:s12] =	stream.indirect.scatter.add.bf16 [tilespmem:s20], [sflag:$0x4], $0x20, s21, s11, $0xb8;
	[tilespmem:$0x1ECB0] =	vst v63  }
0x118: {  	_ =	swait.ge [sflag:s29], $0x1000  }
0x119: {  	[sflag:s29] =	ssyncset.done $0x0  }
0x11a: {  	s8 =	simm.s32 $0x18C30;
	[sflag:s29] =	ssyncadd.s32 $0xFFFFF000  }
0x11b: {  	[spmem:s12] =	stream.indirect.scatter.add.bf16 [tilespmem:s22], [sflag:$0x4], $0x20, s8, s11, $0xb8;
	[tilespmem:$0x1ECB0] =	vst v63  }
0x11c: {  	_ =	swait.ge [sflag:s0], $0x1000  }
0x11d: {  	[sflag:s0] =	ssyncset.done $0x0  }
0x11e: {  	[sflag:s0] =	ssyncadd.s32 $0xFFFFF000  }
0x11f: {  	_ =	swait.ge [sflag:s0], $0x1000  }
0x120: {  	[sflag:s0] =	ssyncset.done $0x0  }
0x121: {  	[sflag:s0] =	ssyncadd.s32 $0xFFFFF000  }
0x122: {  	_ =	swait.ge [sflag:s0], $0x1000  }
0x123: {  	s26 =	sld [smem:$0x7FD]  }
0x124: {  	[sflag:s0] =	ssyncset.done $0x0  }
0x125: {  	[sflag:s0] =	ssyncadd.s32 $0xFFFFF000  }
0x126: {  	[tilespmem:s17], [sflag:$0x5] =	stream.linear.gather [hbm4b:s26+s5], $0x300, $0x38;
	[tilespmem:$0x1ECB0] =	vst v63  }
0x127: {  	_ =	swait.ge [sflag:s6], $0x300  }
0x128: {  	[sflag:s6] =	ssyncset.done $0x0  }
0x129: {  	[sflag:s6] =	ssyncadd.s32 $0xFFFFFD00  }
0x12a: {  	[tilespmem:s18], [sflag:$0x2] =	stream.indirect.gather [spmem:s10], $0x20, s17, s11, $0xb8;
	[tilespmem:$0x1ECB0] =	vst v63  }
0x12b: {  	_ = 	snop  }
0x12c: {  	[tilespmem:s20], [sflag:$0x2] =	stream.indirect.gather [spmem:s10], $0x20, s4, s11, $0xb8;
	[tilespmem:$0x1ECB0] =	vst v63  }
0x12d: {  	_ = 	snop  }
0x12e: {  	[tilespmem:s22], [sflag:$0x2] =	stream.indirect.gather [spmem:s10], $0x20, s1, s11, $0xb8;
	[tilespmem:$0x1ECB0] =	vst v63  }
0x12f: {  	_ =	swait.ge [sflag:s23], $0x1000  }
0x130: {  	[sflag:s23] =	ssyncset.done $0x0  }
0x131: {  	[sflag:s23] =	ssyncadd.s32 $0xFFFFF000  }
0x132: {  	[spmem:s12] =	stream.indirect.scatter.add.bf16 [tilespmem:s7], [sflag:$0x3], $0x20, s13, s11, $0xb8;
	[tilespmem:$0x1ECB0] =	vst v63  }
0x133: {  	_ =	swait.ge [sflag:s23], $0x1000  }
0x134: {  	[sflag:s23] =	ssyncset.done $0x0  }
0x135: {  	[sflag:s23] =	ssyncadd.s32 $0xFFFFF000  }
0x136: {  	[spmem:s12] =	stream.indirect.scatter.add.bf16 [tilespmem:s9], [sflag:$0x3], $0x20, s15, s11, $0xb8;
	[tilespmem:$0x1ECB0] =	vst v63  }
0x137: {  	_ =	swait.ge [sflag:s23], $0x1000  }
0x138: {  	[sflag:s23] =	ssyncset.done $0x0  }
0x139: {  	[sflag:s23] =	ssyncadd.s32 $0xFFFFF000  }
0x13a: {  	[spmem:s12] =	stream.indirect.scatter.add.bf16 [tilespmem:s16], [sflag:$0x3], $0x20, s14, s11, $0xb8;
	[tilespmem:$0x1ECB0] =	vst v63  }
0x13b: {  	_ =	swait.ge [sflag:s28], $0x1000  }
0x13c: {  	[sflag:s28] =	ssyncset.done $0x0  }
0x13d: {  	[sflag:s28] =	ssyncadd.s32 $0xFFFFF000  }
0x13e: {  	_ =	swait.ge [sflag:s28], $0x1000  }
0x13f: {  	[sflag:s28] =	ssyncset.done $0x0  }
0x140: {  	[sflag:s28] =	ssyncadd.s32 $0xFFFFF000  }
0x141: {  	_ =	swait.ge [sflag:s28], $0x1000  }
0x142: {  	[sflag:s28] =	ssyncset.done $0x0  }
0x143: {  	[sflag:s28] =	ssyncadd.s32 $0xFFFFF000  }
0x144: {  	_ =	swait.ge [sflag:s29], $0x1000  }
0x145: {  	[sflag:s29] =	ssyncset.done $0x0  }
0x146: {  	[sflag:s29] =	ssyncadd.s32 $0xFFFFF000  }
0x147: {  	[spmem:s12] =	stream.indirect.scatter.add.bf16 [tilespmem:s18], [sflag:$0x4], $0x20, s19, s11, $0xb8;
	[tilespmem:$0x1ECB0] =	vst v63  }
0x148: {  	_ =	swait.ge [sflag:s29], $0x1000  }
0x149: {  	[sflag:s29] =	ssyncset.done $0x0  }
0x14a: {  	[sflag:s29] =	ssyncadd.s32 $0xFFFFF000  }
0x14b: {  	[spmem:s12] =	stream.indirect.scatter.add.bf16 [tilespmem:s20], [sflag:$0x4], $0x20, s21, s11, $0xb8;
	[tilespmem:$0x1ECB0] =	vst v63  }
0x14c: {  	_ =	swait.ge [sflag:s29], $0x1000  }
0x14d: {  	[sflag:s29] =	ssyncset.done $0x0  }
0x14e: {  	[sflag:s29] =	ssyncadd.s32 $0xFFFFF000  }
0x14f: {  	[spmem:s12] =	stream.indirect.scatter.add.bf16 [tilespmem:s22], [sflag:$0x4], $0x20, s8, s11, $0xb8;
	[tilespmem:$0x1ECB0] =	vst v63  }
0x150: {  	_ =	swait.ge [sflag:s0], $0x1000  }
0x151: {  	[sflag:s0] =	ssyncset.done $0x0  }
0x152: {  	[sflag:s0] =	ssyncadd.s32 $0xFFFFF000  }
0x153: {  	_ =	swait.ge [sflag:s0], $0x1000  }
0x154: {  	[sflag:s0] =	ssyncset.done $0x0  }
0x155: {  	[sflag:s0] =	ssyncadd.s32 $0xFFFFF000  }
0x156: {  	_ =	swait.ge [sflag:s0], $0x1000  }
0x157: {  	[sflag:s0] =	ssyncset.done $0x0  }
0x158: {  	[sflag:s0] =	ssyncadd.s32 $0xFFFFF000  }
0x159: {  	[bflag:$0x0] =	sbarrier.arrive $0xFFFF  }
0x15a: {  	s13 =	rddreg [dreg:$0x18]  }
0x15b: {  	[tilespmem:s7], [sflag:$0x5] =	stream.linear.gather [spmem:s13], $0x2800, $0x38;
	[tilespmem:$0x1ECB0] =	vst v63  }
0x15c: {  	_ =	swait.ge [sflag:s6], $0x2800  }
0x15d: {  	[sflag:s6] =	ssyncset.done $0x0  }
0x15e: {  	s15 =	rddreg [dreg:$0x5];
	[sflag:s6] =	ssyncadd.s32 $0xFFFFD800  }
0x15f: {  	[hbm4b:s15+s5] =	stream.linear.scatter [tilespmem:s7], [sflag:$0x5], $0x2800, $0x38;
	[tilespmem:$0x1ECB0] =	vst v63  }
0x160: {  	_ =	swait.ge [sflag:s6], $0x2800  }
0x161: {  	[sflag:s6] =	ssyncset.done $0x0  }
0x162: {  	s19 =	rddreg [dreg:$0x19];
	[sflag:s6] =	ssyncadd.s32 $0xFFFFD800  }
0x163: {  	[tilespmem:s7], [sflag:$0x5] =	stream.linear.gather [spmem:s19], $0x2800, $0x38;
	[tilespmem:$0x1ECB0] =	vst v63  }
0x164: {  	_ =	swait.ge [sflag:s6], $0x2800  }
0x165: {  	[sflag:s6] =	ssyncset.done $0x0  }
0x166: {  	s21 =	rddreg [dreg:$0x6];
	[sflag:s6] =	ssyncadd.s32 $0xFFFFD800  }
0x167: {  	[hbm4b:s21+s5] =	stream.linear.scatter [tilespmem:s7], [sflag:$0x5], $0x2800, $0x38;
	[tilespmem:$0x1ECB0] =	vst v63  }
0x168: {  	_ =	swait.ge [sflag:s6], $0x2800  }
0x169: {  	[sflag:s6] =	ssyncset.done $0x0  }
0x16a: {  	s4 =	rddreg [dreg:$0x1a];
	[sflag:s6] =	ssyncadd.s32 $0xFFFFD800  }
0x16b: {  	[tilespmem:s7], [sflag:$0x5] =	stream.linear.gather [spmem:s4], $0x2800, $0x38;
	[tilespmem:$0x1ECB0] =	vst v63  }
0x16c: {  	_ =	swait.ge [sflag:s6], $0x2800  }
0x16d: {  	[sflag:s6] =	ssyncset.done $0x0  }
0x16e: {  	s8 =	rddreg [dreg:$0x7];
	[sflag:s6] =	ssyncadd.s32 $0xFFFFD800  }
0x16f: {  	[hbm4b:s8+s5] =	stream.linear.scatter [tilespmem:s7], [sflag:$0x5], $0x2800, $0x38;
	[tilespmem:$0x1ECB0] =	vst v63  }
0x170: {  	_ =	swait.ge [sflag:s6], $0x2800  }
0x171: {  	[sflag:s6] =	ssyncset.done $0x0  }
0x172: {  	s13 =	rddreg [dreg:$0x1b];
	[sflag:s6] =	ssyncadd.s32 $0xFFFFD800  }
0x173: {  	[tilespmem:s7], [sflag:$0x5] =	stream.linear.gather [spmem:s13], $0x2800, $0x38;
	[tilespmem:$0x1ECB0] =	vst v63  }
0x174: {  	_ =	swait.ge [sflag:s6], $0x2800  }
0x175: {  	[sflag:s6] =	ssyncset.done $0x0  }
0x176: {  	s15 =	rddreg [dreg:$0x8];
	[sflag:s6] =	ssyncadd.s32 $0xFFFFD800  }
0x177: {  	[hbm4b:s15+s5] =	stream.linear.scatter [tilespmem:s7], [sflag:$0x5], $0x2800, $0x38;
	[tilespmem:$0x1ECB0] =	vst v63  }
0x178: {  	_ =	swait.ge [sflag:s6], $0x2800  }
0x179: {  	[sflag:s6] =	ssyncset.done $0x0  }
0x17a: {  	s19 =	rddreg [dreg:$0x1c];
	[sflag:s6] =	ssyncadd.s32 $0xFFFFD800  }
0x17b: {  	[tilespmem:s7], [sflag:$0x5] =	stream.linear.gather [spmem:s19], $0x2800, $0x38;
	[tilespmem:$0x1ECB0] =	vst v63  }
0x17c: {  	_ =	swait.ge [sflag:s6], $0x2800  }
0x17d: {  	[sflag:s6] =	ssyncset.done $0x0  }
0x17e: {  	s21 =	rddreg [dreg:$0x9];
	[sflag:s6] =	ssyncadd.s32 $0xFFFFD800  }
0x17f: {  	[hbm4b:s21+s5] =	stream.linear.scatter [tilespmem:s7], [sflag:$0x5], $0x2800, $0x38;
	[tilespmem:$0x1ECB0] =	vst v63  }
0x180: {  	_ =	swait.ge [sflag:s6], $0x2800  }
0x181: {  	[sflag:s6] =	ssyncset.done $0x0  }
0x182: {  	s4 =	rddreg [dreg:$0x1d];
	[sflag:s6] =	ssyncadd.s32 $0xFFFFD800  }
0x183: {  	[tilespmem:s7], [sflag:$0x5] =	stream.linear.gather [spmem:s4], $0x2800, $0x38;
	[tilespmem:$0x1ECB0] =	vst v63  }
0x184: {  	_ =	swait.ge [sflag:s6], $0x2800  }
0x185: {  	[sflag:s6] =	ssyncset.done $0x0  }
0x186: {  	s8 =	rddreg [dreg:$0xa];
	[sflag:s6] =	ssyncadd.s32 $0xFFFFD800  }
0x187: {  	[hbm4b:s8+s5] =	stream.linear.scatter [tilespmem:s7], [sflag:$0x5], $0x2800, $0x38;
	[tilespmem:$0x1ECB0] =	vst v63  }
0x188: {  	_ =	swait.ge [sflag:s6], $0x2800  }
0x189: {  	[sflag:s6] =	ssyncset.done $0x0  }
0x18a: {  	s13 =	rddreg [dreg:$0x1e];
	[sflag:s6] =	ssyncadd.s32 $0xFFFFD800  }
0x18b: {  	[tilespmem:s7], [sflag:$0x5] =	stream.linear.gather [spmem:s13], $0x2800, $0x38;
	[tilespmem:$0x1ECB0] =	vst v63  }
0x18c: {  	_ =	swait.ge [sflag:s6], $0x2800  }
0x18d: {  	[sflag:s6] =	ssyncset.done $0x0  }
0x18e: {  	s15 =	rddreg [dreg:$0xb];
	[sflag:s6] =	ssyncadd.s32 $0xFFFFD800  }
0x18f: {  	[hbm4b:s15+s5] =	stream.linear.scatter [tilespmem:s7], [sflag:$0x5], $0x2800, $0x38;
	[tilespmem:$0x1ECB0] =	vst v63  }
0x190: {  	_ =	swait.ge [sflag:s6], $0x2800  }
0x191: {  	[sflag:s6] =	ssyncset.done $0x0  }
0x192: {  	s3 =	simm.s32 @!p0 $0x18CB0;
	s4 =	rddreg [dreg:$0x1f];
	[sflag:s6] =	ssyncadd.s32 $0xFFFFD800  }
0x193: {  	[tilespmem:s3], [sflag:$0x5] =	stream.linear.gather @!p0 [spmem:s4], $0x2800, $0x38;
	[tilespmem:$0x1ECB0] =	vst v63  }
0x194: {  	s4 =	simm.s32 @!p0 $0x5  }
0x195: {  	_ =	swait.ge @!p0 [sflag:s4], $0x2800  }
0x196: {  	[sflag:s4] =	ssyncset.done @!p0 $0x0  }
0x197: {  	s5 =	simm.s32 @!p0 $0x0;
	s13 =	rddreg [dreg:$0xc];
	[sflag:s4] =	ssyncadd.s32 @!p0 $0xFFFFD800  }
0x198: {  	[hbm4b:s13+s5] =	stream.linear.scatter @!p0 [tilespmem:s3], [sflag:$0x5], $0x2800, $0x38;
	[tilespmem:$0x1ECB0] =	vst v63  }
0x199: {  	_ =	swait.ge @!p0 [sflag:s4], $0x2800  }
0x19a: {  	s19 =	sld [smem:$0x7FA]  }
0x19b: {  	s21 =	sld [smem:$0x7FB];
	_ =	sdelay $0x1  }
0x19c: {  	s5 =	sadd.s32 $0x1, s19  }
0x19d: {  	p1 =	sne.s32 s5, s21  }
.Ltmp1:
0x19e: {  	_ = 	snop;
	(pc) =	sbr.rel @p1 .LBB2_1-.Ltmp1, $4  }
0x19f: {  	s24 =	simm.s32 $0x18AB0  }
0x1a0: {  	s30 =	simm.s32 $0x18830;
	s31 =	simm.s32 $0x18930;
	s25 =	simm.s32 $0x18BB0  }
0x1a1: {  	s26 =	simm.s32 $0x18730;
	s1 =	simm.s32 $0x18B30;
	[sflag:s4] =	ssyncset.done @!p0 $0x0  }
0x1a2: {  	s9 =	simm.s32 $0x18A30;
	s14 =	simm.s32 $0x18C30;
	[sflag:s4] =	ssyncadd.s32 @!p0 $0xFFFFD800  }
0x1a3: {  	_ =	sfence.sel $0x180000  }
0x1a4: {  	[bflag:$0x0] =	sbarrier.arrive $0xFFFF  }
0x1a5: {  	_ =	strace $0x90000047  }
0x1a6: {  	s0 =	stileid.u32;
	[bflag:$0x2] =	sbarrier.arrive $0xFFFF  }
0x1a7: {  	p0 =	sne.s32 s0, $0x0;
	s0 =	rddreg [dreg:$0x4]  }
0x1a8: {  	s0 =	sadd.s32 @!p0 $0x100000, s0  }
0x1a9: {  	[sflag:s0] =	ssyncadd.tile.s32 @!p0 $0x1;
	_ =	shalt  }
.Lfunc_end2:
_tile_overlayer_lowered:
.L_overlay_start_2:
0x1aa: {  	(tag) =	ssettag $0x2  }
0x1ab: {  	s0 =	rddreg [dreg:$0x0];
	s2 =	stileid.u32  }
0x1ac: {  	s1 =	rddreg [dreg:$0x1];
	p0 =	sne.s32 s2, $0x0  }
0x1ad: {  	s3 =	rddreg [dreg:$0x2];
	[bflag:$0x3] =	sbarrier.arrive $0xFFFF;
	s2 =	simm.s32 @!p0 $0x1C05  }
0x1ae: {  	[timem:s3], [sflag:s2] =	dma.local @!p0 [hbm:s0], s1  }
0x1af: {  	s0 =	simm.s32 @!p0 $0x5  }
0x1b0: {  	_ =	swait.ge @!p0 [sflag:s0], s1  }
0x1b1: {  	s1 =	ssub.s32 @!p0 $0x0, s1;
	[sflag:s0] =	ssyncset.done @!p0 $0x0  }
0x1b2: {  	[sflag:s0] =	ssyncadd.s32 @!p0 s1  }
0x1b3: {  	[bflag:$0x3] =	sbarrier.arrive $0xFFFF  }
0x1b4: {  	_ =	shalt  }

</sc_bundles>
